<compile_context>
chip_gen: v7x
topology: tpu7x:2x2x1
jax: 0.10.2.dev20260603
libtpu: 0.0.44.dev20260713+nightly
codegen_flags: <defaults>
</compile_context>

<pallas_src>
import functools

import jax
import jax.numpy as jnp
from jax import lax
from jax.experimental import pallas as pl
from jax.experimental.pallas import tpu as pltpu
from jax.experimental.pallas import tpu_sc as plsc

N = 10000
E = 320000
B = 20
NG = 500
D = 128
F1 = 64
F2 = 32
F3 = 16
T = 16
BN = 16

NT = 16
N_PAD = 10240
RPT = N_PAD // NT
CH = 128
EPT = E // NT
NCH = (EPT + CH - 1) // CH
EPT_PAD = NCH * CH

_HI = jax.lax.Precision.HIGHEST


def _dot(a, b):
    return jnp.dot(a, b, precision=_HI, preferred_element_type=jnp.float32)


_SC_MESH = plsc.VectorSubcoreMesh(core_axis_name="c", subcore_axis_name="s")
def _make_segsum_body(f, ch, nch, _NBUF, _LAG):
    def body_fn(u_hbm, srcidx, dstidx, zrows, out, acc_sp, idx_s_v, idx_d_v,
                rows_v, gsem, ssem):
        cid = lax.axis_index("c")
        sid = lax.axis_index("s")
        row0 = sid * RPT
        pltpu.sync_copy(srcidx.at[cid, sid], idx_s_v)
        pltpu.sync_copy(dstidx.at[cid, sid], idx_d_v)
        pltpu.sync_copy(zrows, acc_sp.at[pl.ds(row0, RPT)])

        for b in range(_NBUF):
            pltpu.async_copy(u_hbm.at[idx_s_v.at[b]], rows_v.at[b], gsem)
        plsc.subcore_barrier()

        def _wait_scatter():
            pltpu.make_async_copy(rows_v.at[0], acc_sp.at[idx_d_v.at[0]],
                                  ssem).wait()

        def body(it, carry):
            prv = it - _LAG

            @pl.when(jnp.logical_and(prv >= 0, prv + _NBUF < nch))
            def _():
                _wait_scatter()
                pltpu.async_copy(u_hbm.at[idx_s_v.at[prv + _NBUF]],
                                 rows_v.at[lax.rem(prv, _NBUF)], gsem)

            pltpu.make_async_copy(u_hbm.at[idx_s_v.at[0]],
                                  rows_v.at[lax.rem(it, _NBUF)], gsem).wait()
            pltpu.async_copy(rows_v.at[lax.rem(it, _NBUF)],
                             acc_sp.at[idx_d_v.at[it]], ssem, add=True)
            return carry

        lax.fori_loop(0, nch, body, 0)
        for _ in range(min(_NBUF, nch)):
            _wait_scatter()
        plsc.subcore_barrier()
        pltpu.sync_copy(acc_sp.at[pl.ds(row0, RPT)],
                        out.at[cid, pl.ds(row0, RPT)])

    return body_fn


def _sc_segsum(u, srcidx, dstidx):
    f = u.shape[-1]
    ch = srcidx.shape[-1]
    nch = srcidx.shape[-2]
    nbuf = min(4, max(2, 32768 // (ch * f)))
    lag = nbuf // 2
    fn = functools.partial(
        pl.kernel,
        out_type=jax.ShapeDtypeStruct((2, N_PAD, f), jnp.float32),
        mesh=_SC_MESH,
        scratch_types=[
            pltpu.VMEM_SHARED((N_PAD, f), jnp.float32),
            pltpu.VMEM((nch, ch), jnp.int32),
            pltpu.VMEM((nch, ch), jnp.int32),
            pltpu.VMEM((nbuf, ch, f), jnp.float32),
            pltpu.SemaphoreType.DMA,
            pltpu.SemaphoreType.DMA,
        ],
        compiler_params=pltpu.CompilerParams(use_tc_tiling_on_sc=False),
    )(_make_segsum_body(f, ch, nch, nbuf, lag))
    return fn(u.reshape(2 * N_PAD, f), srcidx, dstidx,
              jnp.zeros((RPT, f), jnp.float32))


_DEG_Q = 8
_DW = 16


def _make_deg_body(nch):
    def body_fn(dstidx, ones_hbm, zrows, out, acc_sp, idx_d_v, ones_v, ssem):
        cid = lax.axis_index("c")
        sid = lax.axis_index("s")
        row0 = sid * RPT
        pltpu.sync_copy(dstidx.at[cid, sid], idx_d_v)
        pltpu.sync_copy(ones_hbm, ones_v)
        pltpu.sync_copy(zrows, acc_sp.at[pl.ds(row0, RPT)])
        plsc.subcore_barrier()

        def _wait_scatter():
            pltpu.make_async_copy(ones_v, acc_sp.at[idx_d_v.at[0]],
                                  ssem).wait()

        def body(it, carry):
            pltpu.async_copy(ones_v, acc_sp.at[idx_d_v.at[it]], ssem,
                             add=True)

            @pl.when(it >= _DEG_Q)
            def _():
                _wait_scatter()

            return carry

        lax.fori_loop(0, nch, body, 0)
        for _ in range(min(_DEG_Q, nch)):
            _wait_scatter()
        plsc.subcore_barrier()
        pltpu.sync_copy(acc_sp.at[pl.ds(row0, RPT)],
                        out.at[cid, pl.ds(row0, RPT)])

    return body_fn


def _sc_deg(dstidx):
    ch = dstidx.shape[-1]
    nch = dstidx.shape[-2]
    fn = functools.partial(
        pl.kernel,
        out_type=jax.ShapeDtypeStruct((2, N_PAD, _DW), jnp.float32),
        mesh=_SC_MESH,
        scratch_types=[
            pltpu.VMEM_SHARED((N_PAD, _DW), jnp.float32),
            pltpu.VMEM((nch, ch), jnp.int32),
            pltpu.VMEM((ch, _DW), jnp.float32),
            pltpu.SemaphoreType.DMA,
        ],
        compiler_params=pltpu.CompilerParams(use_tc_tiling_on_sc=False),
    )(_make_deg_body(nch))
    return fn(dstidx, jnp.ones((ch, _DW), jnp.float32),
              jnp.zeros((RPT, _DW), jnp.float32))


_BR = 2048


def _tc_a_body(deg_ref, x_ref, w_ref, dinv_ref, u_ref):
    dinv = lax.rsqrt(deg_ref[...] + 1.0)
    dinv_ref[...] = dinv
    u_ref[...] = dinv * _dot(x_ref[...], w_ref[...])


def _tc_a(deg, x, W1):
    grid = (2 * N_PAD // _BR,)
    return pl.pallas_call(
        _tc_a_body,
        grid=grid,
        in_specs=[
            pl.BlockSpec((_BR, 1), lambda i: (i, 0)),
            pl.BlockSpec((_BR, D), lambda i: (i, 0)),
            pl.BlockSpec((D, F1), lambda i: (0, 0)),
        ],
        out_specs=[
            pl.BlockSpec((_BR, 1), lambda i: (i, 0)),
            pl.BlockSpec((_BR, F1), lambda i: (i, 0)),
        ],
        out_shape=[
            jax.ShapeDtypeStruct((2 * N_PAD, 1), jnp.float32),
            jax.ShapeDtypeStruct((2 * N_PAD, F1), jnp.float32),
        ],
    )(deg, x, W1)


def _tc_b_body(s_ref, u_ref, dinv_ref, b_ref, w_ref, un_ref):
    dinv = dinv_ref[...]
    a = jax.nn.relu(dinv * (s_ref[...] + u_ref[...]) + b_ref[...])
    un_ref[...] = dinv * _dot(a, w_ref[...])


def _tc_b(s, u, dinv, b, Wn):
    f = u.shape[-1]
    fn = Wn.shape[-1]
    grid = (2 * N_PAD // _BR,)
    return pl.pallas_call(
        _tc_b_body,
        grid=grid,
        in_specs=[
            pl.BlockSpec((_BR, f), lambda i: (i, 0)),
            pl.BlockSpec((_BR, f), lambda i: (i, 0)),
            pl.BlockSpec((_BR, 1), lambda i: (i, 0)),
            pl.BlockSpec((1, f), lambda i: (0, 0)),
            pl.BlockSpec((f, fn), lambda i: (0, 0)),
        ],
        out_specs=pl.BlockSpec((_BR, fn), lambda i: (i, 0)),
        out_shape=jax.ShapeDtypeStruct((2 * N_PAD, fn), jnp.float32),
    )(s, u, dinv, b.reshape(1, f), Wn)


_GB = 8


def _tc_pool_body(s3_ref, u3_ref, dinv_ref, b3_ref, wa_t_ref, pooled_ref):
    feat = dinv_ref[...] * (s3_ref[...] + u3_ref[...]) + b3_ref[...]
    y = _dot(feat, wa_t_ref[...])
    y3 = y.reshape(_GB, NG, F3)
    ctx = jnp.tanh(jnp.sum(y3, axis=1) / NG)
    f3 = feat.reshape(_GB, NG, F3)
    sgn = jax.nn.sigmoid(jnp.sum(f3 * ctx[:, None, :], axis=2))
    pooled_ref[...] = jnp.sum(f3 * sgn[:, :, None], axis=1)


def _tc_pool(s3, u3, dinv, b3, Wa):
    rows = _GB * NG
    grid = (2 * B // _GB,)
    return pl.pallas_call(
        _tc_pool_body,
        grid=grid,
        in_specs=[
            pl.BlockSpec((rows, F3), lambda i: (i, 0)),
            pl.BlockSpec((rows, F3), lambda i: (i, 0)),
            pl.BlockSpec((rows, 1), lambda i: (i, 0)),
            pl.BlockSpec((1, F3), lambda i: (0, 0)),
            pl.BlockSpec((F3, F3), lambda i: (0, 0)),
        ],
        out_specs=pl.BlockSpec((_GB, F3), lambda i: (i, 0)),
        out_shape=jax.ShapeDtypeStruct((2 * B, F3), jnp.float32),
    )(s3, u3, dinv, b3.reshape(1, F3), Wa.T)


def _tc_head_body(pooled_ref, ntnw_ref, ntnv_t_ref, ntnb_ref, fc1w_t_ref,
                  fc1b_ref, fc2w_t_ref, fc2b_ref, out_ref):
    pooled = pooled_ref[...]
    e1 = pooled[:B]
    e2 = pooled[B:]

    bil_cols = []
    for t in range(T):
        m = _dot(e1, ntnw_ref[t])
        bil_cols.append(jnp.sum(m * e2, axis=1, keepdims=True))
    bil = jnp.concatenate(bil_cols, axis=1)
    lin = _dot(jnp.concatenate([e1, e2], axis=1), ntnv_t_ref[...])
    scores = jax.nn.relu(bil + lin + ntnb_ref[...])
    h = jax.nn.relu(_dot(scores, fc1w_t_ref[...]) + fc1b_ref[...])
    out_ref[...] = jax.nn.sigmoid(_dot(h, fc2w_t_ref[...]) + fc2b_ref[...])


def _tc_head(s3, u3, dinv, b3, Wa, ntnW, ntnV, ntn_bias, fc1W, fc1b, fc2W,
             fc2b):
    pooled = _tc_pool(s3, u3, dinv, b3, Wa)
    out = pl.pallas_call(
        _tc_head_body,
        out_shape=jax.ShapeDtypeStruct((B, 1), jnp.float32),
    )(
        pooled,
        ntnW,
        ntnV.T,
        ntn_bias.reshape(1, T),
        fc1W.T,
        fc1b.reshape(1, BN),
        fc2W.T,
        fc2b.reshape(1, 1),
    )
    return out.reshape(B)


def _prep_indices(edge_index_q, edge_index_c, ch):
    nch = (EPT + ch - 1) // ch
    src = jnp.stack([edge_index_q[0], edge_index_c[0]]).reshape(2, NT, EPT)
    dst = jnp.stack([edge_index_q[1], edge_index_c[1]]).reshape(2, NT, EPT)
    npad = nch * ch - EPT
    pad = N + (jnp.arange(npad, dtype=jnp.int32) % (N_PAD - N))
    pad = jnp.broadcast_to(pad, (2, NT, npad))
    src = jnp.concatenate([src, pad], axis=-1).reshape(2, NT, nch, ch)
    dst = jnp.concatenate([dst, pad], axis=-1).reshape(2, NT, nch, ch)
    src = src + (jnp.arange(2, dtype=jnp.int32) * N_PAD)[:, None, None, None]
    return src, dst


def kernel(x_q, edge_index_q, x_c, edge_index_c, W1, b1, W2, b2, W3, b3, Wa,
           ntnW, ntnV, ntn_bias, fc1W, fc1b, fc2W, fc2b):
    xpad = jnp.zeros((2, N_PAD, D), jnp.float32)
    xpad = xpad.at[0, :N].set(x_q).at[1, :N].set(x_c)
    x = xpad.reshape(2 * N_PAD, D)
    idx128 = _prep_indices(edge_index_q, edge_index_c, 128)
    idx256 = _prep_indices(edge_index_q, edge_index_c, 256)
    idx512 = _prep_indices(edge_index_q, edge_index_c, 512)

    deg = _sc_deg(idx512[1])[:, :, :1].reshape(2 * N_PAD, 1)

    def _segsum(u, idx):
        return _sc_segsum(u, *idx).reshape(2 * N_PAD, -1)

    dinv, u1 = _tc_a(deg, x, W1)
    s1 = _segsum(u1, idx128)
    u2 = _tc_b(s1, u1, dinv, b1, W2)
    s2 = _segsum(u2, idx256)
    u3 = _tc_b(s2, u2, dinv, b2, W3)
    s3 = _segsum(u3, idx512)

    def _real(a):
        return a.reshape(2, N_PAD, -1)[:, :N].reshape(2 * N, -1)

    return _tc_head(_real(s3), _real(u3), _real(dinv), b3, Wa, ntnW, ntnV,
                    ntn_bias, fc1W, fc1b, fc2W, fc2b)

# --- scband reference (transcript-rebuilt; emitter-appended) ---
"""Pipeline reference for scband-sim-gnn-76175539962368 (READ-ONLY COPY).

The authoritative reference and input builder live on the scoring server;
editing this copy changes nothing except your own understanding.
"""

import jax, jax.numpy as jnp
import numpy as np

N = 10000
E = 320000
B = 20
NG = 500
D = 128
F1 = 64
F2 = 32
F3 = 16
T = 16
BN = 16


def _gcn_conv(x, src, dst, W, b):
    loop = jnp.arange(N)
    s = jnp.concatenate([src, loop])
    d = jnp.concatenate([dst, loop])
    deg = jnp.zeros((N,), x.dtype).at[d].add(1.0)
    dinv = jax.lax.rsqrt(deg)
    norm = dinv[s] * dinv[d]
    h = x @ W
    out = jnp.zeros((N, W.shape[1]), x.dtype).at[d].add(norm[:, None] * h[s])
    return out + b


def _gnn(x, ei, W1, b1, W2, b2, W3, b3):
    src, dst = ei[0], ei[1]
    h = jax.nn.relu(_gcn_conv(x, src, dst, W1, b1))
    h = jax.nn.relu(_gcn_conv(h, src, dst, W2, b2))
    h = _gcn_conv(h, src, dst, W3, b3)
    return h


def _att_pool(feat, Wa):
    # feat: [B, NG, F3]; all graphs have exactly NG nodes (no padding needed)
    context = jnp.tanh(jnp.sum(feat @ Wa.T, axis=1) / NG)
    sig = jax.nn.sigmoid(jnp.einsum('bnf,bf->bn', feat, context))
    return jnp.einsum('bnf,bn->bf', feat, sig)


def setup_inputs(seed: int = 0):
    key = jax.random.key(seed)
    ks = jax.random.split(key, 20)
    inp = {}
    inp['x_q'] = jax.random.normal(ks[0], (N, D), dtype=jnp.float32)
    inp['edge_index_q'] = jax.random.randint(ks[1], (2, E), 0, N)
    inp['x_c'] = jax.random.normal(ks[2], (N, D), dtype=jnp.float32)
    inp['edge_index_c'] = jax.random.randint(ks[3], (2, E), 0, N)

    def glorot(k, shape):
        fan = shape[-1] + shape[-2] if len(shape) > 1 else shape[0]
        return jax.random.normal(k, shape, dtype=jnp.float32) * jnp.sqrt(2.0 / fan)

    inp['W1'] = glorot(ks[4], (D, F1)); inp['b1'] = jnp.zeros((F1,), jnp.float32)
    inp['W2'] = glorot(ks[5], (F1, F2)); inp['b2'] = jnp.zeros((F2,), jnp.float32)
    inp['W3'] = glorot(ks[6], (F2, F3)); inp['b3'] = jnp.zeros((F3,), jnp.float32)
    inp['Wa'] = glorot(ks[7], (F3, F3))
    inp['ntnW'] = glorot(ks[8], (T, F3, F3))
    inp['ntnV'] = glorot(ks[9], (T, 2 * F3))
    inp['ntn_bias'] = glorot(ks[10], (T, 1)).reshape(T)
    inp['fc1W'] = glorot(ks[11], (BN, T)); inp['fc1b'] = jnp.zeros((BN,), jnp.float32)
    inp['fc2W'] = glorot(ks[12], (1, BN)); inp['fc2b'] = jnp.zeros((1,), jnp.float32)
    return inp


def reference(x_q, edge_index_q, x_c, edge_index_c, W1, b1, W2, b2, W3, b3, Wa, ntnW, ntnV, ntn_bias, fc1W, fc1b, fc2W, fc2b):
    q = _gnn(x_q, edge_index_q, W1, b1, W2, b2, W3, b3).reshape(B, NG, F3)
    c = _gnn(x_c, edge_index_c, W1, b1, W2, b2, W3, b3).reshape(B, NG, F3)
    e1 = _att_pool(q, Wa)
    e2 = _att_pool(c, Wa)
    bil = jnp.einsum('bi,tij,bj->bt', e1, ntnW, e2)
    lin = jnp.concatenate([e1, e2], axis=-1) @ ntnV.T
    scores = jax.nn.relu(bil + lin + ntn_bias)
    h = jax.nn.relu(scores @ fc1W.T + fc1b)
    score = jax.nn.sigmoid(h @ fc2W.T + fc2b)
    return score.squeeze()

if __name__ == "__main__":
    import jax
    _d = setup_inputs()
    print(jax.jit(kernel)(*tuple(_d.values())))

</pallas_src>

<mosaic_0001>
#map = affine_map<(d0, d1) -> (0, 0)>
#map1 = affine_map<(d0, d1) -> (0, 0, 0, 0)>
#map2 = affine_map<(d0, d1) -> (0, 0, 0)>
module attributes {stable_mosaic.version = 14 : i64} {
  func.func @body_fn(%arg0: i32, %arg1: i32, %arg2: memref<20480x32xf32, #tpu.memory_space<hbm>>, %arg3: memref<2x16x79x256xi32, #tpu.memory_space<hbm>>, %arg4: memref<2x16x79x256xi32, #tpu.memory_space<hbm>>, %arg5: memref<640x32xf32, #tpu.memory_space<hbm>>, %arg6: memref<2x10240x32xf32, #tpu.memory_space<hbm>>, %arg7: memref<10240x32xf32, #tpu.memory_space<vmem_shared>>, %arg8: memref<79x256xi32, #tpu.memory_space<vmem>>, %arg9: memref<79x256xi32, #tpu.memory_space<vmem>>, %arg10: memref<4x256x32xf32, #tpu.memory_space<vmem>>, %arg11: memref<!tpu.dma_semaphore, #tpu.memory_space<semaphore_mem>>, %arg12: memref<!tpu.dma_semaphore, #tpu.memory_space<semaphore_mem>>) attributes {dimension_semantics = [#tpu.dimension_semantics<core_parallel>, #tpu.dimension_semantics<subcore_parallel>], iteration_bounds = array<i64: 2, 16>, scalar_prefetch = 0 : i64, scratch_operands = 6 : i64, tpu.core_type = #tpu.core_type<sc_vector_subcore>, window_params = [{transform_indices = #map}, {transform_indices = #map1}, {transform_indices = #map1}, {transform_indices = #map}, {transform_indices = #map2}]} {
    %mul3A = arith.constant 640 : i32
    %mul3A_0 = arith.muli %arg1, %mul3A : i32
    "tpu.region"() ({
      %run_scoped3A = tpu.sem_alloc : memref<!tpu.dma_semaphore, #tpu.memory_space<semaphore_mem>>
      %dma_start3A_101 = arith.constant 0 : i32
      %dma_start3A_102 = arith.constant 0 : i32
      %dma_start3A_103 = tpu.memref_slice %arg3[%arg0, %arg1, %dma_start3A_101, %dma_start3A_102] : memref<2x16x79x256xi32, #tpu.memory_space<hbm>> -> memref<1x1x79x256xi32, #tpu.memory_space<hbm>>
      %dma_start3A_104 = tpu.memref_squeeze %dma_start3A_103 : memref<1x1x79x256xi32, #tpu.memory_space<hbm>> -> memref<79x256xi32, #tpu.memory_space<hbm>>
      %dma_start3A_105 = arith.constant 0 : i32
      %dma_start3A_106 = arith.constant 0 : i32
      %dma_start3A_107 = tpu.memref_slice %arg3[%arg0, %arg1, %dma_start3A_105, %dma_start3A_106] : memref<2x16x79x256xi32, #tpu.memory_space<hbm>> -> memref<1x1x79x256xi32, #tpu.memory_space<hbm>>
      %dma_start3A_108 = tpu.memref_squeeze %dma_start3A_107 : memref<1x1x79x256xi32, #tpu.memory_space<hbm>> -> memref<79x256xi32, #tpu.memory_space<hbm>>
      tpu.enqueue_dma source(%dma_start3A_108 : memref<79x256xi32, #tpu.memory_space<hbm>>) target(%arg8 : memref<79x256xi32, #tpu.memory_space<vmem>>) target_semaphore(%run_scoped3A : memref<!tpu.dma_semaphore, #tpu.memory_space<semaphore_mem>>)
      %dma_wait3A_109 = arith.constant 0 : i32
      %dma_wait3A_110 = arith.constant 0 : i32
      %dma_wait3A_111 = tpu.memref_slice %arg3[%arg0, %arg1, %dma_wait3A_109, %dma_wait3A_110] : memref<2x16x79x256xi32, #tpu.memory_space<hbm>> -> memref<1x1x79x256xi32, #tpu.memory_space<hbm>>
      %dma_wait3A_112 = tpu.memref_squeeze %dma_wait3A_111 : memref<1x1x79x256xi32, #tpu.memory_space<hbm>> -> memref<79x256xi32, #tpu.memory_space<hbm>>
      %dma_wait3A_113 = arith.constant 0 : i32
      %dma_wait3A_114 = arith.constant 0 : i32
      %dma_wait3A_115 = tpu.memref_slice %arg3[%arg0, %arg1, %dma_wait3A_113, %dma_wait3A_114] : memref<2x16x79x256xi32, #tpu.memory_space<hbm>> -> memref<1x1x79x256xi32, #tpu.memory_space<hbm>>
      %dma_wait3A_116 = tpu.memref_squeeze %dma_wait3A_115 : memref<1x1x79x256xi32, #tpu.memory_space<hbm>> -> memref<79x256xi32, #tpu.memory_space<hbm>>
      tpu.wait_dma2 semaphore(%run_scoped3A : memref<!tpu.dma_semaphore, #tpu.memory_space<semaphore_mem>>) src(%dma_wait3A_116 : memref<79x256xi32, #tpu.memory_space<hbm>>) dst(%arg8 : memref<79x256xi32, #tpu.memory_space<vmem>>)
      tpu.yield
    }) : () -> ()
    "tpu.region"() ({
      %run_scoped3A = tpu.sem_alloc : memref<!tpu.dma_semaphore, #tpu.memory_space<semaphore_mem>>
      %dma_start3A_101 = arith.constant 0 : i32
      %dma_start3A_102 = arith.constant 0 : i32
      %dma_start3A_103 = tpu.memref_slice %arg4[%arg0, %arg1, %dma_start3A_101, %dma_start3A_102] : memref<2x16x79x256xi32, #tpu.memory_space<hbm>> -> memref<1x1x79x256xi32, #tpu.memory_space<hbm>>
      %dma_start3A_104 = tpu.memref_squeeze %dma_start3A_103 : memref<1x1x79x256xi32, #tpu.memory_space<hbm>> -> memref<79x256xi32, #tpu.memory_space<hbm>>
      %dma_start3A_105 = arith.constant 0 : i32
      %dma_start3A_106 = arith.constant 0 : i32
      %dma_start3A_107 = tpu.memref_slice %arg4[%arg0, %arg1, %dma_start3A_105, %dma_start3A_106] : memref<2x16x79x256xi32, #tpu.memory_space<hbm>> -> memref<1x1x79x256xi32, #tpu.memory_space<hbm>>
      %dma_start3A_108 = tpu.memref_squeeze %dma_start3A_107 : memref<1x1x79x256xi32, #tpu.memory_space<hbm>> -> memref<79x256xi32, #tpu.memory_space<hbm>>
      tpu.enqueue_dma source(%dma_start3A_108 : memref<79x256xi32, #tpu.memory_space<hbm>>) target(%arg9 : memref<79x256xi32, #tpu.memory_space<vmem>>) target_semaphore(%run_scoped3A : memref<!tpu.dma_semaphore, #tpu.memory_space<semaphore_mem>>)
      %dma_wait3A_109 = arith.constant 0 : i32
      %dma_wait3A_110 = arith.constant 0 : i32
      %dma_wait3A_111 = tpu.memref_slice %arg4[%arg0, %arg1, %dma_wait3A_109, %dma_wait3A_110] : memref<2x16x79x256xi32, #tpu.memory_space<hbm>> -> memref<1x1x79x256xi32, #tpu.memory_space<hbm>>
      %dma_wait3A_112 = tpu.memref_squeeze %dma_wait3A_111 : memref<1x1x79x256xi32, #tpu.memory_space<hbm>> -> memref<79x256xi32, #tpu.memory_space<hbm>>
      %dma_wait3A_113 = arith.constant 0 : i32
      %dma_wait3A_114 = arith.constant 0 : i32
      %dma_wait3A_115 = tpu.memref_slice %arg4[%arg0, %arg1, %dma_wait3A_113, %dma_wait3A_114] : memref<2x16x79x256xi32, #tpu.memory_space<hbm>> -> memref<1x1x79x256xi32, #tpu.memory_space<hbm>>
      %dma_wait3A_116 = tpu.memref_squeeze %dma_wait3A_115 : memref<1x1x79x256xi32, #tpu.memory_space<hbm>> -> memref<79x256xi32, #tpu.memory_space<hbm>>
      tpu.wait_dma2 semaphore(%run_scoped3A : memref<!tpu.dma_semaphore, #tpu.memory_space<semaphore_mem>>) src(%dma_wait3A_116 : memref<79x256xi32, #tpu.memory_space<hbm>>) dst(%arg9 : memref<79x256xi32, #tpu.memory_space<vmem>>)
      tpu.yield
    }) : () -> ()
    "tpu.region"() ({
      %run_scoped3A = tpu.sem_alloc : memref<!tpu.dma_semaphore, #tpu.memory_space<semaphore_mem>>
      %dma_start3A_101 = arith.constant 0 : i32
      %dma_start3A_102 = tpu.memref_slice %arg7[%mul3A_0, %dma_start3A_101] : memref<10240x32xf32, #tpu.memory_space<vmem_shared>> -> memref<640x32xf32, #tpu.memory_space<vmem_shared>>
      tpu.enqueue_dma source(%arg5 : memref<640x32xf32, #tpu.memory_space<hbm>>) target(%dma_start3A_102 : memref<640x32xf32, #tpu.memory_space<vmem_shared>>) target_semaphore(%run_scoped3A : memref<!tpu.dma_semaphore, #tpu.memory_space<semaphore_mem>>)
      %dma_wait3A_103 = arith.constant 0 : i32
      %dma_wait3A_104 = tpu.memref_slice %arg7[%mul3A_0, %dma_wait3A_103] : memref<10240x32xf32, #tpu.memory_space<vmem_shared>> -> memref<640x32xf32, #tpu.memory_space<vmem_shared>>
      tpu.wait_dma2 semaphore(%run_scoped3A : memref<!tpu.dma_semaphore, #tpu.memory_space<semaphore_mem>>) src(%arg5 : memref<640x32xf32, #tpu.memory_space<hbm>>) dst(%dma_wait3A_104 : memref<640x32xf32, #tpu.memory_space<vmem_shared>>)
      tpu.yield
    }) : () -> ()
    %dma_start3A = arith.constant 0 : i32
    %dma_start3A_1 = arith.constant 0 : i32
    %dma_start3A_2 = arith.constant 0 : i32
    %dma_start3A_3 = arith.constant 0 : i32
    %dma_start3A_4 = tpu.memref_slice %arg10[%dma_start3A_1, %dma_start3A_2, %dma_start3A_3] : memref<4x256x32xf32, #tpu.memory_space<vmem>> -> memref<1x256x32xf32, #tpu.memory_space<vmem>>
    %dma_start3A_5 = tpu.memref_squeeze %dma_start3A_4 : memref<1x256x32xf32, #tpu.memory_space<vmem>> -> memref<256x32xf32, #tpu.memory_space<vmem>>
    %dma_start3A_6 = arith.constant 0 : i32
    %dma_start3A_7 = tpu.memref_slice %arg8[%dma_start3A, %dma_start3A_6] : memref<79x256xi32, #tpu.memory_space<vmem>> -> memref<1x256xi32, #tpu.memory_space<vmem>>
    %dma_start3A_8 = tpu.memref_squeeze %dma_start3A_7 : memref<1x256xi32, #tpu.memory_space<vmem>> -> memref<256xi32, #tpu.memory_space<vmem>>
    %dma_start3A_9 = arith.constant 0 : i32
    %dma_start3A_10 = arith.constant 0 : i32
    %dma_start3A_11 = tpu.memref_slice %arg2[%dma_start3A_9, %dma_start3A_10] : memref<20480x32xf32, #tpu.memory_space<hbm>> -> memref<20480x32xf32, #tpu.memory_space<hbm>>
    tpu.enqueue_indirect_dma source(%dma_start3A_11 : memref<20480x32xf32, #tpu.memory_space<hbm>>) target(%dma_start3A_5 : memref<256x32xf32, #tpu.memory_space<vmem>>) offsets(%dma_start3A_8 : memref<256xi32, #tpu.memory_space<vmem>>) semaphore(%arg11 : memref<!tpu.dma_semaphore, #tpu.memory_space<semaphore_mem>>)
    %dma_start3A_12 = arith.constant 1 : i32
    %dma_start3A_13 = arith.constant 1 : i32
    %dma_start3A_14 = arith.constant 0 : i32
    %dma_start3A_15 = arith.constant 0 : i32
    %dma_start3A_16 = tpu.memref_slice %arg10[%dma_start3A_13, %dma_start3A_14, %dma_start3A_15] : memref<4x256x32xf32, #tpu.memory_space<vmem>> -> memref<1x256x32xf32, #tpu.memory_space<vmem>>
    %dma_start3A_17 = tpu.memref_squeeze %dma_start3A_16 : memref<1x256x32xf32, #tpu.memory_space<vmem>> -> memref<256x32xf32, #tpu.memory_space<vmem>>
    %dma_start3A_18 = arith.constant 0 : i32
    %dma_start3A_19 = tpu.memref_slice %arg8[%dma_start3A_12, %dma_start3A_18] : memref<79x256xi32, #tpu.memory_space<vmem>> -> memref<1x256xi32, #tpu.memory_space<vmem>>
    %dma_start3A_20 = tpu.memref_squeeze %dma_start3A_19 : memref<1x256xi32, #tpu.memory_space<vmem>> -> memref<256xi32, #tpu.memory_space<vmem>>
    %dma_start3A_21 = arith.constant 0 : i32
    %dma_start3A_22 = arith.constant 0 : i32
    %dma_start3A_23 = tpu.memref_slice %arg2[%dma_start3A_21, %dma_start3A_22] : memref<20480x32xf32, #tpu.memory_space<hbm>> -> memref<20480x32xf32, #tpu.memory_space<hbm>>
    tpu.enqueue_indirect_dma source(%dma_start3A_23 : memref<20480x32xf32, #tpu.memory_space<hbm>>) target(%dma_start3A_17 : memref<256x32xf32, #tpu.memory_space<vmem>>) offsets(%dma_start3A_20 : memref<256xi32, #tpu.memory_space<vmem>>) semaphore(%arg11 : memref<!tpu.dma_semaphore, #tpu.memory_space<semaphore_mem>>)
    %dma_start3A_24 = arith.constant 2 : i32
    %dma_start3A_25 = arith.constant 2 : i32
    %dma_start3A_26 = arith.constant 0 : i32
    %dma_start3A_27 = arith.constant 0 : i32
    %dma_start3A_28 = tpu.memref_slice %arg10[%dma_start3A_25, %dma_start3A_26, %dma_start3A_27] : memref<4x256x32xf32, #tpu.memory_space<vmem>> -> memref<1x256x32xf32, #tpu.memory_space<vmem>>
    %dma_start3A_29 = tpu.memref_squeeze %dma_start3A_28 : memref<1x256x32xf32, #tpu.memory_space<vmem>> -> memref<256x32xf32, #tpu.memory_space<vmem>>
    %dma_start3A_30 = arith.constant 0 : i32
    %dma_start3A_31 = tpu.memref_slice %arg8[%dma_start3A_24, %dma_start3A_30] : memref<79x256xi32, #tpu.memory_space<vmem>> -> memref<1x256xi32, #tpu.memory_space<vmem>>
    %dma_start3A_32 = tpu.memref_squeeze %dma_start3A_31 : memref<1x256xi32, #tpu.memory_space<vmem>> -> memref<256xi32, #tpu.memory_space<vmem>>
    %dma_start3A_33 = arith.constant 0 : i32
    %dma_start3A_34 = arith.constant 0 : i32
    %dma_start3A_35 = tpu.memref_slice %arg2[%dma_start3A_33, %dma_start3A_34] : memref<20480x32xf32, #tpu.memory_space<hbm>> -> memref<20480x32xf32, #tpu.memory_space<hbm>>
    tpu.enqueue_indirect_dma source(%dma_start3A_35 : memref<20480x32xf32, #tpu.memory_space<hbm>>) target(%dma_start3A_29 : memref<256x32xf32, #tpu.memory_space<vmem>>) offsets(%dma_start3A_32 : memref<256xi32, #tpu.memory_space<vmem>>) semaphore(%arg11 : memref<!tpu.dma_semaphore, #tpu.memory_space<semaphore_mem>>)
    %dma_start3A_36 = arith.constant 3 : i32
    %dma_start3A_37 = arith.constant 3 : i32
    %dma_start3A_38 = arith.constant 0 : i32
    %dma_start3A_39 = arith.constant 0 : i32
    %dma_start3A_40 = tpu.memref_slice %arg10[%dma_start3A_37, %dma_start3A_38, %dma_start3A_39] : memref<4x256x32xf32, #tpu.memory_space<vmem>> -> memref<1x256x32xf32, #tpu.memory_space<vmem>>
    %dma_start3A_41 = tpu.memref_squeeze %dma_start3A_40 : memref<1x256x32xf32, #tpu.memory_space<vmem>> -> memref<256x32xf32, #tpu.memory_space<vmem>>
    %dma_start3A_42 = arith.constant 0 : i32
    %dma_start3A_43 = tpu.memref_slice %arg8[%dma_start3A_36, %dma_start3A_42] : memref<79x256xi32, #tpu.memory_space<vmem>> -> memref<1x256xi32, #tpu.memory_space<vmem>>
    %dma_start3A_44 = tpu.memref_squeeze %dma_start3A_43 : memref<1x256xi32, #tpu.memory_space<vmem>> -> memref<256xi32, #tpu.memory_space<vmem>>
    %dma_start3A_45 = arith.constant 0 : i32
    %dma_start3A_46 = arith.constant 0 : i32
    %dma_start3A_47 = tpu.memref_slice %arg2[%dma_start3A_45, %dma_start3A_46] : memref<20480x32xf32, #tpu.memory_space<hbm>> -> memref<20480x32xf32, #tpu.memory_space<hbm>>
    tpu.enqueue_indirect_dma source(%dma_start3A_47 : memref<20480x32xf32, #tpu.memory_space<hbm>>) target(%dma_start3A_41 : memref<256x32xf32, #tpu.memory_space<vmem>>) offsets(%dma_start3A_44 : memref<256xi32, #tpu.memory_space<vmem>>) semaphore(%arg11 : memref<!tpu.dma_semaphore, #tpu.memory_space<semaphore_mem>>)
    %barrier3A = arith.constant 0 : index
    tpu.barrier barrier_id(%barrier3A)
    %scan3A = arith.constant 0 : i32
    %scan3A_48 = arith.constant 0 : i32
    %scan3A_49 = arith.constant 79 : i32
    %scan3A_50 = arith.addi %scan3A_48, %scan3A_49 : i32
    %scan3A_51 = arith.constant 1 : i32
    scf.for %scan3A_101 = %scan3A_48 to %scan3A_50 step %scan3A_51  : i32 {
      %sub3A = arith.constant 2 : i32
      %sub3A_102 = arith.subi %scan3A_101, %sub3A : i32
      %ge3A = arith.constant 0 : i32
      %ge3A_103 = arith.cmpi sge, %sub3A_102, %ge3A : i32
      %add3A = arith.constant 4 : i32
      %add3A_104 = arith.addi %sub3A_102, %add3A : i32
      %lt3A = arith.constant 79 : i32
      %lt3A_105 = arith.cmpi slt, %add3A_104, %lt3A : i32
      %and3A = arith.andi %ge3A_103, %lt3A_105 : i1
      %convert_element_type3A = arith.extui %and3A : i1 to i32
      %cond3A = arith.constant 0 : i32
      %cond3A_106 = arith.cmpi ne, %convert_element_type3A, %cond3A : i32
      scf.if %cond3A_106 {
        %dma_wait3A_131 = arith.constant 0 : i32
        %dma_wait3A_132 = arith.constant 0 : i32
        %dma_wait3A_133 = arith.constant 0 : i32
        %dma_wait3A_134 = arith.constant 0 : i32
        %dma_wait3A_135 = tpu.memref_slice %arg10[%dma_wait3A_131, %dma_wait3A_133, %dma_wait3A_134] : memref<4x256x32xf32, #tpu.memory_space<vmem>> -> memref<1x256x32xf32, #tpu.memory_space<vmem>>
        %dma_wait3A_136 = tpu.memref_squeeze %dma_wait3A_135 : memref<1x256x32xf32, #tpu.memory_space<vmem>> -> memref<256x32xf32, #tpu.memory_space<vmem>>
        %dma_wait3A_137 = arith.constant 0 : i32
        %dma_wait3A_138 = tpu.memref_slice %arg9[%dma_wait3A_132, %dma_wait3A_137] : memref<79x256xi32, #tpu.memory_space<vmem>> -> memref<1x256xi32, #tpu.memory_space<vmem>>
        %dma_wait3A_139 = tpu.memref_squeeze %dma_wait3A_138 : memref<1x256xi32, #tpu.memory_space<vmem>> -> memref<256xi32, #tpu.memory_space<vmem>>
        %dma_wait3A_140 = arith.constant 0 : i32
        %dma_wait3A_141 = arith.constant 0 : i32
        %dma_wait3A_142 = tpu.memref_slice %arg7[%dma_wait3A_140, %dma_wait3A_141] : memref<10240x32xf32, #tpu.memory_space<vmem_shared>> -> memref<10240x32xf32, #tpu.memory_space<vmem_shared>>
        tpu.wait_indirect_dma semaphore(%arg12 : memref<!tpu.dma_semaphore, #tpu.memory_space<semaphore_mem>>) src(%dma_wait3A_136 : memref<256x32xf32, #tpu.memory_space<vmem>>) dst(%dma_wait3A_142 : memref<10240x32xf32, #tpu.memory_space<vmem_shared>>)
        %add3A_143 = arith.constant 4 : i32
        %add3A_144 = arith.addi %sub3A_102, %add3A_143 : i32
        %rem3A_145 = arith.constant 4 : i32
        %rem3A_146 = arith.remsi %sub3A_102, %rem3A_145 : i32
        %dma_start3A_147 = arith.constant 0 : i32
        %dma_start3A_148 = arith.constant 0 : i32
        %dma_start3A_149 = tpu.memref_slice %arg10[%rem3A_146, %dma_start3A_147, %dma_start3A_148] : memref<4x256x32xf32, #tpu.memory_space<vmem>> -> memref<1x256x32xf32, #tpu.memory_space<vmem>>
        %dma_start3A_150 = tpu.memref_squeeze %dma_start3A_149 : memref<1x256x32xf32, #tpu.memory_space<vmem>> -> memref<256x32xf32, #tpu.memory_space<vmem>>
        %dma_start3A_151 = arith.constant 0 : i32
        %dma_start3A_152 = tpu.memref_slice %arg8[%add3A_144, %dma_start3A_151] : memref<79x256xi32, #tpu.memory_space<vmem>> -> memref<1x256xi32, #tpu.memory_space<vmem>>
        %dma_start3A_153 = tpu.memref_squeeze %dma_start3A_152 : memref<1x256xi32, #tpu.memory_space<vmem>> -> memref<256xi32, #tpu.memory_space<vmem>>
        %dma_start3A_154 = arith.constant 0 : i32
        %dma_start3A_155 = arith.constant 0 : i32
        %dma_start3A_156 = tpu.memref_slice %arg2[%dma_start3A_154, %dma_start3A_155] : memref<20480x32xf32, #tpu.memory_space<hbm>> -> memref<20480x32xf32, #tpu.memory_space<hbm>>
        tpu.enqueue_indirect_dma source(%dma_start3A_156 : memref<20480x32xf32, #tpu.memory_space<hbm>>) target(%dma_start3A_150 : memref<256x32xf32, #tpu.memory_space<vmem>>) offsets(%dma_start3A_153 : memref<256xi32, #tpu.memory_space<vmem>>) semaphore(%arg11 : memref<!tpu.dma_semaphore, #tpu.memory_space<semaphore_mem>>)
      } else {
      }
      %rem3A = arith.constant 4 : i32
      %rem3A_107 = arith.remsi %scan3A_101, %rem3A : i32
      %dma_wait3A_108 = arith.constant 0 : i32
      %dma_wait3A_109 = arith.constant 0 : i32
      %dma_wait3A_110 = arith.constant 0 : i32
      %dma_wait3A_111 = tpu.memref_slice %arg10[%rem3A_107, %dma_wait3A_109, %dma_wait3A_110] : memref<4x256x32xf32, #tpu.memory_space<vmem>> -> memref<1x256x32xf32, #tpu.memory_space<vmem>>
      %dma_wait3A_112 = tpu.memref_squeeze %dma_wait3A_111 : memref<1x256x32xf32, #tpu.memory_space<vmem>> -> memref<256x32xf32, #tpu.memory_space<vmem>>
      %dma_wait3A_113 = arith.constant 0 : i32
      %dma_wait3A_114 = tpu.memref_slice %arg8[%dma_wait3A_108, %dma_wait3A_113] : memref<79x256xi32, #tpu.memory_space<vmem>> -> memref<1x256xi32, #tpu.memory_space<vmem>>
      %dma_wait3A_115 = tpu.memref_squeeze %dma_wait3A_114 : memref<1x256xi32, #tpu.memory_space<vmem>> -> memref<256xi32, #tpu.memory_space<vmem>>
      %dma_wait3A_116 = arith.constant 0 : i32
      %dma_wait3A_117 = arith.constant 0 : i32
      %dma_wait3A_118 = tpu.memref_slice %arg2[%dma_wait3A_116, %dma_wait3A_117] : memref<20480x32xf32, #tpu.memory_space<hbm>> -> memref<20480x32xf32, #tpu.memory_space<hbm>>
      tpu.wait_indirect_dma semaphore(%arg11 : memref<!tpu.dma_semaphore, #tpu.memory_space<semaphore_mem>>) src(%dma_wait3A_118 : memref<20480x32xf32, #tpu.memory_space<hbm>>) dst(%dma_wait3A_112 : memref<256x32xf32, #tpu.memory_space<vmem>>)
      %rem3A_119 = arith.constant 4 : i32
      %rem3A_120 = arith.remsi %scan3A_101, %rem3A_119 : i32
      %dma_start3A_121 = arith.constant 0 : i32
      %dma_start3A_122 = arith.constant 0 : i32
      %dma_start3A_123 = tpu.memref_slice %arg10[%rem3A_120, %dma_start3A_121, %dma_start3A_122] : memref<4x256x32xf32, #tpu.memory_space<vmem>> -> memref<1x256x32xf32, #tpu.memory_space<vmem>>
      %dma_start3A_124 = tpu.memref_squeeze %dma_start3A_123 : memref<1x256x32xf32, #tpu.memory_space<vmem>> -> memref<256x32xf32, #tpu.memory_space<vmem>>
      %dma_start3A_125 = arith.constant 0 : i32
      %dma_start3A_126 = tpu.memref_slice %arg9[%scan3A_101, %dma_start3A_125] : memref<79x256xi32, #tpu.memory_space<vmem>> -> memref<1x256xi32, #tpu.memory_space<vmem>>
      %dma_start3A_127 = tpu.memref_squeeze %dma_start3A_126 : memref<1x256xi32, #tpu.memory_space<vmem>> -> memref<256xi32, #tpu.memory_space<vmem>>
      %dma_start3A_128 = arith.constant 0 : i32
      %dma_start3A_129 = arith.constant 0 : i32
      %dma_start3A_130 = tpu.memref_slice %arg7[%dma_start3A_128, %dma_start3A_129] : memref<10240x32xf32, #tpu.memory_space<vmem_shared>> -> memref<10240x32xf32, #tpu.memory_space<vmem_shared>>
      tpu.enqueue_indirect_dma source(%dma_start3A_124 : memref<256x32xf32, #tpu.memory_space<vmem>>) target(%dma_start3A_130 : memref<10240x32xf32, #tpu.memory_space<vmem_shared>>) offsets(%dma_start3A_127 : memref<256xi32, #tpu.memory_space<vmem>>) semaphore(%arg12 : memref<!tpu.dma_semaphore, #tpu.memory_space<semaphore_mem>>) {add = true}
    }
    %scan3A_52 = arith.constant 79 : i32
    %dma_wait3A = arith.constant 0 : i32
    %dma_wait3A_53 = arith.constant 0 : i32
    %dma_wait3A_54 = arith.constant 0 : i32
    %dma_wait3A_55 = arith.constant 0 : i32
    %dma_wait3A_56 = tpu.memref_slice %arg10[%dma_wait3A, %dma_wait3A_54, %dma_wait3A_55] : memref<4x256x32xf32, #tpu.memory_space<vmem>> -> memref<1x256x32xf32, #tpu.memory_space<vmem>>
    %dma_wait3A_57 = tpu.memref_squeeze %dma_wait3A_56 : memref<1x256x32xf32, #tpu.memory_space<vmem>> -> memref<256x32xf32, #tpu.memory_space<vmem>>
    %dma_wait3A_58 = arith.constant 0 : i32
    %dma_wait3A_59 = tpu.memref_slice %arg9[%dma_wait3A_53, %dma_wait3A_58] : memref<79x256xi32, #tpu.memory_space<vmem>> -> memref<1x256xi32, #tpu.memory_space<vmem>>
    %dma_wait3A_60 = tpu.memref_squeeze %dma_wait3A_59 : memref<1x256xi32, #tpu.memory_space<vmem>> -> memref<256xi32, #tpu.memory_space<vmem>>
    %dma_wait3A_61 = arith.constant 0 : i32
    %dma_wait3A_62 = arith.constant 0 : i32
    %dma_wait3A_63 = tpu.memref_slice %arg7[%dma_wait3A_61, %dma_wait3A_62] : memref<10240x32xf32, #tpu.memory_space<vmem_shared>> -> memref<10240x32xf32, #tpu.memory_space<vmem_shared>>
    tpu.wait_indirect_dma semaphore(%arg12 : memref<!tpu.dma_semaphore, #tpu.memory_space<semaphore_mem>>) src(%dma_wait3A_57 : memref<256x32xf32, #tpu.memory_space<vmem>>) dst(%dma_wait3A_63 : memref<10240x32xf32, #tpu.memory_space<vmem_shared>>)
    %dma_wait3A_64 = arith.constant 0 : i32
    %dma_wait3A_65 = arith.constant 0 : i32
    %dma_wait3A_66 = arith.constant 0 : i32
    %dma_wait3A_67 = arith.constant 0 : i32
    %dma_wait3A_68 = tpu.memref_slice %arg10[%dma_wait3A_64, %dma_wait3A_66, %dma_wait3A_67] : memref<4x256x32xf32, #tpu.memory_space<vmem>> -> memref<1x256x32xf32, #tpu.memory_space<vmem>>
    %dma_wait3A_69 = tpu.memref_squeeze %dma_wait3A_68 : memref<1x256x32xf32, #tpu.memory_space<vmem>> -> memref<256x32xf32, #tpu.memory_space<vmem>>
    %dma_wait3A_70 = arith.constant 0 : i32
    %dma_wait3A_71 = tpu.memref_slice %arg9[%dma_wait3A_65, %dma_wait3A_70] : memref<79x256xi32, #tpu.memory_space<vmem>> -> memref<1x256xi32, #tpu.memory_space<vmem>>
    %dma_wait3A_72 = tpu.memref_squeeze %dma_wait3A_71 : memref<1x256xi32, #tpu.memory_space<vmem>> -> memref<256xi32, #tpu.memory_space<vmem>>
    %dma_wait3A_73 = arith.constant 0 : i32
    %dma_wait3A_74 = arith.constant 0 : i32
    %dma_wait3A_75 = tpu.memref_slice %arg7[%dma_wait3A_73, %dma_wait3A_74] : memref<10240x32xf32, #tpu.memory_space<vmem_shared>> -> memref<10240x32xf32, #tpu.memory_space<vmem_shared>>
    tpu.wait_indirect_dma semaphore(%arg12 : memref<!tpu.dma_semaphore, #tpu.memory_space<semaphore_mem>>) src(%dma_wait3A_69 : memref<256x32xf32, #tpu.memory_space<vmem>>) dst(%dma_wait3A_75 : memref<10240x32xf32, #tpu.memory_space<vmem_shared>>)
    %dma_wait3A_76 = arith.constant 0 : i32
    %dma_wait3A_77 = arith.constant 0 : i32
    %dma_wait3A_78 = arith.constant 0 : i32
    %dma_wait3A_79 = arith.constant 0 : i32
    %dma_wait3A_80 = tpu.memref_slice %arg10[%dma_wait3A_76, %dma_wait3A_78, %dma_wait3A_79] : memref<4x256x32xf32, #tpu.memory_space<vmem>> -> memref<1x256x32xf32, #tpu.memory_space<vmem>>
    %dma_wait3A_81 = tpu.memref_squeeze %dma_wait3A_80 : memref<1x256x32xf32, #tpu.memory_space<vmem>> -> memref<256x32xf32, #tpu.memory_space<vmem>>
    %dma_wait3A_82 = arith.constant 0 : i32
    %dma_wait3A_83 = tpu.memref_slice %arg9[%dma_wait3A_77, %dma_wait3A_82] : memref<79x256xi32, #tpu.memory_space<vmem>> -> memref<1x256xi32, #tpu.memory_space<vmem>>
    %dma_wait3A_84 = tpu.memref_squeeze %dma_wait3A_83 : memref<1x256xi32, #tpu.memory_space<vmem>> -> memref<256xi32, #tpu.memory_space<vmem>>
    %dma_wait3A_85 = arith.constant 0 : i32
    %dma_wait3A_86 = arith.constant 0 : i32
    %dma_wait3A_87 = tpu.memref_slice %arg7[%dma_wait3A_85, %dma_wait3A_86] : memref<10240x32xf32, #tpu.memory_space<vmem_shared>> -> memref<10240x32xf32, #tpu.memory_space<vmem_shared>>
    tpu.wait_indirect_dma semaphore(%arg12 : memref<!tpu.dma_semaphore, #tpu.memory_space<semaphore_mem>>) src(%dma_wait3A_81 : memref<256x32xf32, #tpu.memory_space<vmem>>) dst(%dma_wait3A_87 : memref<10240x32xf32, #tpu.memory_space<vmem_shared>>)
    %dma_wait3A_88 = arith.constant 0 : i32
    %dma_wait3A_89 = arith.constant 0 : i32
    %dma_wait3A_90 = arith.constant 0 : i32
    %dma_wait3A_91 = arith.constant 0 : i32
    %dma_wait3A_92 = tpu.memref_slice %arg10[%dma_wait3A_88, %dma_wait3A_90, %dma_wait3A_91] : memref<4x256x32xf32, #tpu.memory_space<vmem>> -> memref<1x256x32xf32, #tpu.memory_space<vmem>>
    %dma_wait3A_93 = tpu.memref_squeeze %dma_wait3A_92 : memref<1x256x32xf32, #tpu.memory_space<vmem>> -> memref<256x32xf32, #tpu.memory_space<vmem>>
    %dma_wait3A_94 = arith.constant 0 : i32
    %dma_wait3A_95 = tpu.memref_slice %arg9[%dma_wait3A_89, %dma_wait3A_94] : memref<79x256xi32, #tpu.memory_space<vmem>> -> memref<1x256xi32, #tpu.memory_space<vmem>>
    %dma_wait3A_96 = tpu.memref_squeeze %dma_wait3A_95 : memref<1x256xi32, #tpu.memory_space<vmem>> -> memref<256xi32, #tpu.memory_space<vmem>>
    %dma_wait3A_97 = arith.constant 0 : i32
    %dma_wait3A_98 = arith.constant 0 : i32
    %dma_wait3A_99 = tpu.memref_slice %arg7[%dma_wait3A_97, %dma_wait3A_98] : memref<10240x32xf32, #tpu.memory_space<vmem_shared>> -> memref<10240x32xf32, #tpu.memory_space<vmem_shared>>
    tpu.wait_indirect_dma semaphore(%arg12 : memref<!tpu.dma_semaphore, #tpu.memory_space<semaphore_mem>>) src(%dma_wait3A_93 : memref<256x32xf32, #tpu.memory_space<vmem>>) dst(%dma_wait3A_99 : memref<10240x32xf32, #tpu.memory_space<vmem_shared>>)
    %barrier3A_100 = arith.constant 0 : index
    tpu.barrier barrier_id(%barrier3A_100)
    "tpu.region"() ({
      %run_scoped3A = tpu.sem_alloc : memref<!tpu.dma_semaphore, #tpu.memory_space<semaphore_mem>>
      %dma_start3A_101 = arith.constant 0 : i32
      %dma_start3A_102 = tpu.memref_slice %arg6[%arg0, %mul3A_0, %dma_start3A_101] : memref<2x10240x32xf32, #tpu.memory_space<hbm>> -> memref<1x640x32xf32, #tpu.memory_space<hbm>>
      %dma_start3A_103 = tpu.memref_squeeze %dma_start3A_102 : memref<1x640x32xf32, #tpu.memory_space<hbm>> -> memref<640x32xf32, #tpu.memory_space<hbm>>
      %dma_start3A_104 = arith.constant 0 : i32
      %dma_start3A_105 = tpu.memref_slice %arg7[%mul3A_0, %dma_start3A_104] : memref<10240x32xf32, #tpu.memory_space<vmem_shared>> -> memref<640x32xf32, #tpu.memory_space<vmem_shared>>
      tpu.enqueue_dma source(%dma_start3A_105 : memref<640x32xf32, #tpu.memory_space<vmem_shared>>) target(%dma_start3A_103 : memref<640x32xf32, #tpu.memory_space<hbm>>) target_semaphore(%run_scoped3A : memref<!tpu.dma_semaphore, #tpu.memory_space<semaphore_mem>>)
      %dma_wait3A_106 = arith.constant 0 : i32
      %dma_wait3A_107 = tpu.memref_slice %arg6[%arg0, %mul3A_0, %dma_wait3A_106] : memref<2x10240x32xf32, #tpu.memory_space<hbm>> -> memref<1x640x32xf32, #tpu.memory_space<hbm>>
      %dma_wait3A_108 = tpu.memref_squeeze %dma_wait3A_107 : memref<1x640x32xf32, #tpu.memory_space<hbm>> -> memref<640x32xf32, #tpu.memory_space<hbm>>
      %dma_wait3A_109 = arith.constant 0 : i32
      %dma_wait3A_110 = tpu.memref_slice %arg7[%mul3A_0, %dma_wait3A_109] : memref<10240x32xf32, #tpu.memory_space<vmem_shared>> -> memref<640x32xf32, #tpu.memory_space<vmem_shared>>
      tpu.wait_dma2 semaphore(%run_scoped3A : memref<!tpu.dma_semaphore, #tpu.memory_space<semaphore_mem>>) src(%dma_wait3A_110 : memref<640x32xf32, #tpu.memory_space<vmem_shared>>) dst(%dma_wait3A_108 : memref<640x32xf32, #tpu.memory_space<hbm>>)
      tpu.yield
    }) : () -> ()
    return
  }
}

#map = affine_map<(d0, d1) -> (0, 0, 0, 0)>
#map1 = affine_map<(d0, d1) -> (0, 0)>
#map2 = affine_map<(d0, d1) -> (0, 0, 0)>
module attributes {stable_mosaic.version = 14 : i64} {
  func.func @body_fn(%arg0: i32, %arg1: i32, %arg2: memref<2x16x40x512xi32, #tpu.memory_space<hbm>>, %arg3: memref<512x16xf32, #tpu.memory_space<hbm>>, %arg4: memref<640x16xf32, #tpu.memory_space<hbm>>, %arg5: memref<2x10240x16xf32, #tpu.memory_space<hbm>>, %arg6: memref<10240x16xf32, #tpu.memory_space<vmem_shared>>, %arg7: memref<40x512xi32, #tpu.memory_space<vmem>>, %arg8: memref<512x16xf32, #tpu.memory_space<vmem>>, %arg9: memref<!tpu.dma_semaphore, #tpu.memory_space<semaphore_mem>>) attributes {dimension_semantics = [#tpu.dimension_semantics<core_parallel>, #tpu.dimension_semantics<subcore_parallel>], iteration_bounds = array<i64: 2, 16>, scalar_prefetch = 0 : i64, scratch_operands = 4 : i64, tpu.core_type = #tpu.core_type<sc_vector_subcore>, window_params = [{transform_indices = #map}, {transform_indices = #map1}, {transform_indices = #map1}, {transform_indices = #map2}]} {
    %mul3A = arith.constant 640 : i32
    %mul3A_0 = arith.muli %arg1, %mul3A : i32
    "tpu.region"() ({
      %run_scoped3A = tpu.sem_alloc : memref<!tpu.dma_semaphore, #tpu.memory_space<semaphore_mem>>
      %dma_start3A = arith.constant 0 : i32
      %dma_start3A_62 = arith.constant 0 : i32
      %dma_start3A_63 = tpu.memref_slice %arg2[%arg0, %arg1, %dma_start3A, %dma_start3A_62] : memref<2x16x40x512xi32, #tpu.memory_space<hbm>> -> memref<1x1x40x512xi32, #tpu.memory_space<hbm>>
      %dma_start3A_64 = tpu.memref_squeeze %dma_start3A_63 : memref<1x1x40x512xi32, #tpu.memory_space<hbm>> -> memref<40x512xi32, #tpu.memory_space<hbm>>
      %dma_start3A_65 = arith.constant 0 : i32
      %dma_start3A_66 = arith.constant 0 : i32
      %dma_start3A_67 = tpu.memref_slice %arg2[%arg0, %arg1, %dma_start3A_65, %dma_start3A_66] : memref<2x16x40x512xi32, #tpu.memory_space<hbm>> -> memref<1x1x40x512xi32, #tpu.memory_space<hbm>>
      %dma_start3A_68 = tpu.memref_squeeze %dma_start3A_67 : memref<1x1x40x512xi32, #tpu.memory_space<hbm>> -> memref<40x512xi32, #tpu.memory_space<hbm>>
      tpu.enqueue_dma source(%dma_start3A_68 : memref<40x512xi32, #tpu.memory_space<hbm>>) target(%arg7 : memref<40x512xi32, #tpu.memory_space<vmem>>) target_semaphore(%run_scoped3A : memref<!tpu.dma_semaphore, #tpu.memory_space<semaphore_mem>>)
      %dma_wait3A_69 = arith.constant 0 : i32
      %dma_wait3A_70 = arith.constant 0 : i32
      %dma_wait3A_71 = tpu.memref_slice %arg2[%arg0, %arg1, %dma_wait3A_69, %dma_wait3A_70] : memref<2x16x40x512xi32, #tpu.memory_space<hbm>> -> memref<1x1x40x512xi32, #tpu.memory_space<hbm>>
      %dma_wait3A_72 = tpu.memref_squeeze %dma_wait3A_71 : memref<1x1x40x512xi32, #tpu.memory_space<hbm>> -> memref<40x512xi32, #tpu.memory_space<hbm>>
      %dma_wait3A_73 = arith.constant 0 : i32
      %dma_wait3A_74 = arith.constant 0 : i32
      %dma_wait3A_75 = tpu.memref_slice %arg2[%arg0, %arg1, %dma_wait3A_73, %dma_wait3A_74] : memref<2x16x40x512xi32, #tpu.memory_space<hbm>> -> memref<1x1x40x512xi32, #tpu.memory_space<hbm>>
      %dma_wait3A_76 = tpu.memref_squeeze %dma_wait3A_75 : memref<1x1x40x512xi32, #tpu.memory_space<hbm>> -> memref<40x512xi32, #tpu.memory_space<hbm>>
      tpu.wait_dma2 semaphore(%run_scoped3A : memref<!tpu.dma_semaphore, #tpu.memory_space<semaphore_mem>>) src(%dma_wait3A_76 : memref<40x512xi32, #tpu.memory_space<hbm>>) dst(%arg7 : memref<40x512xi32, #tpu.memory_space<vmem>>)
      tpu.yield
    }) : () -> ()
    "tpu.region"() ({
      %run_scoped3A = tpu.sem_alloc : memref<!tpu.dma_semaphore, #tpu.memory_space<semaphore_mem>>
      tpu.enqueue_dma source(%arg3 : memref<512x16xf32, #tpu.memory_space<hbm>>) target(%arg8 : memref<512x16xf32, #tpu.memory_space<vmem>>) target_semaphore(%run_scoped3A : memref<!tpu.dma_semaphore, #tpu.memory_space<semaphore_mem>>)
      tpu.wait_dma2 semaphore(%run_scoped3A : memref<!tpu.dma_semaphore, #tpu.memory_space<semaphore_mem>>) src(%arg3 : memref<512x16xf32, #tpu.memory_space<hbm>>) dst(%arg8 : memref<512x16xf32, #tpu.memory_space<vmem>>)
      tpu.yield
    }) : () -> ()
    "tpu.region"() ({
      %run_scoped3A = tpu.sem_alloc : memref<!tpu.dma_semaphore, #tpu.memory_space<semaphore_mem>>
      %dma_start3A = arith.constant 0 : i32
      %dma_start3A_62 = tpu.memref_slice %arg6[%mul3A_0, %dma_start3A] : memref<10240x16xf32, #tpu.memory_space<vmem_shared>> -> memref<640x16xf32, #tpu.memory_space<vmem_shared>>
      tpu.enqueue_dma source(%arg4 : memref<640x16xf32, #tpu.memory_space<hbm>>) target(%dma_start3A_62 : memref<640x16xf32, #tpu.memory_space<vmem_shared>>) target_semaphore(%run_scoped3A : memref<!tpu.dma_semaphore, #tpu.memory_space<semaphore_mem>>)
      %dma_wait3A_63 = arith.constant 0 : i32
      %dma_wait3A_64 = tpu.memref_slice %arg6[%mul3A_0, %dma_wait3A_63] : memref<10240x16xf32, #tpu.memory_space<vmem_shared>> -> memref<640x16xf32, #tpu.memory_space<vmem_shared>>
      tpu.wait_dma2 semaphore(%run_scoped3A : memref<!tpu.dma_semaphore, #tpu.memory_space<semaphore_mem>>) src(%arg4 : memref<640x16xf32, #tpu.memory_space<hbm>>) dst(%dma_wait3A_64 : memref<640x16xf32, #tpu.memory_space<vmem_shared>>)
      tpu.yield
    }) : () -> ()
    %barrier3A = arith.constant 0 : index
    tpu.barrier barrier_id(%barrier3A)
    %scan3A = arith.constant 0 : i32
    %scan3A_1 = arith.constant 0 : i32
    %scan3A_2 = arith.constant 40 : i32
    %scan3A_3 = arith.addi %scan3A_1, %scan3A_2 : i32
    %scan3A_4 = arith.constant 1 : i32
    scf.for %scan3A_62 = %scan3A_1 to %scan3A_3 step %scan3A_4  : i32 {
      %dma_start3A = arith.constant 0 : i32
      %dma_start3A_63 = tpu.memref_slice %arg7[%scan3A_62, %dma_start3A] : memref<40x512xi32, #tpu.memory_space<vmem>> -> memref<1x512xi32, #tpu.memory_space<vmem>>
      %dma_start3A_64 = tpu.memref_squeeze %dma_start3A_63 : memref<1x512xi32, #tpu.memory_space<vmem>> -> memref<512xi32, #tpu.memory_space<vmem>>
      %dma_start3A_65 = arith.constant 0 : i32
      %dma_start3A_66 = arith.constant 0 : i32
      %dma_start3A_67 = tpu.memref_slice %arg6[%dma_start3A_65, %dma_start3A_66] : memref<10240x16xf32, #tpu.memory_space<vmem_shared>> -> memref<10240x16xf32, #tpu.memory_space<vmem_shared>>
      tpu.enqueue_indirect_dma source(%arg8 : memref<512x16xf32, #tpu.memory_space<vmem>>) target(%dma_start3A_67 : memref<10240x16xf32, #tpu.memory_space<vmem_shared>>) offsets(%dma_start3A_64 : memref<512xi32, #tpu.memory_space<vmem>>) semaphore(%arg9 : memref<!tpu.dma_semaphore, #tpu.memory_space<semaphore_mem>>) {add = true}
      %ge3A = arith.constant 8 : i32
      %ge3A_68 = arith.cmpi sge, %scan3A_62, %ge3A : i32
      %convert_element_type3A = arith.extui %ge3A_68 : i1 to i32
      %cond3A = arith.constant 0 : i32
      %cond3A_69 = arith.cmpi ne, %convert_element_type3A, %cond3A : i32
      scf.if %cond3A_69 {
        %dma_wait3A_70 = arith.constant 0 : i32
        %dma_wait3A_71 = arith.constant 0 : i32
        %dma_wait3A_72 = tpu.memref_slice %arg7[%dma_wait3A_70, %dma_wait3A_71] : memref<40x512xi32, #tpu.memory_space<vmem>> -> memref<1x512xi32, #tpu.memory_space<vmem>>
        %dma_wait3A_73 = tpu.memref_squeeze %dma_wait3A_72 : memref<1x512xi32, #tpu.memory_space<vmem>> -> memref<512xi32, #tpu.memory_space<vmem>>
        %dma_wait3A_74 = arith.constant 0 : i32
        %dma_wait3A_75 = arith.constant 0 : i32
        %dma_wait3A_76 = tpu.memref_slice %arg6[%dma_wait3A_74, %dma_wait3A_75] : memref<10240x16xf32, #tpu.memory_space<vmem_shared>> -> memref<10240x16xf32, #tpu.memory_space<vmem_shared>>
        tpu.wait_indirect_dma semaphore(%arg9 : memref<!tpu.dma_semaphore, #tpu.memory_space<semaphore_mem>>) src(%arg8 : memref<512x16xf32, #tpu.memory_space<vmem>>) dst(%dma_wait3A_76 : memref<10240x16xf32, #tpu.memory_space<vmem_shared>>)
      } else {
      }
    }
    %scan3A_5 = arith.constant 40 : i32
    %dma_wait3A = arith.constant 0 : i32
    %dma_wait3A_6 = arith.constant 0 : i32
    %dma_wait3A_7 = tpu.memref_slice %arg7[%dma_wait3A, %dma_wait3A_6] : memref<40x512xi32, #tpu.memory_space<vmem>> -> memref<1x512xi32, #tpu.memory_space<vmem>>
    %dma_wait3A_8 = tpu.memref_squeeze %dma_wait3A_7 : memref<1x512xi32, #tpu.memory_space<vmem>> -> memref<512xi32, #tpu.memory_space<vmem>>
    %dma_wait3A_9 = arith.constant 0 : i32
    %dma_wait3A_10 = arith.constant 0 : i32
    %dma_wait3A_11 = tpu.memref_slice %arg6[%dma_wait3A_9, %dma_wait3A_10] : memref<10240x16xf32, #tpu.memory_space<vmem_shared>> -> memref<10240x16xf32, #tpu.memory_space<vmem_shared>>
    tpu.wait_indirect_dma semaphore(%arg9 : memref<!tpu.dma_semaphore, #tpu.memory_space<semaphore_mem>>) src(%arg8 : memref<512x16xf32, #tpu.memory_space<vmem>>) dst(%dma_wait3A_11 : memref<10240x16xf32, #tpu.memory_space<vmem_shared>>)
    %dma_wait3A_12 = arith.constant 0 : i32
    %dma_wait3A_13 = arith.constant 0 : i32
    %dma_wait3A_14 = tpu.memref_slice %arg7[%dma_wait3A_12, %dma_wait3A_13] : memref<40x512xi32, #tpu.memory_space<vmem>> -> memref<1x512xi32, #tpu.memory_space<vmem>>
    %dma_wait3A_15 = tpu.memref_squeeze %dma_wait3A_14 : memref<1x512xi32, #tpu.memory_space<vmem>> -> memref<512xi32, #tpu.memory_space<vmem>>
    %dma_wait3A_16 = arith.constant 0 : i32
    %dma_wait3A_17 = arith.constant 0 : i32
    %dma_wait3A_18 = tpu.memref_slice %arg6[%dma_wait3A_16, %dma_wait3A_17] : memref<10240x16xf32, #tpu.memory_space<vmem_shared>> -> memref<10240x16xf32, #tpu.memory_space<vmem_shared>>
    tpu.wait_indirect_dma semaphore(%arg9 : memref<!tpu.dma_semaphore, #tpu.memory_space<semaphore_mem>>) src(%arg8 : memref<512x16xf32, #tpu.memory_space<vmem>>) dst(%dma_wait3A_18 : memref<10240x16xf32, #tpu.memory_space<vmem_shared>>)
    %dma_wait3A_19 = arith.constant 0 : i32
    %dma_wait3A_20 = arith.constant 0 : i32
    %dma_wait3A_21 = tpu.memref_slice %arg7[%dma_wait3A_19, %dma_wait3A_20] : memref<40x512xi32, #tpu.memory_space<vmem>> -> memref<1x512xi32, #tpu.memory_space<vmem>>
    %dma_wait3A_22 = tpu.memref_squeeze %dma_wait3A_21 : memref<1x512xi32, #tpu.memory_space<vmem>> -> memref<512xi32, #tpu.memory_space<vmem>>
    %dma_wait3A_23 = arith.constant 0 : i32
    %dma_wait3A_24 = arith.constant 0 : i32
    %dma_wait3A_25 = tpu.memref_slice %arg6[%dma_wait3A_23, %dma_wait3A_24] : memref<10240x16xf32, #tpu.memory_space<vmem_shared>> -> memref<10240x16xf32, #tpu.memory_space<vmem_shared>>
    tpu.wait_indirect_dma semaphore(%arg9 : memref<!tpu.dma_semaphore, #tpu.memory_space<semaphore_mem>>) src(%arg8 : memref<512x16xf32, #tpu.memory_space<vmem>>) dst(%dma_wait3A_25 : memref<10240x16xf32, #tpu.memory_space<vmem_shared>>)
    %dma_wait3A_26 = arith.constant 0 : i32
    %dma_wait3A_27 = arith.constant 0 : i32
    %dma_wait3A_28 = tpu.memref_slice %arg7[%dma_wait3A_26, %dma_wait3A_27] : memref<40x512xi32, #tpu.memory_space<vmem>> -> memref<1x512xi32, #tpu.memory_space<vmem>>
    %dma_wait3A_29 = tpu.memref_squeeze %dma_wait3A_28 : memref<1x512xi32, #tpu.memory_space<vmem>> -> memref<512xi32, #tpu.memory_space<vmem>>
    %dma_wait3A_30 = arith.constant 0 : i32
    %dma_wait3A_31 = arith.constant 0 : i32
    %dma_wait3A_32 = tpu.memref_slice %arg6[%dma_wait3A_30, %dma_wait3A_31] : memref<10240x16xf32, #tpu.memory_space<vmem_shared>> -> memref<10240x16xf32, #tpu.memory_space<vmem_shared>>
    tpu.wait_indirect_dma semaphore(%arg9 : memref<!tpu.dma_semaphore, #tpu.memory_space<semaphore_mem>>) src(%arg8 : memref<512x16xf32, #tpu.memory_space<vmem>>) dst(%dma_wait3A_32 : memref<10240x16xf32, #tpu.memory_space<vmem_shared>>)
    %dma_wait3A_33 = arith.constant 0 : i32
    %dma_wait3A_34 = arith.constant 0 : i32
    %dma_wait3A_35 = tpu.memref_slice %arg7[%dma_wait3A_33, %dma_wait3A_34] : memref<40x512xi32, #tpu.memory_space<vmem>> -> memref<1x512xi32, #tpu.memory_space<vmem>>
    %dma_wait3A_36 = tpu.memref_squeeze %dma_wait3A_35 : memref<1x512xi32, #tpu.memory_space<vmem>> -> memref<512xi32, #tpu.memory_space<vmem>>
    %dma_wait3A_37 = arith.constant 0 : i32
    %dma_wait3A_38 = arith.constant 0 : i32
    %dma_wait3A_39 = tpu.memref_slice %arg6[%dma_wait3A_37, %dma_wait3A_38] : memref<10240x16xf32, #tpu.memory_space<vmem_shared>> -> memref<10240x16xf32, #tpu.memory_space<vmem_shared>>
    tpu.wait_indirect_dma semaphore(%arg9 : memref<!tpu.dma_semaphore, #tpu.memory_space<semaphore_mem>>) src(%arg8 : memref<512x16xf32, #tpu.memory_space<vmem>>) dst(%dma_wait3A_39 : memref<10240x16xf32, #tpu.memory_space<vmem_shared>>)
    %dma_wait3A_40 = arith.constant 0 : i32
    %dma_wait3A_41 = arith.constant 0 : i32
    %dma_wait3A_42 = tpu.memref_slice %arg7[%dma_wait3A_40, %dma_wait3A_41] : memref<40x512xi32, #tpu.memory_space<vmem>> -> memref<1x512xi32, #tpu.memory_space<vmem>>
    %dma_wait3A_43 = tpu.memref_squeeze %dma_wait3A_42 : memref<1x512xi32, #tpu.memory_space<vmem>> -> memref<512xi32, #tpu.memory_space<vmem>>
    %dma_wait3A_44 = arith.constant 0 : i32
    %dma_wait3A_45 = arith.constant 0 : i32
    %dma_wait3A_46 = tpu.memref_slice %arg6[%dma_wait3A_44, %dma_wait3A_45] : memref<10240x16xf32, #tpu.memory_space<vmem_shared>> -> memref<10240x16xf32, #tpu.memory_space<vmem_shared>>
    tpu.wait_indirect_dma semaphore(%arg9 : memref<!tpu.dma_semaphore, #tpu.memory_space<semaphore_mem>>) src(%arg8 : memref<512x16xf32, #tpu.memory_space<vmem>>) dst(%dma_wait3A_46 : memref<10240x16xf32, #tpu.memory_space<vmem_shared>>)
    %dma_wait3A_47 = arith.constant 0 : i32
    %dma_wait3A_48 = arith.constant 0 : i32
    %dma_wait3A_49 = tpu.memref_slice %arg7[%dma_wait3A_47, %dma_wait3A_48] : memref<40x512xi32, #tpu.memory_space<vmem>> -> memref<1x512xi32, #tpu.memory_space<vmem>>
    %dma_wait3A_50 = tpu.memref_squeeze %dma_wait3A_49 : memref<1x512xi32, #tpu.memory_space<vmem>> -> memref<512xi32, #tpu.memory_space<vmem>>
    %dma_wait3A_51 = arith.constant 0 : i32
    %dma_wait3A_52 = arith.constant 0 : i32
    %dma_wait3A_53 = tpu.memref_slice %arg6[%dma_wait3A_51, %dma_wait3A_52] : memref<10240x16xf32, #tpu.memory_space<vmem_shared>> -> memref<10240x16xf32, #tpu.memory_space<vmem_shared>>
    tpu.wait_indirect_dma semaphore(%arg9 : memref<!tpu.dma_semaphore, #tpu.memory_space<semaphore_mem>>) src(%arg8 : memref<512x16xf32, #tpu.memory_space<vmem>>) dst(%dma_wait3A_53 : memref<10240x16xf32, #tpu.memory_space<vmem_shared>>)
    %dma_wait3A_54 = arith.constant 0 : i32
    %dma_wait3A_55 = arith.constant 0 : i32
    %dma_wait3A_56 = tpu.memref_slice %arg7[%dma_wait3A_54, %dma_wait3A_55] : memref<40x512xi32, #tpu.memory_space<vmem>> -> memref<1x512xi32, #tpu.memory_space<vmem>>
    %dma_wait3A_57 = tpu.memref_squeeze %dma_wait3A_56 : memref<1x512xi32, #tpu.memory_space<vmem>> -> memref<512xi32, #tpu.memory_space<vmem>>
    %dma_wait3A_58 = arith.constant 0 : i32
    %dma_wait3A_59 = arith.constant 0 : i32
    %dma_wait3A_60 = tpu.memref_slice %arg6[%dma_wait3A_58, %dma_wait3A_59] : memref<10240x16xf32, #tpu.memory_space<vmem_shared>> -> memref<10240x16xf32, #tpu.memory_space<vmem_shared>>
    tpu.wait_indirect_dma semaphore(%arg9 : memref<!tpu.dma_semaphore, #tpu.memory_space<semaphore_mem>>) src(%arg8 : memref<512x16xf32, #tpu.memory_space<vmem>>) dst(%dma_wait3A_60 : memref<10240x16xf32, #tpu.memory_space<vmem_shared>>)
    %barrier3A_61 = arith.constant 0 : index
    tpu.barrier barrier_id(%barrier3A_61)
    "tpu.region"() ({
      %run_scoped3A = tpu.sem_alloc : memref<!tpu.dma_semaphore, #tpu.memory_space<semaphore_mem>>
      %dma_start3A = arith.constant 0 : i32
      %dma_start3A_62 = tpu.memref_slice %arg5[%arg0, %mul3A_0, %dma_start3A] : memref<2x10240x16xf32, #tpu.memory_space<hbm>> -> memref<1x640x16xf32, #tpu.memory_space<hbm>>
      %dma_start3A_63 = tpu.memref_squeeze %dma_start3A_62 : memref<1x640x16xf32, #tpu.memory_space<hbm>> -> memref<640x16xf32, #tpu.memory_space<hbm>>
      %dma_start3A_64 = arith.constant 0 : i32
      %dma_start3A_65 = tpu.memref_slice %arg6[%mul3A_0, %dma_start3A_64] : memref<10240x16xf32, #tpu.memory_space<vmem_shared>> -> memref<640x16xf32, #tpu.memory_space<vmem_shared>>
      tpu.enqueue_dma source(%dma_start3A_65 : memref<640x16xf32, #tpu.memory_space<vmem_shared>>) target(%dma_start3A_63 : memref<640x16xf32, #tpu.memory_space<hbm>>) target_semaphore(%run_scoped3A : memref<!tpu.dma_semaphore, #tpu.memory_space<semaphore_mem>>)
      %dma_wait3A_66 = arith.constant 0 : i32
      %dma_wait3A_67 = tpu.memref_slice %arg5[%arg0, %mul3A_0, %dma_wait3A_66] : memref<2x10240x16xf32, #tpu.memory_space<hbm>> -> memref<1x640x16xf32, #tpu.memory_space<hbm>>
      %dma_wait3A_68 = tpu.memref_squeeze %dma_wait3A_67 : memref<1x640x16xf32, #tpu.memory_space<hbm>> -> memref<640x16xf32, #tpu.memory_space<hbm>>
      %dma_wait3A_69 = arith.constant 0 : i32
      %dma_wait3A_70 = tpu.memref_slice %arg6[%mul3A_0, %dma_wait3A_69] : memref<10240x16xf32, #tpu.memory_space<vmem_shared>> -> memref<640x16xf32, #tpu.memory_space<vmem_shared>>
      tpu.wait_dma2 semaphore(%run_scoped3A : memref<!tpu.dma_semaphore, #tpu.memory_space<semaphore_mem>>) src(%dma_wait3A_70 : memref<640x16xf32, #tpu.memory_space<vmem_shared>>) dst(%dma_wait3A_68 : memref<640x16xf32, #tpu.memory_space<hbm>>)
      tpu.yield
    }) : () -> ()
    return
  }
}

#map = affine_map<(d0, d1) -> (0, 0)>
#map1 = affine_map<(d0, d1) -> (0, 0, 0, 0)>
#map2 = affine_map<(d0, d1) -> (0, 0, 0)>
module attributes {stable_mosaic.version = 14 : i64} {
  func.func @body_fn(%arg0: i32, %arg1: i32, %arg2: memref<20480x64xf32, #tpu.memory_space<hbm>>, %arg3: memref<2x16x157x128xi32, #tpu.memory_space<hbm>>, %arg4: memref<2x16x157x128xi32, #tpu.memory_space<hbm>>, %arg5: memref<640x64xf32, #tpu.memory_space<hbm>>, %arg6: memref<2x10240x64xf32, #tpu.memory_space<hbm>>, %arg7: memref<10240x64xf32, #tpu.memory_space<vmem_shared>>, %arg8: memref<157x128xi32, #tpu.memory_space<vmem>>, %arg9: memref<157x128xi32, #tpu.memory_space<vmem>>, %arg10: memref<4x128x64xf32, #tpu.memory_space<vmem>>, %arg11: memref<!tpu.dma_semaphore, #tpu.memory_space<semaphore_mem>>, %arg12: memref<!tpu.dma_semaphore, #tpu.memory_space<semaphore_mem>>) attributes {dimension_semantics = [#tpu.dimension_semantics<core_parallel>, #tpu.dimension_semantics<subcore_parallel>], iteration_bounds = array<i64: 2, 16>, scalar_prefetch = 0 : i64, scratch_operands = 6 : i64, tpu.core_type = #tpu.core_type<sc_vector_subcore>, window_params = [{transform_indices = #map}, {transform_indices = #map1}, {transform_indices = #map1}, {transform_indices = #map}, {transform_indices = #map2}]} {
    %mul3A = arith.constant 640 : i32
    %mul3A_0 = arith.muli %arg1, %mul3A : i32
    "tpu.region"() ({
      %run_scoped3A = tpu.sem_alloc : memref<!tpu.dma_semaphore, #tpu.memory_space<semaphore_mem>>
      %dma_start3A_101 = arith.constant 0 : i32
      %dma_start3A_102 = arith.constant 0 : i32
      %dma_start3A_103 = tpu.memref_slice %arg3[%arg0, %arg1, %dma_start3A_101, %dma_start3A_102] : memref<2x16x157x128xi32, #tpu.memory_space<hbm>> -> memref<1x1x157x128xi32, #tpu.memory_space<hbm>>
      %dma_start3A_104 = tpu.memref_squeeze %dma_start3A_103 : memref<1x1x157x128xi32, #tpu.memory_space<hbm>> -> memref<157x128xi32, #tpu.memory_space<hbm>>
      %dma_start3A_105 = arith.constant 0 : i32
      %dma_start3A_106 = arith.constant 0 : i32
      %dma_start3A_107 = tpu.memref_slice %arg3[%arg0, %arg1, %dma_start3A_105, %dma_start3A_106] : memref<2x16x157x128xi32, #tpu.memory_space<hbm>> -> memref<1x1x157x128xi32, #tpu.memory_space<hbm>>
      %dma_start3A_108 = tpu.memref_squeeze %dma_start3A_107 : memref<1x1x157x128xi32, #tpu.memory_space<hbm>> -> memref<157x128xi32, #tpu.memory_space<hbm>>
      tpu.enqueue_dma source(%dma_start3A_108 : memref<157x128xi32, #tpu.memory_space<hbm>>) target(%arg8 : memref<157x128xi32, #tpu.memory_space<vmem>>) target_semaphore(%run_scoped3A : memref<!tpu.dma_semaphore, #tpu.memory_space<semaphore_mem>>)
      %dma_wait3A_109 = arith.constant 0 : i32
      %dma_wait3A_110 = arith.constant 0 : i32
      %dma_wait3A_111 = tpu.memref_slice %arg3[%arg0, %arg1, %dma_wait3A_109, %dma_wait3A_110] : memref<2x16x157x128xi32, #tpu.memory_space<hbm>> -> memref<1x1x157x128xi32, #tpu.memory_space<hbm>>
      %dma_wait3A_112 = tpu.memref_squeeze %dma_wait3A_111 : memref<1x1x157x128xi32, #tpu.memory_space<hbm>> -> memref<157x128xi32, #tpu.memory_space<hbm>>
      %dma_wait3A_113 = arith.constant 0 : i32
      %dma_wait3A_114 = arith.constant 0 : i32
      %dma_wait3A_115 = tpu.memref_slice %arg3[%arg0, %arg1, %dma_wait3A_113, %dma_wait3A_114] : memref<2x16x157x128xi32, #tpu.memory_space<hbm>> -> memref<1x1x157x128xi32, #tpu.memory_space<hbm>>
      %dma_wait3A_116 = tpu.memref_squeeze %dma_wait3A_115 : memref<1x1x157x128xi32, #tpu.memory_space<hbm>> -> memref<157x128xi32, #tpu.memory_space<hbm>>
      tpu.wait_dma2 semaphore(%run_scoped3A : memref<!tpu.dma_semaphore, #tpu.memory_space<semaphore_mem>>) src(%dma_wait3A_116 : memref<157x128xi32, #tpu.memory_space<hbm>>) dst(%arg8 : memref<157x128xi32, #tpu.memory_space<vmem>>)
      tpu.yield
    }) : () -> ()
    "tpu.region"() ({
      %run_scoped3A = tpu.sem_alloc : memref<!tpu.dma_semaphore, #tpu.memory_space<semaphore_mem>>
      %dma_start3A_101 = arith.constant 0 : i32
      %dma_start3A_102 = arith.constant 0 : i32
      %dma_start3A_103 = tpu.memref_slice %arg4[%arg0, %arg1, %dma_start3A_101, %dma_start3A_102] : memref<2x16x157x128xi32, #tpu.memory_space<hbm>> -> memref<1x1x157x128xi32, #tpu.memory_space<hbm>>
      %dma_start3A_104 = tpu.memref_squeeze %dma_start3A_103 : memref<1x1x157x128xi32, #tpu.memory_space<hbm>> -> memref<157x128xi32, #tpu.memory_space<hbm>>
      %dma_start3A_105 = arith.constant 0 : i32
      %dma_start3A_106 = arith.constant 0 : i32
      %dma_start3A_107 = tpu.memref_slice %arg4[%arg0, %arg1, %dma_start3A_105, %dma_start3A_106] : memref<2x16x157x128xi32, #tpu.memory_space<hbm>> -> memref<1x1x157x128xi32, #tpu.memory_space<hbm>>
      %dma_start3A_108 = tpu.memref_squeeze %dma_start3A_107 : memref<1x1x157x128xi32, #tpu.memory_space<hbm>> -> memref<157x128xi32, #tpu.memory_space<hbm>>
      tpu.enqueue_dma source(%dma_start3A_108 : memref<157x128xi32, #tpu.memory_space<hbm>>) target(%arg9 : memref<157x128xi32, #tpu.memory_space<vmem>>) target_semaphore(%run_scoped3A : memref<!tpu.dma_semaphore, #tpu.memory_space<semaphore_mem>>)
      %dma_wait3A_109 = arith.constant 0 : i32
      %dma_wait3A_110 = arith.constant 0 : i32
      %dma_wait3A_111 = tpu.memref_slice %arg4[%arg0, %arg1, %dma_wait3A_109, %dma_wait3A_110] : memref<2x16x157x128xi32, #tpu.memory_space<hbm>> -> memref<1x1x157x128xi32, #tpu.memory_space<hbm>>
      %dma_wait3A_112 = tpu.memref_squeeze %dma_wait3A_111 : memref<1x1x157x128xi32, #tpu.memory_space<hbm>> -> memref<157x128xi32, #tpu.memory_space<hbm>>
      %dma_wait3A_113 = arith.constant 0 : i32
      %dma_wait3A_114 = arith.constant 0 : i32
      %dma_wait3A_115 = tpu.memref_slice %arg4[%arg0, %arg1, %dma_wait3A_113, %dma_wait3A_114] : memref<2x16x157x128xi32, #tpu.memory_space<hbm>> -> memref<1x1x157x128xi32, #tpu.memory_space<hbm>>
      %dma_wait3A_116 = tpu.memref_squeeze %dma_wait3A_115 : memref<1x1x157x128xi32, #tpu.memory_space<hbm>> -> memref<157x128xi32, #tpu.memory_space<hbm>>
      tpu.wait_dma2 semaphore(%run_scoped3A : memref<!tpu.dma_semaphore, #tpu.memory_space<semaphore_mem>>) src(%dma_wait3A_116 : memref<157x128xi32, #tpu.memory_space<hbm>>) dst(%arg9 : memref<157x128xi32, #tpu.memory_space<vmem>>)
      tpu.yield
    }) : () -> ()
    "tpu.region"() ({
      %run_scoped3A = tpu.sem_alloc : memref<!tpu.dma_semaphore, #tpu.memory_space<semaphore_mem>>
      %dma_start3A_101 = arith.constant 0 : i32
      %dma_start3A_102 = tpu.memref_slice %arg7[%mul3A_0, %dma_start3A_101] : memref<10240x64xf32, #tpu.memory_space<vmem_shared>> -> memref<640x64xf32, #tpu.memory_space<vmem_shared>>
      tpu.enqueue_dma source(%arg5 : memref<640x64xf32, #tpu.memory_space<hbm>>) target(%dma_start3A_102 : memref<640x64xf32, #tpu.memory_space<vmem_shared>>) target_semaphore(%run_scoped3A : memref<!tpu.dma_semaphore, #tpu.memory_space<semaphore_mem>>)
      %dma_wait3A_103 = arith.constant 0 : i32
      %dma_wait3A_104 = tpu.memref_slice %arg7[%mul3A_0, %dma_wait3A_103] : memref<10240x64xf32, #tpu.memory_space<vmem_shared>> -> memref<640x64xf32, #tpu.memory_space<vmem_shared>>
      tpu.wait_dma2 semaphore(%run_scoped3A : memref<!tpu.dma_semaphore, #tpu.memory_space<semaphore_mem>>) src(%arg5 : memref<640x64xf32, #tpu.memory_space<hbm>>) dst(%dma_wait3A_104 : memref<640x64xf32, #tpu.memory_space<vmem_shared>>)
      tpu.yield
    }) : () -> ()
    %dma_start3A = arith.constant 0 : i32
    %dma_start3A_1 = arith.constant 0 : i32
    %dma_start3A_2 = arith.constant 0 : i32
    %dma_start3A_3 = arith.constant 0 : i32
    %dma_start3A_4 = tpu.memref_slice %arg10[%dma_start3A_1, %dma_start3A_2, %dma_start3A_3] : memref<4x128x64xf32, #tpu.memory_space<vmem>> -> memref<1x128x64xf32, #tpu.memory_space<vmem>>
    %dma_start3A_5 = tpu.memref_squeeze %dma_start3A_4 : memref<1x128x64xf32, #tpu.memory_space<vmem>> -> memref<128x64xf32, #tpu.memory_space<vmem>>
    %dma_start3A_6 = arith.constant 0 : i32
    %dma_start3A_7 = tpu.memref_slice %arg8[%dma_start3A, %dma_start3A_6] : memref<157x128xi32, #tpu.memory_space<vmem>> -> memref<1x128xi32, #tpu.memory_space<vmem>>
    %dma_start3A_8 = tpu.memref_squeeze %dma_start3A_7 : memref<1x128xi32, #tpu.memory_space<vmem>> -> memref<128xi32, #tpu.memory_space<vmem>>
    %dma_start3A_9 = arith.constant 0 : i32
    %dma_start3A_10 = arith.constant 0 : i32
    %dma_start3A_11 = tpu.memref_slice %arg2[%dma_start3A_9, %dma_start3A_10] : memref<20480x64xf32, #tpu.memory_space<hbm>> -> memref<20480x64xf32, #tpu.memory_space<hbm>>
    tpu.enqueue_indirect_dma source(%dma_start3A_11 : memref<20480x64xf32, #tpu.memory_space<hbm>>) target(%dma_start3A_5 : memref<128x64xf32, #tpu.memory_space<vmem>>) offsets(%dma_start3A_8 : memref<128xi32, #tpu.memory_space<vmem>>) semaphore(%arg11 : memref<!tpu.dma_semaphore, #tpu.memory_space<semaphore_mem>>)
    %dma_start3A_12 = arith.constant 1 : i32
    %dma_start3A_13 = arith.constant 1 : i32
    %dma_start3A_14 = arith.constant 0 : i32
    %dma_start3A_15 = arith.constant 0 : i32
    %dma_start3A_16 = tpu.memref_slice %arg10[%dma_start3A_13, %dma_start3A_14, %dma_start3A_15] : memref<4x128x64xf32, #tpu.memory_space<vmem>> -> memref<1x128x64xf32, #tpu.memory_space<vmem>>
    %dma_start3A_17 = tpu.memref_squeeze %dma_start3A_16 : memref<1x128x64xf32, #tpu.memory_space<vmem>> -> memref<128x64xf32, #tpu.memory_space<vmem>>
    %dma_start3A_18 = arith.constant 0 : i32
    %dma_start3A_19 = tpu.memref_slice %arg8[%dma_start3A_12, %dma_start3A_18] : memref<157x128xi32, #tpu.memory_space<vmem>> -> memref<1x128xi32, #tpu.memory_space<vmem>>
    %dma_start3A_20 = tpu.memref_squeeze %dma_start3A_19 : memref<1x128xi32, #tpu.memory_space<vmem>> -> memref<128xi32, #tpu.memory_space<vmem>>
    %dma_start3A_21 = arith.constant 0 : i32
    %dma_start3A_22 = arith.constant 0 : i32
    %dma_start3A_23 = tpu.memref_slice %arg2[%dma_start3A_21, %dma_start3A_22] : memref<20480x64xf32, #tpu.memory_space<hbm>> -> memref<20480x64xf32, #tpu.memory_space<hbm>>
    tpu.enqueue_indirect_dma source(%dma_start3A_23 : memref<20480x64xf32, #tpu.memory_space<hbm>>) target(%dma_start3A_17 : memref<128x64xf32, #tpu.memory_space<vmem>>) offsets(%dma_start3A_20 : memref<128xi32, #tpu.memory_space<vmem>>) semaphore(%arg11 : memref<!tpu.dma_semaphore, #tpu.memory_space<semaphore_mem>>)
    %dma_start3A_24 = arith.constant 2 : i32
    %dma_start3A_25 = arith.constant 2 : i32
    %dma_start3A_26 = arith.constant 0 : i32
    %dma_start3A_27 = arith.constant 0 : i32
    %dma_start3A_28 = tpu.memref_slice %arg10[%dma_start3A_25, %dma_start3A_26, %dma_start3A_27] : memref<4x128x64xf32, #tpu.memory_space<vmem>> -> memref<1x128x64xf32, #tpu.memory_space<vmem>>
    %dma_start3A_29 = tpu.memref_squeeze %dma_start3A_28 : memref<1x128x64xf32, #tpu.memory_space<vmem>> -> memref<128x64xf32, #tpu.memory_space<vmem>>
    %dma_start3A_30 = arith.constant 0 : i32
    %dma_start3A_31 = tpu.memref_slice %arg8[%dma_start3A_24, %dma_start3A_30] : memref<157x128xi32, #tpu.memory_space<vmem>> -> memref<1x128xi32, #tpu.memory_space<vmem>>
    %dma_start3A_32 = tpu.memref_squeeze %dma_start3A_31 : memref<1x128xi32, #tpu.memory_space<vmem>> -> memref<128xi32, #tpu.memory_space<vmem>>
    %dma_start3A_33 = arith.constant 0 : i32
    %dma_start3A_34 = arith.constant 0 : i32
    %dma_start3A_35 = tpu.memref_slice %arg2[%dma_start3A_33, %dma_start3A_34] : memref<20480x64xf32, #tpu.memory_space<hbm>> -> memref<20480x64xf32, #tpu.memory_space<hbm>>
    tpu.enqueue_indirect_dma source(%dma_start3A_35 : memref<20480x64xf32, #tpu.memory_space<hbm>>) target(%dma_start3A_29 : memref<128x64xf32, #tpu.memory_space<vmem>>) offsets(%dma_start3A_32 : memref<128xi32, #tpu.memory_space<vmem>>) semaphore(%arg11 : memref<!tpu.dma_semaphore, #tpu.memory_space<semaphore_mem>>)
    %dma_start3A_36 = arith.constant 3 : i32
    %dma_start3A_37 = arith.constant 3 : i32
    %dma_start3A_38 = arith.constant 0 : i32
    %dma_start3A_39 = arith.constant 0 : i32
    %dma_start3A_40 = tpu.memref_slice %arg10[%dma_start3A_37, %dma_start3A_38, %dma_start3A_39] : memref<4x128x64xf32, #tpu.memory_space<vmem>> -> memref<1x128x64xf32, #tpu.memory_space<vmem>>
    %dma_start3A_41 = tpu.memref_squeeze %dma_start3A_40 : memref<1x128x64xf32, #tpu.memory_space<vmem>> -> memref<128x64xf32, #tpu.memory_space<vmem>>
    %dma_start3A_42 = arith.constant 0 : i32
    %dma_start3A_43 = tpu.memref_slice %arg8[%dma_start3A_36, %dma_start3A_42] : memref<157x128xi32, #tpu.memory_space<vmem>> -> memref<1x128xi32, #tpu.memory_space<vmem>>
    %dma_start3A_44 = tpu.memref_squeeze %dma_start3A_43 : memref<1x128xi32, #tpu.memory_space<vmem>> -> memref<128xi32, #tpu.memory_space<vmem>>
    %dma_start3A_45 = arith.constant 0 : i32
    %dma_start3A_46 = arith.constant 0 : i32
    %dma_start3A_47 = tpu.memref_slice %arg2[%dma_start3A_45, %dma_start3A_46] : memref<20480x64xf32, #tpu.memory_space<hbm>> -> memref<20480x64xf32, #tpu.memory_space<hbm>>
    tpu.enqueue_indirect_dma source(%dma_start3A_47 : memref<20480x64xf32, #tpu.memory_space<hbm>>) target(%dma_start3A_41 : memref<128x64xf32, #tpu.memory_space<vmem>>) offsets(%dma_start3A_44 : memref<128xi32, #tpu.memory_space<vmem>>) semaphore(%arg11 : memref<!tpu.dma_semaphore, #tpu.memory_space<semaphore_mem>>)
    %barrier3A = arith.constant 0 : index
    tpu.barrier barrier_id(%barrier3A)
    %scan3A = arith.constant 0 : i32
    %scan3A_48 = arith.constant 0 : i32
    %scan3A_49 = arith.constant 157 : i32
    %scan3A_50 = arith.addi %scan3A_48, %scan3A_49 : i32
    %scan3A_51 = arith.constant 1 : i32
    scf.for %scan3A_101 = %scan3A_48 to %scan3A_50 step %scan3A_51  : i32 {
      %sub3A = arith.constant 2 : i32
      %sub3A_102 = arith.subi %scan3A_101, %sub3A : i32
      %ge3A = arith.constant 0 : i32
      %ge3A_103 = arith.cmpi sge, %sub3A_102, %ge3A : i32
      %add3A = arith.constant 4 : i32
      %add3A_104 = arith.addi %sub3A_102, %add3A : i32
      %lt3A = arith.constant 157 : i32
      %lt3A_105 = arith.cmpi slt, %add3A_104, %lt3A : i32
      %and3A = arith.andi %ge3A_103, %lt3A_105 : i1
      %convert_element_type3A = arith.extui %and3A : i1 to i32
      %cond3A = arith.constant 0 : i32
      %cond3A_106 = arith.cmpi ne, %convert_element_type3A, %cond3A : i32
      scf.if %cond3A_106 {
        %dma_wait3A_131 = arith.constant 0 : i32
        %dma_wait3A_132 = arith.constant 0 : i32
        %dma_wait3A_133 = arith.constant 0 : i32
        %dma_wait3A_134 = arith.constant 0 : i32
        %dma_wait3A_135 = tpu.memref_slice %arg10[%dma_wait3A_131, %dma_wait3A_133, %dma_wait3A_134] : memref<4x128x64xf32, #tpu.memory_space<vmem>> -> memref<1x128x64xf32, #tpu.memory_space<vmem>>
        %dma_wait3A_136 = tpu.memref_squeeze %dma_wait3A_135 : memref<1x128x64xf32, #tpu.memory_space<vmem>> -> memref<128x64xf32, #tpu.memory_space<vmem>>
        %dma_wait3A_137 = arith.constant 0 : i32
        %dma_wait3A_138 = tpu.memref_slice %arg9[%dma_wait3A_132, %dma_wait3A_137] : memref<157x128xi32, #tpu.memory_space<vmem>> -> memref<1x128xi32, #tpu.memory_space<vmem>>
        %dma_wait3A_139 = tpu.memref_squeeze %dma_wait3A_138 : memref<1x128xi32, #tpu.memory_space<vmem>> -> memref<128xi32, #tpu.memory_space<vmem>>
        %dma_wait3A_140 = arith.constant 0 : i32
        %dma_wait3A_141 = arith.constant 0 : i32
        %dma_wait3A_142 = tpu.memref_slice %arg7[%dma_wait3A_140, %dma_wait3A_141] : memref<10240x64xf32, #tpu.memory_space<vmem_shared>> -> memref<10240x64xf32, #tpu.memory_space<vmem_shared>>
        tpu.wait_indirect_dma semaphore(%arg12 : memref<!tpu.dma_semaphore, #tpu.memory_space<semaphore_mem>>) src(%dma_wait3A_136 : memref<128x64xf32, #tpu.memory_space<vmem>>) dst(%dma_wait3A_142 : memref<10240x64xf32, #tpu.memory_space<vmem_shared>>)
        %add3A_143 = arith.constant 4 : i32
        %add3A_144 = arith.addi %sub3A_102, %add3A_143 : i32
        %rem3A_145 = arith.constant 4 : i32
        %rem3A_146 = arith.remsi %sub3A_102, %rem3A_145 : i32
        %dma_start3A_147 = arith.constant 0 : i32
        %dma_start3A_148 = arith.constant 0 : i32
        %dma_start3A_149 = tpu.memref_slice %arg10[%rem3A_146, %dma_start3A_147, %dma_start3A_148] : memref<4x128x64xf32, #tpu.memory_space<vmem>> -> memref<1x128x64xf32, #tpu.memory_space<vmem>>
        %dma_start3A_150 = tpu.memref_squeeze %dma_start3A_149 : memref<1x128x64xf32, #tpu.memory_space<vmem>> -> memref<128x64xf32, #tpu.memory_space<vmem>>
        %dma_start3A_151 = arith.constant 0 : i32
        %dma_start3A_152 = tpu.memref_slice %arg8[%add3A_144, %dma_start3A_151] : memref<157x128xi32, #tpu.memory_space<vmem>> -> memref<1x128xi32, #tpu.memory_space<vmem>>
        %dma_start3A_153 = tpu.memref_squeeze %dma_start3A_152 : memref<1x128xi32, #tpu.memory_space<vmem>> -> memref<128xi32, #tpu.memory_space<vmem>>
        %dma_start3A_154 = arith.constant 0 : i32
        %dma_start3A_155 = arith.constant 0 : i32
        %dma_start3A_156 = tpu.memref_slice %arg2[%dma_start3A_154, %dma_start3A_155] : memref<20480x64xf32, #tpu.memory_space<hbm>> -> memref<20480x64xf32, #tpu.memory_space<hbm>>
        tpu.enqueue_indirect_dma source(%dma_start3A_156 : memref<20480x64xf32, #tpu.memory_space<hbm>>) target(%dma_start3A_150 : memref<128x64xf32, #tpu.memory_space<vmem>>) offsets(%dma_start3A_153 : memref<128xi32, #tpu.memory_space<vmem>>) semaphore(%arg11 : memref<!tpu.dma_semaphore, #tpu.memory_space<semaphore_mem>>)
      } else {
      }
      %rem3A = arith.constant 4 : i32
      %rem3A_107 = arith.remsi %scan3A_101, %rem3A : i32
      %dma_wait3A_108 = arith.constant 0 : i32
      %dma_wait3A_109 = arith.constant 0 : i32
      %dma_wait3A_110 = arith.constant 0 : i32
      %dma_wait3A_111 = tpu.memref_slice %arg10[%rem3A_107, %dma_wait3A_109, %dma_wait3A_110] : memref<4x128x64xf32, #tpu.memory_space<vmem>> -> memref<1x128x64xf32, #tpu.memory_space<vmem>>
      %dma_wait3A_112 = tpu.memref_squeeze %dma_wait3A_111 : memref<1x128x64xf32, #tpu.memory_space<vmem>> -> memref<128x64xf32, #tpu.memory_space<vmem>>
      %dma_wait3A_113 = arith.constant 0 : i32
      %dma_wait3A_114 = tpu.memref_slice %arg8[%dma_wait3A_108, %dma_wait3A_113] : memref<157x128xi32, #tpu.memory_space<vmem>> -> memref<1x128xi32, #tpu.memory_space<vmem>>
      %dma_wait3A_115 = tpu.memref_squeeze %dma_wait3A_114 : memref<1x128xi32, #tpu.memory_space<vmem>> -> memref<128xi32, #tpu.memory_space<vmem>>
      %dma_wait3A_116 = arith.constant 0 : i32
      %dma_wait3A_117 = arith.constant 0 : i32
      %dma_wait3A_118 = tpu.memref_slice %arg2[%dma_wait3A_116, %dma_wait3A_117] : memref<20480x64xf32, #tpu.memory_space<hbm>> -> memref<20480x64xf32, #tpu.memory_space<hbm>>
      tpu.wait_indirect_dma semaphore(%arg11 : memref<!tpu.dma_semaphore, #tpu.memory_space<semaphore_mem>>) src(%dma_wait3A_118 : memref<20480x64xf32, #tpu.memory_space<hbm>>) dst(%dma_wait3A_112 : memref<128x64xf32, #tpu.memory_space<vmem>>)
      %rem3A_119 = arith.constant 4 : i32
      %rem3A_120 = arith.remsi %scan3A_101, %rem3A_119 : i32
      %dma_start3A_121 = arith.constant 0 : i32
      %dma_start3A_122 = arith.constant 0 : i32
      %dma_start3A_123 = tpu.memref_slice %arg10[%rem3A_120, %dma_start3A_121, %dma_start3A_122] : memref<4x128x64xf32, #tpu.memory_space<vmem>> -> memref<1x128x64xf32, #tpu.memory_space<vmem>>
      %dma_start3A_124 = tpu.memref_squeeze %dma_start3A_123 : memref<1x128x64xf32, #tpu.memory_space<vmem>> -> memref<128x64xf32, #tpu.memory_space<vmem>>
      %dma_start3A_125 = arith.constant 0 : i32
      %dma_start3A_126 = tpu.memref_slice %arg9[%scan3A_101, %dma_start3A_125] : memref<157x128xi32, #tpu.memory_space<vmem>> -> memref<1x128xi32, #tpu.memory_space<vmem>>
      %dma_start3A_127 = tpu.memref_squeeze %dma_start3A_126 : memref<1x128xi32, #tpu.memory_space<vmem>> -> memref<128xi32, #tpu.memory_space<vmem>>
      %dma_start3A_128 = arith.constant 0 : i32
      %dma_start3A_129 = arith.constant 0 : i32
      %dma_start3A_130 = tpu.memref_slice %arg7[%dma_start3A_128, %dma_start3A_129] : memref<10240x64xf32, #tpu.memory_space<vmem_shared>> -> memref<10240x64xf32, #tpu.memory_space<vmem_shared>>
      tpu.enqueue_indirect_dma source(%dma_start3A_124 : memref<128x64xf32, #tpu.memory_space<vmem>>) target(%dma_start3A_130 : memref<10240x64xf32, #tpu.memory_space<vmem_shared>>) offsets(%dma_start3A_127 : memref<128xi32, #tpu.memory_space<vmem>>) semaphore(%arg12 : memref<!tpu.dma_semaphore, #tpu.memory_space<semaphore_mem>>) {add = true}
    }
    %scan3A_52 = arith.constant 157 : i32
    %dma_wait3A = arith.constant 0 : i32
    %dma_wait3A_53 = arith.constant 0 : i32
    %dma_wait3A_54 = arith.constant 0 : i32
    %dma_wait3A_55 = arith.constant 0 : i32
    %dma_wait3A_56 = tpu.memref_slice %arg10[%dma_wait3A, %dma_wait3A_54, %dma_wait3A_55] : memref<4x128x64xf32, #tpu.memory_space<vmem>> -> memref<1x128x64xf32, #tpu.memory_space<vmem>>
    %dma_wait3A_57 = tpu.memref_squeeze %dma_wait3A_56 : memref<1x128x64xf32, #tpu.memory_space<vmem>> -> memref<128x64xf32, #tpu.memory_space<vmem>>
    %dma_wait3A_58 = arith.constant 0 : i32
    %dma_wait3A_59 = tpu.memref_slice %arg9[%dma_wait3A_53, %dma_wait3A_58] : memref<157x128xi32, #tpu.memory_space<vmem>> -> memref<1x128xi32, #tpu.memory_space<vmem>>
    %dma_wait3A_60 = tpu.memref_squeeze %dma_wait3A_59 : memref<1x128xi32, #tpu.memory_space<vmem>> -> memref<128xi32, #tpu.memory_space<vmem>>
    %dma_wait3A_61 = arith.constant 0 : i32
    %dma_wait3A_62 = arith.constant 0 : i32
    %dma_wait3A_63 = tpu.memref_slice %arg7[%dma_wait3A_61, %dma_wait3A_62] : memref<10240x64xf32, #tpu.memory_space<vmem_shared>> -> memref<10240x64xf32, #tpu.memory_space<vmem_shared>>
    tpu.wait_indirect_dma semaphore(%arg12 : memref<!tpu.dma_semaphore, #tpu.memory_space<semaphore_mem>>) src(%dma_wait3A_57 : memref<128x64xf32, #tpu.memory_space<vmem>>) dst(%dma_wait3A_63 : memref<10240x64xf32, #tpu.memory_space<vmem_shared>>)
    %dma_wait3A_64 = arith.constant 0 : i32
    %dma_wait3A_65 = arith.constant 0 : i32
    %dma_wait3A_66 = arith.constant 0 : i32
    %dma_wait3A_67 = arith.constant 0 : i32
    %dma_wait3A_68 = tpu.memref_slice %arg10[%dma_wait3A_64, %dma_wait3A_66, %dma_wait3A_67] : memref<4x128x64xf32, #tpu.memory_space<vmem>> -> memref<1x128x64xf32, #tpu.memory_space<vmem>>
    %dma_wait3A_69 = tpu.memref_squeeze %dma_wait3A_68 : memref<1x128x64xf32, #tpu.memory_space<vmem>> -> memref<128x64xf32, #tpu.memory_space<vmem>>
    %dma_wait3A_70 = arith.constant 0 : i32
    %dma_wait3A_71 = tpu.memref_slice %arg9[%dma_wait3A_65, %dma_wait3A_70] : memref<157x128xi32, #tpu.memory_space<vmem>> -> memref<1x128xi32, #tpu.memory_space<vmem>>
    %dma_wait3A_72 = tpu.memref_squeeze %dma_wait3A_71 : memref<1x128xi32, #tpu.memory_space<vmem>> -> memref<128xi32, #tpu.memory_space<vmem>>
    %dma_wait3A_73 = arith.constant 0 : i32
    %dma_wait3A_74 = arith.constant 0 : i32
    %dma_wait3A_75 = tpu.memref_slice %arg7[%dma_wait3A_73, %dma_wait3A_74] : memref<10240x64xf32, #tpu.memory_space<vmem_shared>> -> memref<10240x64xf32, #tpu.memory_space<vmem_shared>>
    tpu.wait_indirect_dma semaphore(%arg12 : memref<!tpu.dma_semaphore, #tpu.memory_space<semaphore_mem>>) src(%dma_wait3A_69 : memref<128x64xf32, #tpu.memory_space<vmem>>) dst(%dma_wait3A_75 : memref<10240x64xf32, #tpu.memory_space<vmem_shared>>)
    %dma_wait3A_76 = arith.constant 0 : i32
    %dma_wait3A_77 = arith.constant 0 : i32
    %dma_wait3A_78 = arith.constant 0 : i32
    %dma_wait3A_79 = arith.constant 0 : i32
    %dma_wait3A_80 = tpu.memref_slice %arg10[%dma_wait3A_76, %dma_wait3A_78, %dma_wait3A_79] : memref<4x128x64xf32, #tpu.memory_space<vmem>> -> memref<1x128x64xf32, #tpu.memory_space<vmem>>
    %dma_wait3A_81 = tpu.memref_squeeze %dma_wait3A_80 : memref<1x128x64xf32, #tpu.memory_space<vmem>> -> memref<128x64xf32, #tpu.memory_space<vmem>>
    %dma_wait3A_82 = arith.constant 0 : i32
    %dma_wait3A_83 = tpu.memref_slice %arg9[%dma_wait3A_77, %dma_wait3A_82] : memref<157x128xi32, #tpu.memory_space<vmem>> -> memref<1x128xi32, #tpu.memory_space<vmem>>
    %dma_wait3A_84 = tpu.memref_squeeze %dma_wait3A_83 : memref<1x128xi32, #tpu.memory_space<vmem>> -> memref<128xi32, #tpu.memory_space<vmem>>
    %dma_wait3A_85 = arith.constant 0 : i32
    %dma_wait3A_86 = arith.constant 0 : i32
    %dma_wait3A_87 = tpu.memref_slice %arg7[%dma_wait3A_85, %dma_wait3A_86] : memref<10240x64xf32, #tpu.memory_space<vmem_shared>> -> memref<10240x64xf32, #tpu.memory_space<vmem_shared>>
    tpu.wait_indirect_dma semaphore(%arg12 : memref<!tpu.dma_semaphore, #tpu.memory_space<semaphore_mem>>) src(%dma_wait3A_81 : memref<128x64xf32, #tpu.memory_space<vmem>>) dst(%dma_wait3A_87 : memref<10240x64xf32, #tpu.memory_space<vmem_shared>>)
    %dma_wait3A_88 = arith.constant 0 : i32
    %dma_wait3A_89 = arith.constant 0 : i32
    %dma_wait3A_90 = arith.constant 0 : i32
    %dma_wait3A_91 = arith.constant 0 : i32
    %dma_wait3A_92 = tpu.memref_slice %arg10[%dma_wait3A_88, %dma_wait3A_90, %dma_wait3A_91] : memref<4x128x64xf32, #tpu.memory_space<vmem>> -> memref<1x128x64xf32, #tpu.memory_space<vmem>>
    %dma_wait3A_93 = tpu.memref_squeeze %dma_wait3A_92 : memref<1x128x64xf32, #tpu.memory_space<vmem>> -> memref<128x64xf32, #tpu.memory_space<vmem>>
    %dma_wait3A_94 = arith.constant 0 : i32
    %dma_wait3A_95 = tpu.memref_slice %arg9[%dma_wait3A_89, %dma_wait3A_94] : memref<157x128xi32, #tpu.memory_space<vmem>> -> memref<1x128xi32, #tpu.memory_space<vmem>>
    %dma_wait3A_96 = tpu.memref_squeeze %dma_wait3A_95 : memref<1x128xi32, #tpu.memory_space<vmem>> -> memref<128xi32, #tpu.memory_space<vmem>>
    %dma_wait3A_97 = arith.constant 0 : i32
    %dma_wait3A_98 = arith.constant 0 : i32
    %dma_wait3A_99 = tpu.memref_slice %arg7[%dma_wait3A_97, %dma_wait3A_98] : memref<10240x64xf32, #tpu.memory_space<vmem_shared>> -> memref<10240x64xf32, #tpu.memory_space<vmem_shared>>
    tpu.wait_indirect_dma semaphore(%arg12 : memref<!tpu.dma_semaphore, #tpu.memory_space<semaphore_mem>>) src(%dma_wait3A_93 : memref<128x64xf32, #tpu.memory_space<vmem>>) dst(%dma_wait3A_99 : memref<10240x64xf32, #tpu.memory_space<vmem_shared>>)
    %barrier3A_100 = arith.constant 0 : index
    tpu.barrier barrier_id(%barrier3A_100)
    "tpu.region"() ({
      %run_scoped3A = tpu.sem_alloc : memref<!tpu.dma_semaphore, #tpu.memory_space<semaphore_mem>>
      %dma_start3A_101 = arith.constant 0 : i32
      %dma_start3A_102 = tpu.memref_slice %arg6[%arg0, %mul3A_0, %dma_start3A_101] : memref<2x10240x64xf32, #tpu.memory_space<hbm>> -> memref<1x640x64xf32, #tpu.memory_space<hbm>>
      %dma_start3A_103 = tpu.memref_squeeze %dma_start3A_102 : memref<1x640x64xf32, #tpu.memory_space<hbm>> -> memref<640x64xf32, #tpu.memory_space<hbm>>
      %dma_start3A_104 = arith.constant 0 : i32
      %dma_start3A_105 = tpu.memref_slice %arg7[%mul3A_0, %dma_start3A_104] : memref<10240x64xf32, #tpu.memory_space<vmem_shared>> -> memref<640x64xf32, #tpu.memory_space<vmem_shared>>
      tpu.enqueue_dma source(%dma_start3A_105 : memref<640x64xf32, #tpu.memory_space<vmem_shared>>) target(%dma_start3A_103 : memref<640x64xf32, #tpu.memory_space<hbm>>) target_semaphore(%run_scoped3A : memref<!tpu.dma_semaphore, #tpu.memory_space<semaphore_mem>>)
      %dma_wait3A_106 = arith.constant 0 : i32
      %dma_wait3A_107 = tpu.memref_slice %arg6[%arg0, %mul3A_0, %dma_wait3A_106] : memref<2x10240x64xf32, #tpu.memory_space<hbm>> -> memref<1x640x64xf32, #tpu.memory_space<hbm>>
      %dma_wait3A_108 = tpu.memref_squeeze %dma_wait3A_107 : memref<1x640x64xf32, #tpu.memory_space<hbm>> -> memref<640x64xf32, #tpu.memory_space<hbm>>
      %dma_wait3A_109 = arith.constant 0 : i32
      %dma_wait3A_110 = tpu.memref_slice %arg7[%mul3A_0, %dma_wait3A_109] : memref<10240x64xf32, #tpu.memory_space<vmem_shared>> -> memref<640x64xf32, #tpu.memory_space<vmem_shared>>
      tpu.wait_dma2 semaphore(%run_scoped3A : memref<!tpu.dma_semaphore, #tpu.memory_space<semaphore_mem>>) src(%dma_wait3A_110 : memref<640x64xf32, #tpu.memory_space<vmem_shared>>) dst(%dma_wait3A_108 : memref<640x64xf32, #tpu.memory_space<hbm>>)
      tpu.yield
    }) : () -> ()
    return
  }
}

#map = affine_map<(d0, d1) -> (0, 0)>
#map1 = affine_map<(d0, d1) -> (0, 0, 0, 0)>
#map2 = affine_map<(d0, d1) -> (0, 0, 0)>
module attributes {stable_mosaic.version = 14 : i64} {
  func.func @body_fn(%arg0: i32, %arg1: i32, %arg2: memref<20480x16xf32, #tpu.memory_space<hbm>>, %arg3: memref<2x16x40x512xi32, #tpu.memory_space<hbm>>, %arg4: memref<2x16x40x512xi32, #tpu.memory_space<hbm>>, %arg5: memref<640x16xf32, #tpu.memory_space<hbm>>, %arg6: memref<2x10240x16xf32, #tpu.memory_space<hbm>>, %arg7: memref<10240x16xf32, #tpu.memory_space<vmem_shared>>, %arg8: memref<40x512xi32, #tpu.memory_space<vmem>>, %arg9: memref<40x512xi32, #tpu.memory_space<vmem>>, %arg10: memref<4x512x16xf32, #tpu.memory_space<vmem>>, %arg11: memref<!tpu.dma_semaphore, #tpu.memory_space<semaphore_mem>>, %arg12: memref<!tpu.dma_semaphore, #tpu.memory_space<semaphore_mem>>) attributes {dimension_semantics = [#tpu.dimension_semantics<core_parallel>, #tpu.dimension_semantics<subcore_parallel>], iteration_bounds = array<i64: 2, 16>, scalar_prefetch = 0 : i64, scratch_operands = 6 : i64, tpu.core_type = #tpu.core_type<sc_vector_subcore>, window_params = [{transform_indices = #map}, {transform_indices = #map1}, {transform_indices = #map1}, {transform_indices = #map}, {transform_indices = #map2}]} {
    %mul3A = arith.constant 640 : i32
    %mul3A_0 = arith.muli %arg1, %mul3A : i32
    "tpu.region"() ({
      %run_scoped3A = tpu.sem_alloc : memref<!tpu.dma_semaphore, #tpu.memory_space<semaphore_mem>>
      %dma_start3A_101 = arith.constant 0 : i32
      %dma_start3A_102 = arith.constant 0 : i32
      %dma_start3A_103 = tpu.memref_slice %arg3[%arg0, %arg1, %dma_start3A_101, %dma_start3A_102] : memref<2x16x40x512xi32, #tpu.memory_space<hbm>> -> memref<1x1x40x512xi32, #tpu.memory_space<hbm>>
      %dma_start3A_104 = tpu.memref_squeeze %dma_start3A_103 : memref<1x1x40x512xi32, #tpu.memory_space<hbm>> -> memref<40x512xi32, #tpu.memory_space<hbm>>
      %dma_start3A_105 = arith.constant 0 : i32
      %dma_start3A_106 = arith.constant 0 : i32
      %dma_start3A_107 = tpu.memref_slice %arg3[%arg0, %arg1, %dma_start3A_105, %dma_start3A_106] : memref<2x16x40x512xi32, #tpu.memory_space<hbm>> -> memref<1x1x40x512xi32, #tpu.memory_space<hbm>>
      %dma_start3A_108 = tpu.memref_squeeze %dma_start3A_107 : memref<1x1x40x512xi32, #tpu.memory_space<hbm>> -> memref<40x512xi32, #tpu.memory_space<hbm>>
      tpu.enqueue_dma source(%dma_start3A_108 : memref<40x512xi32, #tpu.memory_space<hbm>>) target(%arg8 : memref<40x512xi32, #tpu.memory_space<vmem>>) target_semaphore(%run_scoped3A : memref<!tpu.dma_semaphore, #tpu.memory_space<semaphore_mem>>)
      %dma_wait3A_109 = arith.constant 0 : i32
      %dma_wait3A_110 = arith.constant 0 : i32
      %dma_wait3A_111 = tpu.memref_slice %arg3[%arg0, %arg1, %dma_wait3A_109, %dma_wait3A_110] : memref<2x16x40x512xi32, #tpu.memory_space<hbm>> -> memref<1x1x40x512xi32, #tpu.memory_space<hbm>>
      %dma_wait3A_112 = tpu.memref_squeeze %dma_wait3A_111 : memref<1x1x40x512xi32, #tpu.memory_space<hbm>> -> memref<40x512xi32, #tpu.memory_space<hbm>>
      %dma_wait3A_113 = arith.constant 0 : i32
      %dma_wait3A_114 = arith.constant 0 : i32
      %dma_wait3A_115 = tpu.memref_slice %arg3[%arg0, %arg1, %dma_wait3A_113, %dma_wait3A_114] : memref<2x16x40x512xi32, #tpu.memory_space<hbm>> -> memref<1x1x40x512xi32, #tpu.memory_space<hbm>>
      %dma_wait3A_116 = tpu.memref_squeeze %dma_wait3A_115 : memref<1x1x40x512xi32, #tpu.memory_space<hbm>> -> memref<40x512xi32, #tpu.memory_space<hbm>>
      tpu.wait_dma2 semaphore(%run_scoped3A : memref<!tpu.dma_semaphore, #tpu.memory_space<semaphore_mem>>) src(%dma_wait3A_116 : memref<40x512xi32, #tpu.memory_space<hbm>>) dst(%arg8 : memref<40x512xi32, #tpu.memory_space<vmem>>)
      tpu.yield
    }) : () -> ()
    "tpu.region"() ({
      %run_scoped3A = tpu.sem_alloc : memref<!tpu.dma_semaphore, #tpu.memory_space<semaphore_mem>>
      %dma_start3A_101 = arith.constant 0 : i32
      %dma_start3A_102 = arith.constant 0 : i32
      %dma_start3A_103 = tpu.memref_slice %arg4[%arg0, %arg1, %dma_start3A_101, %dma_start3A_102] : memref<2x16x40x512xi32, #tpu.memory_space<hbm>> -> memref<1x1x40x512xi32, #tpu.memory_space<hbm>>
      %dma_start3A_104 = tpu.memref_squeeze %dma_start3A_103 : memref<1x1x40x512xi32, #tpu.memory_space<hbm>> -> memref<40x512xi32, #tpu.memory_space<hbm>>
      %dma_start3A_105 = arith.constant 0 : i32
      %dma_start3A_106 = arith.constant 0 : i32
      %dma_start3A_107 = tpu.memref_slice %arg4[%arg0, %arg1, %dma_start3A_105, %dma_start3A_106] : memref<2x16x40x512xi32, #tpu.memory_space<hbm>> -> memref<1x1x40x512xi32, #tpu.memory_space<hbm>>
      %dma_start3A_108 = tpu.memref_squeeze %dma_start3A_107 : memref<1x1x40x512xi32, #tpu.memory_space<hbm>> -> memref<40x512xi32, #tpu.memory_space<hbm>>
      tpu.enqueue_dma source(%dma_start3A_108 : memref<40x512xi32, #tpu.memory_space<hbm>>) target(%arg9 : memref<40x512xi32, #tpu.memory_space<vmem>>) target_semaphore(%run_scoped3A : memref<!tpu.dma_semaphore, #tpu.memory_space<semaphore_mem>>)
      %dma_wait3A_109 = arith.constant 0 : i32
      %dma_wait3A_110 = arith.constant 0 : i32
      %dma_wait3A_111 = tpu.memref_slice %arg4[%arg0, %arg1, %dma_wait3A_109, %dma_wait3A_110] : memref<2x16x40x512xi32, #tpu.memory_space<hbm>> -> memref<1x1x40x512xi32, #tpu.memory_space<hbm>>
      %dma_wait3A_112 = tpu.memref_squeeze %dma_wait3A_111 : memref<1x1x40x512xi32, #tpu.memory_space<hbm>> -> memref<40x512xi32, #tpu.memory_space<hbm>>
      %dma_wait3A_113 = arith.constant 0 : i32
      %dma_wait3A_114 = arith.constant 0 : i32
      %dma_wait3A_115 = tpu.memref_slice %arg4[%arg0, %arg1, %dma_wait3A_113, %dma_wait3A_114] : memref<2x16x40x512xi32, #tpu.memory_space<hbm>> -> memref<1x1x40x512xi32, #tpu.memory_space<hbm>>
      %dma_wait3A_116 = tpu.memref_squeeze %dma_wait3A_115 : memref<1x1x40x512xi32, #tpu.memory_space<hbm>> -> memref<40x512xi32, #tpu.memory_space<hbm>>
      tpu.wait_dma2 semaphore(%run_scoped3A : memref<!tpu.dma_semaphore, #tpu.memory_space<semaphore_mem>>) src(%dma_wait3A_116 : memref<40x512xi32, #tpu.memory_space<hbm>>) dst(%arg9 : memref<40x512xi32, #tpu.memory_space<vmem>>)
      tpu.yield
    }) : () -> ()
    "tpu.region"() ({
      %run_scoped3A = tpu.sem_alloc : memref<!tpu.dma_semaphore, #tpu.memory_space<semaphore_mem>>
      %dma_start3A_101 = arith.constant 0 : i32
      %dma_start3A_102 = tpu.memref_slice %arg7[%mul3A_0, %dma_start3A_101] : memref<10240x16xf32, #tpu.memory_space<vmem_shared>> -> memref<640x16xf32, #tpu.memory_space<vmem_shared>>
      tpu.enqueue_dma source(%arg5 : memref<640x16xf32, #tpu.memory_space<hbm>>) target(%dma_start3A_102 : memref<640x16xf32, #tpu.memory_space<vmem_shared>>) target_semaphore(%run_scoped3A : memref<!tpu.dma_semaphore, #tpu.memory_space<semaphore_mem>>)
      %dma_wait3A_103 = arith.constant 0 : i32
      %dma_wait3A_104 = tpu.memref_slice %arg7[%mul3A_0, %dma_wait3A_103] : memref<10240x16xf32, #tpu.memory_space<vmem_shared>> -> memref<640x16xf32, #tpu.memory_space<vmem_shared>>
      tpu.wait_dma2 semaphore(%run_scoped3A : memref<!tpu.dma_semaphore, #tpu.memory_space<semaphore_mem>>) src(%arg5 : memref<640x16xf32, #tpu.memory_space<hbm>>) dst(%dma_wait3A_104 : memref<640x16xf32, #tpu.memory_space<vmem_shared>>)
      tpu.yield
    }) : () -> ()
    %dma_start3A = arith.constant 0 : i32
    %dma_start3A_1 = arith.constant 0 : i32
    %dma_start3A_2 = arith.constant 0 : i32
    %dma_start3A_3 = arith.constant 0 : i32
    %dma_start3A_4 = tpu.memref_slice %arg10[%dma_start3A_1, %dma_start3A_2, %dma_start3A_3] : memref<4x512x16xf32, #tpu.memory_space<vmem>> -> memref<1x512x16xf32, #tpu.memory_space<vmem>>
    %dma_start3A_5 = tpu.memref_squeeze %dma_start3A_4 : memref<1x512x16xf32, #tpu.memory_space<vmem>> -> memref<512x16xf32, #tpu.memory_space<vmem>>
    %dma_start3A_6 = arith.constant 0 : i32
    %dma_start3A_7 = tpu.memref_slice %arg8[%dma_start3A, %dma_start3A_6] : memref<40x512xi32, #tpu.memory_space<vmem>> -> memref<1x512xi32, #tpu.memory_space<vmem>>
    %dma_start3A_8 = tpu.memref_squeeze %dma_start3A_7 : memref<1x512xi32, #tpu.memory_space<vmem>> -> memref<512xi32, #tpu.memory_space<vmem>>
    %dma_start3A_9 = arith.constant 0 : i32
    %dma_start3A_10 = arith.constant 0 : i32
    %dma_start3A_11 = tpu.memref_slice %arg2[%dma_start3A_9, %dma_start3A_10] : memref<20480x16xf32, #tpu.memory_space<hbm>> -> memref<20480x16xf32, #tpu.memory_space<hbm>>
    tpu.enqueue_indirect_dma source(%dma_start3A_11 : memref<20480x16xf32, #tpu.memory_space<hbm>>) target(%dma_start3A_5 : memref<512x16xf32, #tpu.memory_space<vmem>>) offsets(%dma_start3A_8 : memref<512xi32, #tpu.memory_space<vmem>>) semaphore(%arg11 : memref<!tpu.dma_semaphore, #tpu.memory_space<semaphore_mem>>)
    %dma_start3A_12 = arith.constant 1 : i32
    %dma_start3A_13 = arith.constant 1 : i32
    %dma_start3A_14 = arith.constant 0 : i32
    %dma_start3A_15 = arith.constant 0 : i32
    %dma_start3A_16 = tpu.memref_slice %arg10[%dma_start3A_13, %dma_start3A_14, %dma_start3A_15] : memref<4x512x16xf32, #tpu.memory_space<vmem>> -> memref<1x512x16xf32, #tpu.memory_space<vmem>>
    %dma_start3A_17 = tpu.memref_squeeze %dma_start3A_16 : memref<1x512x16xf32, #tpu.memory_space<vmem>> -> memref<512x16xf32, #tpu.memory_space<vmem>>
    %dma_start3A_18 = arith.constant 0 : i32
    %dma_start3A_19 = tpu.memref_slice %arg8[%dma_start3A_12, %dma_start3A_18] : memref<40x512xi32, #tpu.memory_space<vmem>> -> memref<1x512xi32, #tpu.memory_space<vmem>>
    %dma_start3A_20 = tpu.memref_squeeze %dma_start3A_19 : memref<1x512xi32, #tpu.memory_space<vmem>> -> memref<512xi32, #tpu.memory_space<vmem>>
    %dma_start3A_21 = arith.constant 0 : i32
    %dma_start3A_22 = arith.constant 0 : i32
    %dma_start3A_23 = tpu.memref_slice %arg2[%dma_start3A_21, %dma_start3A_22] : memref<20480x16xf32, #tpu.memory_space<hbm>> -> memref<20480x16xf32, #tpu.memory_space<hbm>>
    tpu.enqueue_indirect_dma source(%dma_start3A_23 : memref<20480x16xf32, #tpu.memory_space<hbm>>) target(%dma_start3A_17 : memref<512x16xf32, #tpu.memory_space<vmem>>) offsets(%dma_start3A_20 : memref<512xi32, #tpu.memory_space<vmem>>) semaphore(%arg11 : memref<!tpu.dma_semaphore, #tpu.memory_space<semaphore_mem>>)
    %dma_start3A_24 = arith.constant 2 : i32
    %dma_start3A_25 = arith.constant 2 : i32
    %dma_start3A_26 = arith.constant 0 : i32
    %dma_start3A_27 = arith.constant 0 : i32
    %dma_start3A_28 = tpu.memref_slice %arg10[%dma_start3A_25, %dma_start3A_26, %dma_start3A_27] : memref<4x512x16xf32, #tpu.memory_space<vmem>> -> memref<1x512x16xf32, #tpu.memory_space<vmem>>
    %dma_start3A_29 = tpu.memref_squeeze %dma_start3A_28 : memref<1x512x16xf32, #tpu.memory_space<vmem>> -> memref<512x16xf32, #tpu.memory_space<vmem>>
    %dma_start3A_30 = arith.constant 0 : i32
    %dma_start3A_31 = tpu.memref_slice %arg8[%dma_start3A_24, %dma_start3A_30] : memref<40x512xi32, #tpu.memory_space<vmem>> -> memref<1x512xi32, #tpu.memory_space<vmem>>
    %dma_start3A_32 = tpu.memref_squeeze %dma_start3A_31 : memref<1x512xi32, #tpu.memory_space<vmem>> -> memref<512xi32, #tpu.memory_space<vmem>>
    %dma_start3A_33 = arith.constant 0 : i32
    %dma_start3A_34 = arith.constant 0 : i32
    %dma_start3A_35 = tpu.memref_slice %arg2[%dma_start3A_33, %dma_start3A_34] : memref<20480x16xf32, #tpu.memory_space<hbm>> -> memref<20480x16xf32, #tpu.memory_space<hbm>>
    tpu.enqueue_indirect_dma source(%dma_start3A_35 : memref<20480x16xf32, #tpu.memory_space<hbm>>) target(%dma_start3A_29 : memref<512x16xf32, #tpu.memory_space<vmem>>) offsets(%dma_start3A_32 : memref<512xi32, #tpu.memory_space<vmem>>) semaphore(%arg11 : memref<!tpu.dma_semaphore, #tpu.memory_space<semaphore_mem>>)
    %dma_start3A_36 = arith.constant 3 : i32
    %dma_start3A_37 = arith.constant 3 : i32
    %dma_start3A_38 = arith.constant 0 : i32
    %dma_start3A_39 = arith.constant 0 : i32
    %dma_start3A_40 = tpu.memref_slice %arg10[%dma_start3A_37, %dma_start3A_38, %dma_start3A_39] : memref<4x512x16xf32, #tpu.memory_space<vmem>> -> memref<1x512x16xf32, #tpu.memory_space<vmem>>
    %dma_start3A_41 = tpu.memref_squeeze %dma_start3A_40 : memref<1x512x16xf32, #tpu.memory_space<vmem>> -> memref<512x16xf32, #tpu.memory_space<vmem>>
    %dma_start3A_42 = arith.constant 0 : i32
    %dma_start3A_43 = tpu.memref_slice %arg8[%dma_start3A_36, %dma_start3A_42] : memref<40x512xi32, #tpu.memory_space<vmem>> -> memref<1x512xi32, #tpu.memory_space<vmem>>
    %dma_start3A_44 = tpu.memref_squeeze %dma_start3A_43 : memref<1x512xi32, #tpu.memory_space<vmem>> -> memref<512xi32, #tpu.memory_space<vmem>>
    %dma_start3A_45 = arith.constant 0 : i32
    %dma_start3A_46 = arith.constant 0 : i32
    %dma_start3A_47 = tpu.memref_slice %arg2[%dma_start3A_45, %dma_start3A_46] : memref<20480x16xf32, #tpu.memory_space<hbm>> -> memref<20480x16xf32, #tpu.memory_space<hbm>>
    tpu.enqueue_indirect_dma source(%dma_start3A_47 : memref<20480x16xf32, #tpu.memory_space<hbm>>) target(%dma_start3A_41 : memref<512x16xf32, #tpu.memory_space<vmem>>) offsets(%dma_start3A_44 : memref<512xi32, #tpu.memory_space<vmem>>) semaphore(%arg11 : memref<!tpu.dma_semaphore, #tpu.memory_space<semaphore_mem>>)
    %barrier3A = arith.constant 0 : index
    tpu.barrier barrier_id(%barrier3A)
    %scan3A = arith.constant 0 : i32
    %scan3A_48 = arith.constant 0 : i32
    %scan3A_49 = arith.constant 40 : i32
    %scan3A_50 = arith.addi %scan3A_48, %scan3A_49 : i32
    %scan3A_51 = arith.constant 1 : i32
    scf.for %scan3A_101 = %scan3A_48 to %scan3A_50 step %scan3A_51  : i32 {
      %sub3A = arith.constant 2 : i32
      %sub3A_102 = arith.subi %scan3A_101, %sub3A : i32
      %ge3A = arith.constant 0 : i32
      %ge3A_103 = arith.cmpi sge, %sub3A_102, %ge3A : i32
      %add3A = arith.constant 4 : i32
      %add3A_104 = arith.addi %sub3A_102, %add3A : i32
      %lt3A = arith.constant 40 : i32
      %lt3A_105 = arith.cmpi slt, %add3A_104, %lt3A : i32
      %and3A = arith.andi %ge3A_103, %lt3A_105 : i1
      %convert_element_type3A = arith.extui %and3A : i1 to i32
      %cond3A = arith.constant 0 : i32
      %cond3A_106 = arith.cmpi ne, %convert_element_type3A, %cond3A : i32
      scf.if %cond3A_106 {
        %dma_wait3A_131 = arith.constant 0 : i32
        %dma_wait3A_132 = arith.constant 0 : i32
        %dma_wait3A_133 = arith.constant 0 : i32
        %dma_wait3A_134 = arith.constant 0 : i32
        %dma_wait3A_135 = tpu.memref_slice %arg10[%dma_wait3A_131, %dma_wait3A_133, %dma_wait3A_134] : memref<4x512x16xf32, #tpu.memory_space<vmem>> -> memref<1x512x16xf32, #tpu.memory_space<vmem>>
        %dma_wait3A_136 = tpu.memref_squeeze %dma_wait3A_135 : memref<1x512x16xf32, #tpu.memory_space<vmem>> -> memref<512x16xf32, #tpu.memory_space<vmem>>
        %dma_wait3A_137 = arith.constant 0 : i32
        %dma_wait3A_138 = tpu.memref_slice %arg9[%dma_wait3A_132, %dma_wait3A_137] : memref<40x512xi32, #tpu.memory_space<vmem>> -> memref<1x512xi32, #tpu.memory_space<vmem>>
        %dma_wait3A_139 = tpu.memref_squeeze %dma_wait3A_138 : memref<1x512xi32, #tpu.memory_space<vmem>> -> memref<512xi32, #tpu.memory_space<vmem>>
        %dma_wait3A_140 = arith.constant 0 : i32
        %dma_wait3A_141 = arith.constant 0 : i32
        %dma_wait3A_142 = tpu.memref_slice %arg7[%dma_wait3A_140, %dma_wait3A_141] : memref<10240x16xf32, #tpu.memory_space<vmem_shared>> -> memref<10240x16xf32, #tpu.memory_space<vmem_shared>>
        tpu.wait_indirect_dma semaphore(%arg12 : memref<!tpu.dma_semaphore, #tpu.memory_space<semaphore_mem>>) src(%dma_wait3A_136 : memref<512x16xf32, #tpu.memory_space<vmem>>) dst(%dma_wait3A_142 : memref<10240x16xf32, #tpu.memory_space<vmem_shared>>)
        %add3A_143 = arith.constant 4 : i32
        %add3A_144 = arith.addi %sub3A_102, %add3A_143 : i32
        %rem3A_145 = arith.constant 4 : i32
        %rem3A_146 = arith.remsi %sub3A_102, %rem3A_145 : i32
        %dma_start3A_147 = arith.constant 0 : i32
        %dma_start3A_148 = arith.constant 0 : i32
        %dma_start3A_149 = tpu.memref_slice %arg10[%rem3A_146, %dma_start3A_147, %dma_start3A_148] : memref<4x512x16xf32, #tpu.memory_space<vmem>> -> memref<1x512x16xf32, #tpu.memory_space<vmem>>
        %dma_start3A_150 = tpu.memref_squeeze %dma_start3A_149 : memref<1x512x16xf32, #tpu.memory_space<vmem>> -> memref<512x16xf32, #tpu.memory_space<vmem>>
        %dma_start3A_151 = arith.constant 0 : i32
        %dma_start3A_152 = tpu.memref_slice %arg8[%add3A_144, %dma_start3A_151] : memref<40x512xi32, #tpu.memory_space<vmem>> -> memref<1x512xi32, #tpu.memory_space<vmem>>
        %dma_start3A_153 = tpu.memref_squeeze %dma_start3A_152 : memref<1x512xi32, #tpu.memory_space<vmem>> -> memref<512xi32, #tpu.memory_space<vmem>>
        %dma_start3A_154 = arith.constant 0 : i32
        %dma_start3A_155 = arith.constant 0 : i32
        %dma_start3A_156 = tpu.memref_slice %arg2[%dma_start3A_154, %dma_start3A_155] : memref<20480x16xf32, #tpu.memory_space<hbm>> -> memref<20480x16xf32, #tpu.memory_space<hbm>>
        tpu.enqueue_indirect_dma source(%dma_start3A_156 : memref<20480x16xf32, #tpu.memory_space<hbm>>) target(%dma_start3A_150 : memref<512x16xf32, #tpu.memory_space<vmem>>) offsets(%dma_start3A_153 : memref<512xi32, #tpu.memory_space<vmem>>) semaphore(%arg11 : memref<!tpu.dma_semaphore, #tpu.memory_space<semaphore_mem>>)
      } else {
      }
      %rem3A = arith.constant 4 : i32
      %rem3A_107 = arith.remsi %scan3A_101, %rem3A : i32
      %dma_wait3A_108 = arith.constant 0 : i32
      %dma_wait3A_109 = arith.constant 0 : i32
      %dma_wait3A_110 = arith.constant 0 : i32
      %dma_wait3A_111 = tpu.memref_slice %arg10[%rem3A_107, %dma_wait3A_109, %dma_wait3A_110] : memref<4x512x16xf32, #tpu.memory_space<vmem>> -> memref<1x512x16xf32, #tpu.memory_space<vmem>>
      %dma_wait3A_112 = tpu.memref_squeeze %dma_wait3A_111 : memref<1x512x16xf32, #tpu.memory_space<vmem>> -> memref<512x16xf32, #tpu.memory_space<vmem>>
      %dma_wait3A_113 = arith.constant 0 : i32
      %dma_wait3A_114 = tpu.memref_slice %arg8[%dma_wait3A_108, %dma_wait3A_113] : memref<40x512xi32, #tpu.memory_space<vmem>> -> memref<1x512xi32, #tpu.memory_space<vmem>>
      %dma_wait3A_115 = tpu.memref_squeeze %dma_wait3A_114 : memref<1x512xi32, #tpu.memory_space<vmem>> -> memref<512xi32, #tpu.memory_space<vmem>>
      %dma_wait3A_116 = arith.constant 0 : i32
      %dma_wait3A_117 = arith.constant 0 : i32
      %dma_wait3A_118 = tpu.memref_slice %arg2[%dma_wait3A_116, %dma_wait3A_117] : memref<20480x16xf32, #tpu.memory_space<hbm>> -> memref<20480x16xf32, #tpu.memory_space<hbm>>
      tpu.wait_indirect_dma semaphore(%arg11 : memref<!tpu.dma_semaphore, #tpu.memory_space<semaphore_mem>>) src(%dma_wait3A_118 : memref<20480x16xf32, #tpu.memory_space<hbm>>) dst(%dma_wait3A_112 : memref<512x16xf32, #tpu.memory_space<vmem>>)
      %rem3A_119 = arith.constant 4 : i32
      %rem3A_120 = arith.remsi %scan3A_101, %rem3A_119 : i32
      %dma_start3A_121 = arith.constant 0 : i32
      %dma_start3A_122 = arith.constant 0 : i32
      %dma_start3A_123 = tpu.memref_slice %arg10[%rem3A_120, %dma_start3A_121, %dma_start3A_122] : memref<4x512x16xf32, #tpu.memory_space<vmem>> -> memref<1x512x16xf32, #tpu.memory_space<vmem>>
      %dma_start3A_124 = tpu.memref_squeeze %dma_start3A_123 : memref<1x512x16xf32, #tpu.memory_space<vmem>> -> memref<512x16xf32, #tpu.memory_space<vmem>>
      %dma_start3A_125 = arith.constant 0 : i32
      %dma_start3A_126 = tpu.memref_slice %arg9[%scan3A_101, %dma_start3A_125] : memref<40x512xi32, #tpu.memory_space<vmem>> -> memref<1x512xi32, #tpu.memory_space<vmem>>
      %dma_start3A_127 = tpu.memref_squeeze %dma_start3A_126 : memref<1x512xi32, #tpu.memory_space<vmem>> -> memref<512xi32, #tpu.memory_space<vmem>>
      %dma_start3A_128 = arith.constant 0 : i32
      %dma_start3A_129 = arith.constant 0 : i32
      %dma_start3A_130 = tpu.memref_slice %arg7[%dma_start3A_128, %dma_start3A_129] : memref<10240x16xf32, #tpu.memory_space<vmem_shared>> -> memref<10240x16xf32, #tpu.memory_space<vmem_shared>>
      tpu.enqueue_indirect_dma source(%dma_start3A_124 : memref<512x16xf32, #tpu.memory_space<vmem>>) target(%dma_start3A_130 : memref<10240x16xf32, #tpu.memory_space<vmem_shared>>) offsets(%dma_start3A_127 : memref<512xi32, #tpu.memory_space<vmem>>) semaphore(%arg12 : memref<!tpu.dma_semaphore, #tpu.memory_space<semaphore_mem>>) {add = true}
    }
    %scan3A_52 = arith.constant 40 : i32
    %dma_wait3A = arith.constant 0 : i32
    %dma_wait3A_53 = arith.constant 0 : i32
    %dma_wait3A_54 = arith.constant 0 : i32
    %dma_wait3A_55 = arith.constant 0 : i32
    %dma_wait3A_56 = tpu.memref_slice %arg10[%dma_wait3A, %dma_wait3A_54, %dma_wait3A_55] : memref<4x512x16xf32, #tpu.memory_space<vmem>> -> memref<1x512x16xf32, #tpu.memory_space<vmem>>
    %dma_wait3A_57 = tpu.memref_squeeze %dma_wait3A_56 : memref<1x512x16xf32, #tpu.memory_space<vmem>> -> memref<512x16xf32, #tpu.memory_space<vmem>>
    %dma_wait3A_58 = arith.constant 0 : i32
    %dma_wait3A_59 = tpu.memref_slice %arg9[%dma_wait3A_53, %dma_wait3A_58] : memref<40x512xi32, #tpu.memory_space<vmem>> -> memref<1x512xi32, #tpu.memory_space<vmem>>
    %dma_wait3A_60 = tpu.memref_squeeze %dma_wait3A_59 : memref<1x512xi32, #tpu.memory_space<vmem>> -> memref<512xi32, #tpu.memory_space<vmem>>
    %dma_wait3A_61 = arith.constant 0 : i32
    %dma_wait3A_62 = arith.constant 0 : i32
    %dma_wait3A_63 = tpu.memref_slice %arg7[%dma_wait3A_61, %dma_wait3A_62] : memref<10240x16xf32, #tpu.memory_space<vmem_shared>> -> memref<10240x16xf32, #tpu.memory_space<vmem_shared>>
    tpu.wait_indirect_dma semaphore(%arg12 : memref<!tpu.dma_semaphore, #tpu.memory_space<semaphore_mem>>) src(%dma_wait3A_57 : memref<512x16xf32, #tpu.memory_space<vmem>>) dst(%dma_wait3A_63 : memref<10240x16xf32, #tpu.memory_space<vmem_shared>>)
    %dma_wait3A_64 = arith.constant 0 : i32
    %dma_wait3A_65 = arith.constant 0 : i32
    %dma_wait3A_66 = arith.constant 0 : i32
    %dma_wait3A_67 = arith.constant 0 : i32
    %dma_wait3A_68 = tpu.memref_slice %arg10[%dma_wait3A_64, %dma_wait3A_66, %dma_wait3A_67] : memref<4x512x16xf32, #tpu.memory_space<vmem>> -> memref<1x512x16xf32, #tpu.memory_space<vmem>>
    %dma_wait3A_69 = tpu.memref_squeeze %dma_wait3A_68 : memref<1x512x16xf32, #tpu.memory_space<vmem>> -> memref<512x16xf32, #tpu.memory_space<vmem>>
    %dma_wait3A_70 = arith.constant 0 : i32
    %dma_wait3A_71 = tpu.memref_slice %arg9[%dma_wait3A_65, %dma_wait3A_70] : memref<40x512xi32, #tpu.memory_space<vmem>> -> memref<1x512xi32, #tpu.memory_space<vmem>>
    %dma_wait3A_72 = tpu.memref_squeeze %dma_wait3A_71 : memref<1x512xi32, #tpu.memory_space<vmem>> -> memref<512xi32, #tpu.memory_space<vmem>>
    %dma_wait3A_73 = arith.constant 0 : i32
    %dma_wait3A_74 = arith.constant 0 : i32
    %dma_wait3A_75 = tpu.memref_slice %arg7[%dma_wait3A_73, %dma_wait3A_74] : memref<10240x16xf32, #tpu.memory_space<vmem_shared>> -> memref<10240x16xf32, #tpu.memory_space<vmem_shared>>
    tpu.wait_indirect_dma semaphore(%arg12 : memref<!tpu.dma_semaphore, #tpu.memory_space<semaphore_mem>>) src(%dma_wait3A_69 : memref<512x16xf32, #tpu.memory_space<vmem>>) dst(%dma_wait3A_75 : memref<10240x16xf32, #tpu.memory_space<vmem_shared>>)
    %dma_wait3A_76 = arith.constant 0 : i32
    %dma_wait3A_77 = arith.constant 0 : i32
    %dma_wait3A_78 = arith.constant 0 : i32
    %dma_wait3A_79 = arith.constant 0 : i32
    %dma_wait3A_80 = tpu.memref_slice %arg10[%dma_wait3A_76, %dma_wait3A_78, %dma_wait3A_79] : memref<4x512x16xf32, #tpu.memory_space<vmem>> -> memref<1x512x16xf32, #tpu.memory_space<vmem>>
    %dma_wait3A_81 = tpu.memref_squeeze %dma_wait3A_80 : memref<1x512x16xf32, #tpu.memory_space<vmem>> -> memref<512x16xf32, #tpu.memory_space<vmem>>
    %dma_wait3A_82 = arith.constant 0 : i32
    %dma_wait3A_83 = tpu.memref_slice %arg9[%dma_wait3A_77, %dma_wait3A_82] : memref<40x512xi32, #tpu.memory_space<vmem>> -> memref<1x512xi32, #tpu.memory_space<vmem>>
    %dma_wait3A_84 = tpu.memref_squeeze %dma_wait3A_83 : memref<1x512xi32, #tpu.memory_space<vmem>> -> memref<512xi32, #tpu.memory_space<vmem>>
    %dma_wait3A_85 = arith.constant 0 : i32
    %dma_wait3A_86 = arith.constant 0 : i32
    %dma_wait3A_87 = tpu.memref_slice %arg7[%dma_wait3A_85, %dma_wait3A_86] : memref<10240x16xf32, #tpu.memory_space<vmem_shared>> -> memref<10240x16xf32, #tpu.memory_space<vmem_shared>>
    tpu.wait_indirect_dma semaphore(%arg12 : memref<!tpu.dma_semaphore, #tpu.memory_space<semaphore_mem>>) src(%dma_wait3A_81 : memref<512x16xf32, #tpu.memory_space<vmem>>) dst(%dma_wait3A_87 : memref<10240x16xf32, #tpu.memory_space<vmem_shared>>)
    %dma_wait3A_88 = arith.constant 0 : i32
    %dma_wait3A_89 = arith.constant 0 : i32
    %dma_wait3A_90 = arith.constant 0 : i32
    %dma_wait3A_91 = arith.constant 0 : i32
    %dma_wait3A_92 = tpu.memref_slice %arg10[%dma_wait3A_88, %dma_wait3A_90, %dma_wait3A_91] : memref<4x512x16xf32, #tpu.memory_space<vmem>> -> memref<1x512x16xf32, #tpu.memory_space<vmem>>
    %dma_wait3A_93 = tpu.memref_squeeze %dma_wait3A_92 : memref<1x512x16xf32, #tpu.memory_space<vmem>> -> memref<512x16xf32, #tpu.memory_space<vmem>>
    %dma_wait3A_94 = arith.constant 0 : i32
    %dma_wait3A_95 = tpu.memref_slice %arg9[%dma_wait3A_89, %dma_wait3A_94] : memref<40x512xi32, #tpu.memory_space<vmem>> -> memref<1x512xi32, #tpu.memory_space<vmem>>
    %dma_wait3A_96 = tpu.memref_squeeze %dma_wait3A_95 : memref<1x512xi32, #tpu.memory_space<vmem>> -> memref<512xi32, #tpu.memory_space<vmem>>
    %dma_wait3A_97 = arith.constant 0 : i32
    %dma_wait3A_98 = arith.constant 0 : i32
    %dma_wait3A_99 = tpu.memref_slice %arg7[%dma_wait3A_97, %dma_wait3A_98] : memref<10240x16xf32, #tpu.memory_space<vmem_shared>> -> memref<10240x16xf32, #tpu.memory_space<vmem_shared>>
    tpu.wait_indirect_dma semaphore(%arg12 : memref<!tpu.dma_semaphore, #tpu.memory_space<semaphore_mem>>) src(%dma_wait3A_93 : memref<512x16xf32, #tpu.memory_space<vmem>>) dst(%dma_wait3A_99 : memref<10240x16xf32, #tpu.memory_space<vmem_shared>>)
    %barrier3A_100 = arith.constant 0 : index
    tpu.barrier barrier_id(%barrier3A_100)
    "tpu.region"() ({
      %run_scoped3A = tpu.sem_alloc : memref<!tpu.dma_semaphore, #tpu.memory_space<semaphore_mem>>
      %dma_start3A_101 = arith.constant 0 : i32
      %dma_start3A_102 = tpu.memref_slice %arg6[%arg0, %mul3A_0, %dma_start3A_101] : memref<2x10240x16xf32, #tpu.memory_space<hbm>> -> memref<1x640x16xf32, #tpu.memory_space<hbm>>
      %dma_start3A_103 = tpu.memref_squeeze %dma_start3A_102 : memref<1x640x16xf32, #tpu.memory_space<hbm>> -> memref<640x16xf32, #tpu.memory_space<hbm>>
      %dma_start3A_104 = arith.constant 0 : i32
      %dma_start3A_105 = tpu.memref_slice %arg7[%mul3A_0, %dma_start3A_104] : memref<10240x16xf32, #tpu.memory_space<vmem_shared>> -> memref<640x16xf32, #tpu.memory_space<vmem_shared>>
      tpu.enqueue_dma source(%dma_start3A_105 : memref<640x16xf32, #tpu.memory_space<vmem_shared>>) target(%dma_start3A_103 : memref<640x16xf32, #tpu.memory_space<hbm>>) target_semaphore(%run_scoped3A : memref<!tpu.dma_semaphore, #tpu.memory_space<semaphore_mem>>)
      %dma_wait3A_106 = arith.constant 0 : i32
      %dma_wait3A_107 = tpu.memref_slice %arg6[%arg0, %mul3A_0, %dma_wait3A_106] : memref<2x10240x16xf32, #tpu.memory_space<hbm>> -> memref<1x640x16xf32, #tpu.memory_space<hbm>>
      %dma_wait3A_108 = tpu.memref_squeeze %dma_wait3A_107 : memref<1x640x16xf32, #tpu.memory_space<hbm>> -> memref<640x16xf32, #tpu.memory_space<hbm>>
      %dma_wait3A_109 = arith.constant 0 : i32
      %dma_wait3A_110 = tpu.memref_slice %arg7[%mul3A_0, %dma_wait3A_109] : memref<10240x16xf32, #tpu.memory_space<vmem_shared>> -> memref<640x16xf32, #tpu.memory_space<vmem_shared>>
      tpu.wait_dma2 semaphore(%run_scoped3A : memref<!tpu.dma_semaphore, #tpu.memory_space<semaphore_mem>>) src(%dma_wait3A_110 : memref<640x16xf32, #tpu.memory_space<vmem_shared>>) dst(%dma_wait3A_108 : memref<640x16xf32, #tpu.memory_space<hbm>>)
      tpu.yield
    }) : () -> ()
    return
  }
}

module attributes {stable_mosaic.version = 14 : i64} {
  func.func @_tc_a_body(%arg0: i32, %arg1: memref<2048x1xf32, #tpu.memory_space<vmem>>, %arg2: memref<2048x128xf32, #tpu.memory_space<vmem>>, %arg3: memref<128x64xf32, #tpu.memory_space<vmem>>, %arg4: memref<2048x1xf32, #tpu.memory_space<vmem>>, %arg5: memref<2048x64xf32, #tpu.memory_space<vmem>>) attributes {dimension_semantics = [#tpu.dimension_semantics<arbitrary>], iteration_bounds = array<i64: 10>, scalar_prefetch = 0 : i64, scratch_operands = 0 : i64, tpu.core_type = #tpu.core_type<tc>, window_params = [{transform_indices = @transform_0, window_bounds = array<i64: 2048, 1>}, {transform_indices = @transform_1, window_bounds = array<i64: 2048, 128>}, {pipeline_mode = #tpu.pipeline_mode<synchronous>, transform_indices = @transform_2, window_bounds = array<i64: 128, 64>}, {transform_indices = @transform_3, window_bounds = array<i64: 2048, 1>}, {transform_indices = @transform_4, window_bounds = array<i64: 2048, 64>}]} {
    %get3A = arith.constant 0 : index
    %get3A_0 = arith.constant 0 : index
    %get3A_1 = vector.load %arg1[%get3A, %get3A_0] : memref<2048x1xf32, #tpu.memory_space<vmem>>, vector<2048x1xf32>
    %add3A = arith.constant 1.000000e+00 : f32
    %add3A_2 = vector.broadcast %add3A : f32 to vector<2048x1xf32>
    %add3A_3 = arith.addf %get3A_1, %add3A_2 : vector<2048x1xf32>
    %rsqrt3A = math.rsqrt %add3A_3 : vector<2048x1xf32>
    %swap3A = arith.constant 0 : index
    %swap3A_4 = arith.constant 0 : index
    %swap3A_5 = vector.load %arg4[%swap3A, %swap3A_4] : memref<2048x1xf32, #tpu.memory_space<vmem>>, vector<2048x1xf32>
    tpu.vector_store %arg4[%swap3A, %swap3A_4], %rsqrt3A {strides = array<i32>} : memref<2048x1xf32, #tpu.memory_space<vmem>>, vector<2048x1xf32>,
    %get3A_6 = arith.constant 0 : index
    %get3A_7 = arith.constant 0 : index
    %get3A_8 = vector.load %arg2[%get3A_6, %get3A_7] : memref<2048x128xf32, #tpu.memory_space<vmem>>, vector<2048x128xf32>
    %get3A_9 = arith.constant 0 : index
    %get3A_10 = arith.constant 0 : index
    %get3A_11 = vector.load %arg3[%get3A_9, %get3A_10] : memref<128x64xf32, #tpu.memory_space<vmem>>, vector<128x64xf32>
    %dot_general3A = arith.constant dense<0.000000e+00> : vector<2048x64xf32>
    %dot_general3A_12 = tpu.matmul %get3A_8, %get3A_11, %dot_general3A {dimension_numbers = #tpu.dot_dimension_numbers<[1], [0], [0], [1], [0, 0, 1, 1], [], []>, precision = #tpu.contract_precision<fp32>, transpose_lhs_hint = false} : vector<2048x128xf32>, vector<128x64xf32>, vector<2048x64xf32> -> vector<2048x64xf32>
    %mul3A = vector.broadcast %rsqrt3A : vector<2048x1xf32> to vector<2048x64xf32>
    %mul3A_13 = arith.mulf %mul3A, %dot_general3A_12 : vector<2048x64xf32>
    %swap3A_14 = arith.constant 0 : index
    %swap3A_15 = arith.constant 0 : index
    %swap3A_16 = vector.load %arg5[%swap3A_14, %swap3A_15] : memref<2048x64xf32, #tpu.memory_space<vmem>>, vector<2048x64xf32>
    tpu.vector_store %arg5[%swap3A_14, %swap3A_15], %mul3A_13 {strides = array<i32>} : memref<2048x64xf32, #tpu.memory_space<vmem>>, vector<2048x64xf32>,
    return
  }
  func.func @transform_0(%arg0: i32) -> (i32, i32) {
    %c0_i32 = arith.constant 0 : i32
    %c0_i32_0 = arith.constant 0 : i32
    return %arg0, %c0_i32 : i32, i32
  }
  func.func @transform_1(%arg0: i32) -> (i32, i32) {
    %c0_i32 = arith.constant 0 : i32
    %c0_i32_0 = arith.constant 0 : i32
    return %arg0, %c0_i32 : i32, i32
  }
  func.func @transform_2(%arg0: i32) -> (i32, i32) {
    %c0_i32 = arith.constant 0 : i32
    %c0_i32_0 = arith.constant 0 : i32
    %c0_i32_1 = arith.constant 0 : i32
    return %c0_i32, %c0_i32_0 : i32, i32
  }
  func.func @transform_3(%arg0: i32) -> (i32, i32) {
    %c0_i32 = arith.constant 0 : i32
    %c0_i32_0 = arith.constant 0 : i32
    return %arg0, %c0_i32 : i32, i32
  }
  func.func @transform_4(%arg0: i32) -> (i32, i32) {
    %c0_i32 = arith.constant 0 : i32
    %c0_i32_0 = arith.constant 0 : i32
    return %arg0, %c0_i32 : i32, i32
  }
}

module attributes {stable_mosaic.version = 14 : i64} {
  func.func @_tc_b_body(%arg0: i32, %arg1: memref<2048x64xf32, #tpu.memory_space<vmem>>, %arg2: memref<2048x64xf32, #tpu.memory_space<vmem>>, %arg3: memref<2048x1xf32, #tpu.memory_space<vmem>>, %arg4: memref<1x64xf32, #tpu.memory_space<vmem>>, %arg5: memref<64x32xf32, #tpu.memory_space<vmem>>, %arg6: memref<2048x32xf32, #tpu.memory_space<vmem>>) attributes {dimension_semantics = [#tpu.dimension_semantics<arbitrary>], iteration_bounds = array<i64: 10>, scalar_prefetch = 0 : i64, scratch_operands = 0 : i64, tpu.core_type = #tpu.core_type<tc>, window_params = [{transform_indices = @transform_0, window_bounds = array<i64: 2048, 64>}, {transform_indices = @transform_1, window_bounds = array<i64: 2048, 64>}, {transform_indices = @transform_2, window_bounds = array<i64: 2048, 1>}, {pipeline_mode = #tpu.pipeline_mode<synchronous>, transform_indices = @transform_3, window_bounds = array<i64: 1, 64>}, {pipeline_mode = #tpu.pipeline_mode<synchronous>, transform_indices = @transform_4, window_bounds = array<i64: 64, 32>}, {transform_indices = @transform_5, window_bounds = array<i64: 2048, 32>}]} {
    %get3A = arith.constant 0 : index
    %get3A_0 = arith.constant 0 : index
    %get3A_1 = vector.load %arg3[%get3A, %get3A_0] : memref<2048x1xf32, #tpu.memory_space<vmem>>, vector<2048x1xf32>
    %get3A_2 = arith.constant 0 : index
    %get3A_3 = arith.constant 0 : index
    %get3A_4 = vector.load %arg1[%get3A_2, %get3A_3] : memref<2048x64xf32, #tpu.memory_space<vmem>>, vector<2048x64xf32>
    %get3A_5 = arith.constant 0 : index
    %get3A_6 = arith.constant 0 : index
    %get3A_7 = vector.load %arg2[%get3A_5, %get3A_6] : memref<2048x64xf32, #tpu.memory_space<vmem>>, vector<2048x64xf32>
    %add3A = arith.addf %get3A_4, %get3A_7 : vector<2048x64xf32>
    %mul3A = vector.broadcast %get3A_1 : vector<2048x1xf32> to vector<2048x64xf32>
    %mul3A_8 = arith.mulf %mul3A, %add3A : vector<2048x64xf32>
    %get3A_9 = arith.constant 0 : index
    %get3A_10 = arith.constant 0 : index
    %get3A_11 = vector.load %arg4[%get3A_9, %get3A_10] : memref<1x64xf32, #tpu.memory_space<vmem>>, vector<1x64xf32>
    %add3A_12 = vector.broadcast %get3A_11 : vector<1x64xf32> to vector<2048x64xf32>
    %add3A_13 = arith.addf %mul3A_8, %add3A_12 : vector<2048x64xf32>
    %max3A = arith.constant 0.000000e+00 : f32
    %max3A_14 = vector.broadcast %max3A : f32 to vector<2048x64xf32>
    %max3A_15 = arith.maximumf %add3A_13, %max3A_14 : vector<2048x64xf32>
    %get3A_16 = arith.constant 0 : index
    %get3A_17 = arith.constant 0 : index
    %get3A_18 = vector.load %arg5[%get3A_16, %get3A_17] : memref<64x32xf32, #tpu.memory_space<vmem>>, vector<64x32xf32>
    %dot_general3A = arith.constant dense<0.000000e+00> : vector<2048x32xf32>
    %dot_general3A_19 = tpu.matmul %max3A_15, %get3A_18, %dot_general3A {dimension_numbers = #tpu.dot_dimension_numbers<[1], [0], [0], [1], [0, 0, 1, 1], [], []>, precision = #tpu.contract_precision<fp32>, transpose_lhs_hint = false} : vector<2048x64xf32>, vector<64x32xf32>, vector<2048x32xf32> -> vector<2048x32xf32>
    %mul3A_20 = vector.broadcast %get3A_1 : vector<2048x1xf32> to vector<2048x32xf32>
    %mul3A_21 = arith.mulf %mul3A_20, %dot_general3A_19 : vector<2048x32xf32>
    %swap3A = arith.constant 0 : index
    %swap3A_22 = arith.constant 0 : index
    %swap3A_23 = vector.load %arg6[%swap3A, %swap3A_22] : memref<2048x32xf32, #tpu.memory_space<vmem>>, vector<2048x32xf32>
    tpu.vector_store %arg6[%swap3A, %swap3A_22], %mul3A_21 {strides = array<i32>} : memref<2048x32xf32, #tpu.memory_space<vmem>>, vector<2048x32xf32>,
    return
  }
  func.func @transform_0(%arg0: i32) -> (i32, i32) {
    %c0_i32 = arith.constant 0 : i32
    %c0_i32_0 = arith.constant 0 : i32
    return %arg0, %c0_i32 : i32, i32
  }
  func.func @transform_1(%arg0: i32) -> (i32, i32) {
    %c0_i32 = arith.constant 0 : i32
    %c0_i32_0 = arith.constant 0 : i32
    return %arg0, %c0_i32 : i32, i32
  }
  func.func @transform_2(%arg0: i32) -> (i32, i32) {
    %c0_i32 = arith.constant 0 : i32
    %c0_i32_0 = arith.constant 0 : i32
    return %arg0, %c0_i32 : i32, i32
  }
  func.func @transform_3(%arg0: i32) -> (i32, i32) {
    %c0_i32 = arith.constant 0 : i32
    %c0_i32_0 = arith.constant 0 : i32
    %c0_i32_1 = arith.constant 0 : i32
    return %c0_i32, %c0_i32_0 : i32, i32
  }
  func.func @transform_4(%arg0: i32) -> (i32, i32) {
    %c0_i32 = arith.constant 0 : i32
    %c0_i32_0 = arith.constant 0 : i32
    %c0_i32_1 = arith.constant 0 : i32
    return %c0_i32, %c0_i32_0 : i32, i32
  }
  func.func @transform_5(%arg0: i32) -> (i32, i32) {
    %c0_i32 = arith.constant 0 : i32
    %c0_i32_0 = arith.constant 0 : i32
    return %arg0, %c0_i32 : i32, i32
  }
}

module attributes {stable_mosaic.version = 14 : i64} {
  func.func @_tc_b_body(%arg0: i32, %arg1: memref<2048x32xf32, #tpu.memory_space<vmem>>, %arg2: memref<2048x32xf32, #tpu.memory_space<vmem>>, %arg3: memref<2048x1xf32, #tpu.memory_space<vmem>>, %arg4: memref<1x32xf32, #tpu.memory_space<vmem>>, %arg5: memref<32x16xf32, #tpu.memory_space<vmem>>, %arg6: memref<2048x16xf32, #tpu.memory_space<vmem>>) attributes {dimension_semantics = [#tpu.dimension_semantics<arbitrary>], iteration_bounds = array<i64: 10>, scalar_prefetch = 0 : i64, scratch_operands = 0 : i64, tpu.core_type = #tpu.core_type<tc>, window_params = [{transform_indices = @transform_0, window_bounds = array<i64: 2048, 32>}, {transform_indices = @transform_1, window_bounds = array<i64: 2048, 32>}, {transform_indices = @transform_2, window_bounds = array<i64: 2048, 1>}, {pipeline_mode = #tpu.pipeline_mode<synchronous>, transform_indices = @transform_3, window_bounds = array<i64: 1, 32>}, {pipeline_mode = #tpu.pipeline_mode<synchronous>, transform_indices = @transform_4, window_bounds = array<i64: 32, 16>}, {transform_indices = @transform_5, window_bounds = array<i64: 2048, 16>}]} {
    %get3A = arith.constant 0 : index
    %get3A_0 = arith.constant 0 : index
    %get3A_1 = vector.load %arg3[%get3A, %get3A_0] : memref<2048x1xf32, #tpu.memory_space<vmem>>, vector<2048x1xf32>
    %get3A_2 = arith.constant 0 : index
    %get3A_3 = arith.constant 0 : index
    %get3A_4 = vector.load %arg1[%get3A_2, %get3A_3] : memref<2048x32xf32, #tpu.memory_space<vmem>>, vector<2048x32xf32>
    %get3A_5 = arith.constant 0 : index
    %get3A_6 = arith.constant 0 : index
    %get3A_7 = vector.load %arg2[%get3A_5, %get3A_6] : memref<2048x32xf32, #tpu.memory_space<vmem>>, vector<2048x32xf32>
    %add3A = arith.addf %get3A_4, %get3A_7 : vector<2048x32xf32>
    %mul3A = vector.broadcast %get3A_1 : vector<2048x1xf32> to vector<2048x32xf32>
    %mul3A_8 = arith.mulf %mul3A, %add3A : vector<2048x32xf32>
    %get3A_9 = arith.constant 0 : index
    %get3A_10 = arith.constant 0 : index
    %get3A_11 = vector.load %arg4[%get3A_9, %get3A_10] : memref<1x32xf32, #tpu.memory_space<vmem>>, vector<1x32xf32>
    %add3A_12 = vector.broadcast %get3A_11 : vector<1x32xf32> to vector<2048x32xf32>
    %add3A_13 = arith.addf %mul3A_8, %add3A_12 : vector<2048x32xf32>
    %max3A = arith.constant 0.000000e+00 : f32
    %max3A_14 = vector.broadcast %max3A : f32 to vector<2048x32xf32>
    %max3A_15 = arith.maximumf %add3A_13, %max3A_14 : vector<2048x32xf32>
    %get3A_16 = arith.constant 0 : index
    %get3A_17 = arith.constant 0 : index
    %get3A_18 = vector.load %arg5[%get3A_16, %get3A_17] : memref<32x16xf32, #tpu.memory_space<vmem>>, vector<32x16xf32>
    %dot_general3A = arith.constant dense<0.000000e+00> : vector<2048x16xf32>
    %dot_general3A_19 = tpu.matmul %max3A_15, %get3A_18, %dot_general3A {dimension_numbers = #tpu.dot_dimension_numbers<[1], [0], [0], [1], [0, 0, 1, 1], [], []>, precision = #tpu.contract_precision<fp32>, transpose_lhs_hint = false} : vector<2048x32xf32>, vector<32x16xf32>, vector<2048x16xf32> -> vector<2048x16xf32>
    %mul3A_20 = vector.broadcast %get3A_1 : vector<2048x1xf32> to vector<2048x16xf32>
    %mul3A_21 = arith.mulf %mul3A_20, %dot_general3A_19 : vector<2048x16xf32>
    %swap3A = arith.constant 0 : index
    %swap3A_22 = arith.constant 0 : index
    %swap3A_23 = vector.load %arg6[%swap3A, %swap3A_22] : memref<2048x16xf32, #tpu.memory_space<vmem>>, vector<2048x16xf32>
    tpu.vector_store %arg6[%swap3A, %swap3A_22], %mul3A_21 {strides = array<i32>} : memref<2048x16xf32, #tpu.memory_space<vmem>>, vector<2048x16xf32>,
    return
  }
  func.func @transform_0(%arg0: i32) -> (i32, i32) {
    %c0_i32 = arith.constant 0 : i32
    %c0_i32_0 = arith.constant 0 : i32
    return %arg0, %c0_i32 : i32, i32
  }
  func.func @transform_1(%arg0: i32) -> (i32, i32) {
    %c0_i32 = arith.constant 0 : i32
    %c0_i32_0 = arith.constant 0 : i32
    return %arg0, %c0_i32 : i32, i32
  }
  func.func @transform_2(%arg0: i32) -> (i32, i32) {
    %c0_i32 = arith.constant 0 : i32
    %c0_i32_0 = arith.constant 0 : i32
    return %arg0, %c0_i32 : i32, i32
  }
  func.func @transform_3(%arg0: i32) -> (i32, i32) {
    %c0_i32 = arith.constant 0 : i32
    %c0_i32_0 = arith.constant 0 : i32
    %c0_i32_1 = arith.constant 0 : i32
    return %c0_i32, %c0_i32_0 : i32, i32
  }
  func.func @transform_4(%arg0: i32) -> (i32, i32) {
    %c0_i32 = arith.constant 0 : i32
    %c0_i32_0 = arith.constant 0 : i32
    %c0_i32_1 = arith.constant 0 : i32
    return %c0_i32, %c0_i32_0 : i32, i32
  }
  func.func @transform_5(%arg0: i32) -> (i32, i32) {
    %c0_i32 = arith.constant 0 : i32
    %c0_i32_0 = arith.constant 0 : i32
    return %arg0, %c0_i32 : i32, i32
  }
}

module attributes {stable_mosaic.version = 14 : i64} {
  func.func @_tc_pool_body(%arg0: i32, %arg1: memref<4000x16xf32, #tpu.memory_space<vmem>>, %arg2: memref<4000x16xf32, #tpu.memory_space<vmem>>, %arg3: memref<4000x1xf32, #tpu.memory_space<vmem>>, %arg4: memref<1x16xf32, #tpu.memory_space<vmem>>, %arg5: memref<16x16xf32, #tpu.memory_space<vmem>>, %arg6: memref<8x16xf32, #tpu.memory_space<vmem>>) attributes {dimension_semantics = [#tpu.dimension_semantics<arbitrary>], iteration_bounds = array<i64: 5>, scalar_prefetch = 0 : i64, scratch_operands = 0 : i64, tpu.core_type = #tpu.core_type<tc>, window_params = [{transform_indices = @transform_0, window_bounds = array<i64: 4000, 16>}, {transform_indices = @transform_1, window_bounds = array<i64: 4000, 16>}, {transform_indices = @transform_2, window_bounds = array<i64: 4000, 1>}, {pipeline_mode = #tpu.pipeline_mode<synchronous>, transform_indices = @transform_3, window_bounds = array<i64: 1, 16>}, {pipeline_mode = #tpu.pipeline_mode<synchronous>, transform_indices = @transform_4, window_bounds = array<i64: 16, 16>}, {transform_indices = @transform_5, window_bounds = array<i64: 8, 16>}]} {
    %get3A = arith.constant 0 : index
    %get3A_0 = arith.constant 0 : index
    %get3A_1 = vector.load %arg3[%get3A, %get3A_0] : memref<4000x1xf32, #tpu.memory_space<vmem>>, vector<4000x1xf32>
    %get3A_2 = arith.constant 0 : index
    %get3A_3 = arith.constant 0 : index
    %get3A_4 = vector.load %arg1[%get3A_2, %get3A_3] : memref<4000x16xf32, #tpu.memory_space<vmem>>, vector<4000x16xf32>
    %get3A_5 = arith.constant 0 : index
    %get3A_6 = arith.constant 0 : index
    %get3A_7 = vector.load %arg2[%get3A_5, %get3A_6] : memref<4000x16xf32, #tpu.memory_space<vmem>>, vector<4000x16xf32>
    %add3A = arith.addf %get3A_4, %get3A_7 : vector<4000x16xf32>
    %mul3A = vector.broadcast %get3A_1 : vector<4000x1xf32> to vector<4000x16xf32>
    %mul3A_8 = arith.mulf %mul3A, %add3A : vector<4000x16xf32>
    %get3A_9 = arith.constant 0 : index
    %get3A_10 = arith.constant 0 : index
    %get3A_11 = vector.load %arg4[%get3A_9, %get3A_10] : memref<1x16xf32, #tpu.memory_space<vmem>>, vector<1x16xf32>
    %add3A_12 = vector.broadcast %get3A_11 : vector<1x16xf32> to vector<4000x16xf32>
    %add3A_13 = arith.addf %mul3A_8, %add3A_12 : vector<4000x16xf32>
    %get3A_14 = arith.constant 0 : index
    %get3A_15 = arith.constant 0 : index
    %get3A_16 = vector.load %arg5[%get3A_14, %get3A_15] : memref<16x16xf32, #tpu.memory_space<vmem>>, vector<16x16xf32>
    %dot_general3A = arith.constant dense<0.000000e+00> : vector<4000x16xf32>
    %dot_general3A_17 = tpu.matmul %add3A_13, %get3A_16, %dot_general3A {dimension_numbers = #tpu.dot_dimension_numbers<[1], [0], [0], [1], [0, 0, 1, 1], [], []>, precision = #tpu.contract_precision<fp32>, transpose_lhs_hint = false} : vector<4000x16xf32>, vector<16x16xf32>, vector<4000x16xf32> -> vector<4000x16xf32>
    %reshape3A = vector.shape_cast %dot_general3A_17 : vector<4000x16xf32> to vector<8x500x16xf32>
    %reduce_sum3A = arith.constant dense<0.000000e+00> : vector<8x16xf32>
    %reduce_sum3A_18 = vector.multi_reduction <add>, %reshape3A, %reduce_sum3A [1] : vector<8x500x16xf32> to vector<8x16xf32>
    %div3A = arith.constant 5.000000e+02 : f32
    %div3A_19 = vector.broadcast %div3A : f32 to vector<8x16xf32>
    %div3A_20 = arith.divf %reduce_sum3A_18, %div3A_19 : vector<8x16xf32>
    %tanh3A = math.tanh %div3A_20 : vector<8x16xf32>
    %reshape3A_21 = vector.shape_cast %add3A_13 : vector<4000x16xf32> to vector<8x500x16xf32>
    %broadcast_in_dim3A = vector.shape_cast %tanh3A : vector<8x16xf32> to vector<8x1x16xf32>
    %mul3A_22 = vector.broadcast %broadcast_in_dim3A : vector<8x1x16xf32> to vector<8x500x16xf32>
    %mul3A_23 = arith.mulf %reshape3A_21, %mul3A_22 : vector<8x500x16xf32>
    %reduce_sum3A_24 = arith.constant dense<0.000000e+00> : vector<8x500xf32>
    %reduce_sum3A_25 = vector.multi_reduction <add>, %mul3A_23, %reduce_sum3A_24 [2] : vector<8x500x16xf32> to vector<8x500xf32>
    %logistic3A = arith.negf %reduce_sum3A_25 : vector<8x500xf32>
    %logistic3A_26 = math.exp %logistic3A : vector<8x500xf32>
    %logistic3A_27 = arith.constant 1.000000e+00 : f32
    %logistic3A_28 = vector.broadcast %logistic3A_27 : f32 to vector<8x500xf32>
    %logistic3A_29 = arith.addf %logistic3A_28, %logistic3A_26 : vector<8x500xf32>
    %logistic3A_30 = arith.divf %logistic3A_28, %logistic3A_29 : vector<8x500xf32>
    %broadcast_in_dim3A_31 = vector.shape_cast %logistic3A_30 : vector<8x500xf32> to vector<8x500x1xf32>
    %mul3A_32 = vector.broadcast %broadcast_in_dim3A_31 : vector<8x500x1xf32> to vector<8x500x16xf32>
    %mul3A_33 = arith.mulf %reshape3A_21, %mul3A_32 : vector<8x500x16xf32>
    %reduce_sum3A_34 = arith.constant dense<0.000000e+00> : vector<8x16xf32>
    %reduce_sum3A_35 = vector.multi_reduction <add>, %mul3A_33, %reduce_sum3A_34 [1] : vector<8x500x16xf32> to vector<8x16xf32>
    %swap3A = arith.constant 0 : index
    %swap3A_36 = arith.constant 0 : index
    %swap3A_37 = vector.load %arg6[%swap3A, %swap3A_36] : memref<8x16xf32, #tpu.memory_space<vmem>>, vector<8x16xf32>
    tpu.vector_store %arg6[%swap3A, %swap3A_36], %reduce_sum3A_35 {strides = array<i32>} : memref<8x16xf32, #tpu.memory_space<vmem>>, vector<8x16xf32>,
    return
  }
  func.func @transform_0(%arg0: i32) -> (i32, i32) {
    %c0_i32 = arith.constant 0 : i32
    %c0_i32_0 = arith.constant 0 : i32
    return %arg0, %c0_i32 : i32, i32
  }
  func.func @transform_1(%arg0: i32) -> (i32, i32) {
    %c0_i32 = arith.constant 0 : i32
    %c0_i32_0 = arith.constant 0 : i32
    return %arg0, %c0_i32 : i32, i32
  }
  func.func @transform_2(%arg0: i32) -> (i32, i32) {
    %c0_i32 = arith.constant 0 : i32
    %c0_i32_0 = arith.constant 0 : i32
    return %arg0, %c0_i32 : i32, i32
  }
  func.func @transform_3(%arg0: i32) -> (i32, i32) {
    %c0_i32 = arith.constant 0 : i32
    %c0_i32_0 = arith.constant 0 : i32
    %c0_i32_1 = arith.constant 0 : i32
    return %c0_i32, %c0_i32_0 : i32, i32
  }
  func.func @transform_4(%arg0: i32) -> (i32, i32) {
    %c0_i32 = arith.constant 0 : i32
    %c0_i32_0 = arith.constant 0 : i32
    %c0_i32_1 = arith.constant 0 : i32
    return %c0_i32, %c0_i32_0 : i32, i32
  }
  func.func @transform_5(%arg0: i32) -> (i32, i32) {
    %c0_i32 = arith.constant 0 : i32
    %c0_i32_0 = arith.constant 0 : i32
    return %arg0, %c0_i32 : i32, i32
  }
}

module attributes {stable_mosaic.version = 14 : i64} {
  func.func @_tc_head_body(%arg0: memref<40x16xf32, #tpu.memory_space<vmem>>, %arg1: memref<16x16x16xf32, #tpu.memory_space<vmem>>, %arg2: memref<32x16xf32, #tpu.memory_space<vmem>>, %arg3: memref<1x16xf32, #tpu.memory_space<vmem>>, %arg4: memref<16x16xf32, #tpu.memory_space<vmem>>, %arg5: memref<1x16xf32, #tpu.memory_space<vmem>>, %arg6: memref<16x1xf32, #tpu.memory_space<vmem>>, %arg7: memref<1x1xf32, #tpu.memory_space<vmem>>, %arg8: memref<20x1xf32, #tpu.memory_space<vmem>>) attributes {dimension_semantics = [], scalar_prefetch = 0 : i64, scratch_operands = 0 : i64, tpu.core_type = #tpu.core_type<tc>} {
    %get3A = arith.constant 0 : index
    %get3A_0 = arith.constant 0 : index
    %get3A_1 = vector.load %arg0[%get3A, %get3A_0] : memref<40x16xf32, #tpu.memory_space<vmem>>, vector<40x16xf32>
    %slice3A = vector.extract_strided_slice %get3A_1 {offsets = [0, 0], sizes = [20, 16], strides = [1, 1]} : vector<40x16xf32> to vector<20x16xf32>
    %slice3A_2 = vector.extract_strided_slice %get3A_1 {offsets = [20, 0], sizes = [20, 16], strides = [1, 1]} : vector<40x16xf32> to vector<20x16xf32>
    %get3A_3 = arith.constant 0 : index
    %get3A_4 = arith.constant 0 : index
    %get3A_5 = arith.constant 0 : index
    %get3A_6 = vector.load %arg1[%get3A_3, %get3A_4, %get3A_5] : memref<16x16x16xf32, #tpu.memory_space<vmem>>, vector<1x16x16xf32>
    %get3A_7 = vector.shape_cast %get3A_6 : vector<1x16x16xf32> to vector<16x16xf32>
    %dot_general3A = arith.constant dense<0.000000e+00> : vector<20x16xf32>
    %dot_general3A_8 = tpu.matmul %slice3A, %get3A_7, %dot_general3A {dimension_numbers = #tpu.dot_dimension_numbers<[1], [0], [0], [1], [0, 0, 1, 1], [], []>, precision = #tpu.contract_precision<fp32>, transpose_lhs_hint = false} : vector<20x16xf32>, vector<16x16xf32>, vector<20x16xf32> -> vector<20x16xf32>
    %mul3A = arith.mulf %dot_general3A_8, %slice3A_2 : vector<20x16xf32>
    %reduce_sum3A = arith.constant dense<0.000000e+00> : vector<20xf32>
    %reduce_sum3A_9 = vector.multi_reduction <add>, %mul3A, %reduce_sum3A [1] : vector<20x16xf32> to vector<20xf32>
    %broadcast_in_dim3A = vector.shape_cast %reduce_sum3A_9 : vector<20xf32> to vector<20x1xf32>
    %get3A_10 = arith.constant 1 : index
    %get3A_11 = arith.constant 0 : index
    %get3A_12 = arith.constant 0 : index
    %get3A_13 = vector.load %arg1[%get3A_10, %get3A_11, %get3A_12] : memref<16x16x16xf32, #tpu.memory_space<vmem>>, vector<1x16x16xf32>
    %get3A_14 = vector.shape_cast %get3A_13 : vector<1x16x16xf32> to vector<16x16xf32>
    %dot_general3A_15 = arith.constant dense<0.000000e+00> : vector<20x16xf32>
    %dot_general3A_16 = tpu.matmul %slice3A, %get3A_14, %dot_general3A_15 {dimension_numbers = #tpu.dot_dimension_numbers<[1], [0], [0], [1], [0, 0, 1, 1], [], []>, precision = #tpu.contract_precision<fp32>, transpose_lhs_hint = false} : vector<20x16xf32>, vector<16x16xf32>, vector<20x16xf32> -> vector<20x16xf32>
    %mul3A_17 = arith.mulf %dot_general3A_16, %slice3A_2 : vector<20x16xf32>
    %reduce_sum3A_18 = arith.constant dense<0.000000e+00> : vector<20xf32>
    %reduce_sum3A_19 = vector.multi_reduction <add>, %mul3A_17, %reduce_sum3A_18 [1] : vector<20x16xf32> to vector<20xf32>
    %broadcast_in_dim3A_20 = vector.shape_cast %reduce_sum3A_19 : vector<20xf32> to vector<20x1xf32>
    %get3A_21 = arith.constant 2 : index
    %get3A_22 = arith.constant 0 : index
    %get3A_23 = arith.constant 0 : index
    %get3A_24 = vector.load %arg1[%get3A_21, %get3A_22, %get3A_23] : memref<16x16x16xf32, #tpu.memory_space<vmem>>, vector<1x16x16xf32>
    %get3A_25 = vector.shape_cast %get3A_24 : vector<1x16x16xf32> to vector<16x16xf32>
    %dot_general3A_26 = arith.constant dense<0.000000e+00> : vector<20x16xf32>
    %dot_general3A_27 = tpu.matmul %slice3A, %get3A_25, %dot_general3A_26 {dimension_numbers = #tpu.dot_dimension_numbers<[1], [0], [0], [1], [0, 0, 1, 1], [], []>, precision = #tpu.contract_precision<fp32>, transpose_lhs_hint = false} : vector<20x16xf32>, vector<16x16xf32>, vector<20x16xf32> -> vector<20x16xf32>
    %mul3A_28 = arith.mulf %dot_general3A_27, %slice3A_2 : vector<20x16xf32>
    %reduce_sum3A_29 = arith.constant dense<0.000000e+00> : vector<20xf32>
    %reduce_sum3A_30 = vector.multi_reduction <add>, %mul3A_28, %reduce_sum3A_29 [1] : vector<20x16xf32> to vector<20xf32>
    %broadcast_in_dim3A_31 = vector.shape_cast %reduce_sum3A_30 : vector<20xf32> to vector<20x1xf32>
    %get3A_32 = arith.constant 3 : index
    %get3A_33 = arith.constant 0 : index
    %get3A_34 = arith.constant 0 : index
    %get3A_35 = vector.load %arg1[%get3A_32, %get3A_33, %get3A_34] : memref<16x16x16xf32, #tpu.memory_space<vmem>>, vector<1x16x16xf32>
    %get3A_36 = vector.shape_cast %get3A_35 : vector<1x16x16xf32> to vector<16x16xf32>
    %dot_general3A_37 = arith.constant dense<0.000000e+00> : vector<20x16xf32>
    %dot_general3A_38 = tpu.matmul %slice3A, %get3A_36, %dot_general3A_37 {dimension_numbers = #tpu.dot_dimension_numbers<[1], [0], [0], [1], [0, 0, 1, 1], [], []>, precision = #tpu.contract_precision<fp32>, transpose_lhs_hint = false} : vector<20x16xf32>, vector<16x16xf32>, vector<20x16xf32> -> vector<20x16xf32>
    %mul3A_39 = arith.mulf %dot_general3A_38, %slice3A_2 : vector<20x16xf32>
    %reduce_sum3A_40 = arith.constant dense<0.000000e+00> : vector<20xf32>
    %reduce_sum3A_41 = vector.multi_reduction <add>, %mul3A_39, %reduce_sum3A_40 [1] : vector<20x16xf32> to vector<20xf32>
    %broadcast_in_dim3A_42 = vector.shape_cast %reduce_sum3A_41 : vector<20xf32> to vector<20x1xf32>
    %get3A_43 = arith.constant 4 : index
    %get3A_44 = arith.constant 0 : index
    %get3A_45 = arith.constant 0 : index
    %get3A_46 = vector.load %arg1[%get3A_43, %get3A_44, %get3A_45] : memref<16x16x16xf32, #tpu.memory_space<vmem>>, vector<1x16x16xf32>
    %get3A_47 = vector.shape_cast %get3A_46 : vector<1x16x16xf32> to vector<16x16xf32>
    %dot_general3A_48 = arith.constant dense<0.000000e+00> : vector<20x16xf32>
    %dot_general3A_49 = tpu.matmul %slice3A, %get3A_47, %dot_general3A_48 {dimension_numbers = #tpu.dot_dimension_numbers<[1], [0], [0], [1], [0, 0, 1, 1], [], []>, precision = #tpu.contract_precision<fp32>, transpose_lhs_hint = false} : vector<20x16xf32>, vector<16x16xf32>, vector<20x16xf32> -> vector<20x16xf32>
    %mul3A_50 = arith.mulf %dot_general3A_49, %slice3A_2 : vector<20x16xf32>
    %reduce_sum3A_51 = arith.constant dense<0.000000e+00> : vector<20xf32>
    %reduce_sum3A_52 = vector.multi_reduction <add>, %mul3A_50, %reduce_sum3A_51 [1] : vector<20x16xf32> to vector<20xf32>
    %broadcast_in_dim3A_53 = vector.shape_cast %reduce_sum3A_52 : vector<20xf32> to vector<20x1xf32>
    %get3A_54 = arith.constant 5 : index
    %get3A_55 = arith.constant 0 : index
    %get3A_56 = arith.constant 0 : index
    %get3A_57 = vector.load %arg1[%get3A_54, %get3A_55, %get3A_56] : memref<16x16x16xf32, #tpu.memory_space<vmem>>, vector<1x16x16xf32>
    %get3A_58 = vector.shape_cast %get3A_57 : vector<1x16x16xf32> to vector<16x16xf32>
    %dot_general3A_59 = arith.constant dense<0.000000e+00> : vector<20x16xf32>
    %dot_general3A_60 = tpu.matmul %slice3A, %get3A_58, %dot_general3A_59 {dimension_numbers = #tpu.dot_dimension_numbers<[1], [0], [0], [1], [0, 0, 1, 1], [], []>, precision = #tpu.contract_precision<fp32>, transpose_lhs_hint = false} : vector<20x16xf32>, vector<16x16xf32>, vector<20x16xf32> -> vector<20x16xf32>
    %mul3A_61 = arith.mulf %dot_general3A_60, %slice3A_2 : vector<20x16xf32>
    %reduce_sum3A_62 = arith.constant dense<0.000000e+00> : vector<20xf32>
    %reduce_sum3A_63 = vector.multi_reduction <add>, %mul3A_61, %reduce_sum3A_62 [1] : vector<20x16xf32> to vector<20xf32>
    %broadcast_in_dim3A_64 = vector.shape_cast %reduce_sum3A_63 : vector<20xf32> to vector<20x1xf32>
    %get3A_65 = arith.constant 6 : index
    %get3A_66 = arith.constant 0 : index
    %get3A_67 = arith.constant 0 : index
    %get3A_68 = vector.load %arg1[%get3A_65, %get3A_66, %get3A_67] : memref<16x16x16xf32, #tpu.memory_space<vmem>>, vector<1x16x16xf32>
    %get3A_69 = vector.shape_cast %get3A_68 : vector<1x16x16xf32> to vector<16x16xf32>
    %dot_general3A_70 = arith.constant dense<0.000000e+00> : vector<20x16xf32>
    %dot_general3A_71 = tpu.matmul %slice3A, %get3A_69, %dot_general3A_70 {dimension_numbers = #tpu.dot_dimension_numbers<[1], [0], [0], [1], [0, 0, 1, 1], [], []>, precision = #tpu.contract_precision<fp32>, transpose_lhs_hint = false} : vector<20x16xf32>, vector<16x16xf32>, vector<20x16xf32> -> vector<20x16xf32>
    %mul3A_72 = arith.mulf %dot_general3A_71, %slice3A_2 : vector<20x16xf32>
    %reduce_sum3A_73 = arith.constant dense<0.000000e+00> : vector<20xf32>
    %reduce_sum3A_74 = vector.multi_reduction <add>, %mul3A_72, %reduce_sum3A_73 [1] : vector<20x16xf32> to vector<20xf32>
    %broadcast_in_dim3A_75 = vector.shape_cast %reduce_sum3A_74 : vector<20xf32> to vector<20x1xf32>
    %get3A_76 = arith.constant 7 : index
    %get3A_77 = arith.constant 0 : index
    %get3A_78 = arith.constant 0 : index
    %get3A_79 = vector.load %arg1[%get3A_76, %get3A_77, %get3A_78] : memref<16x16x16xf32, #tpu.memory_space<vmem>>, vector<1x16x16xf32>
    %get3A_80 = vector.shape_cast %get3A_79 : vector<1x16x16xf32> to vector<16x16xf32>
    %dot_general3A_81 = arith.constant dense<0.000000e+00> : vector<20x16xf32>
    %dot_general3A_82 = tpu.matmul %slice3A, %get3A_80, %dot_general3A_81 {dimension_numbers = #tpu.dot_dimension_numbers<[1], [0], [0], [1], [0, 0, 1, 1], [], []>, precision = #tpu.contract_precision<fp32>, transpose_lhs_hint = false} : vector<20x16xf32>, vector<16x16xf32>, vector<20x16xf32> -> vector<20x16xf32>
    %mul3A_83 = arith.mulf %dot_general3A_82, %slice3A_2 : vector<20x16xf32>
    %reduce_sum3A_84 = arith.constant dense<0.000000e+00> : vector<20xf32>
    %reduce_sum3A_85 = vector.multi_reduction <add>, %mul3A_83, %reduce_sum3A_84 [1] : vector<20x16xf32> to vector<20xf32>
    %broadcast_in_dim3A_86 = vector.shape_cast %reduce_sum3A_85 : vector<20xf32> to vector<20x1xf32>
    %get3A_87 = arith.constant 8 : index
    %get3A_88 = arith.constant 0 : index
    %get3A_89 = arith.constant 0 : index
    %get3A_90 = vector.load %arg1[%get3A_87, %get3A_88, %get3A_89] : memref<16x16x16xf32, #tpu.memory_space<vmem>>, vector<1x16x16xf32>
    %get3A_91 = vector.shape_cast %get3A_90 : vector<1x16x16xf32> to vector<16x16xf32>
    %dot_general3A_92 = arith.constant dense<0.000000e+00> : vector<20x16xf32>
    %dot_general3A_93 = tpu.matmul %slice3A, %get3A_91, %dot_general3A_92 {dimension_numbers = #tpu.dot_dimension_numbers<[1], [0], [0], [1], [0, 0, 1, 1], [], []>, precision = #tpu.contract_precision<fp32>, transpose_lhs_hint = false} : vector<20x16xf32>, vector<16x16xf32>, vector<20x16xf32> -> vector<20x16xf32>
    %mul3A_94 = arith.mulf %dot_general3A_93, %slice3A_2 : vector<20x16xf32>
    %reduce_sum3A_95 = arith.constant dense<0.000000e+00> : vector<20xf32>
    %reduce_sum3A_96 = vector.multi_reduction <add>, %mul3A_94, %reduce_sum3A_95 [1] : vector<20x16xf32> to vector<20xf32>
    %broadcast_in_dim3A_97 = vector.shape_cast %reduce_sum3A_96 : vector<20xf32> to vector<20x1xf32>
    %get3A_98 = arith.constant 9 : index
    %get3A_99 = arith.constant 0 : index
    %get3A_100 = arith.constant 0 : index
    %get3A_101 = vector.load %arg1[%get3A_98, %get3A_99, %get3A_100] : memref<16x16x16xf32, #tpu.memory_space<vmem>>, vector<1x16x16xf32>
    %get3A_102 = vector.shape_cast %get3A_101 : vector<1x16x16xf32> to vector<16x16xf32>
    %dot_general3A_103 = arith.constant dense<0.000000e+00> : vector<20x16xf32>
    %dot_general3A_104 = tpu.matmul %slice3A, %get3A_102, %dot_general3A_103 {dimension_numbers = #tpu.dot_dimension_numbers<[1], [0], [0], [1], [0, 0, 1, 1], [], []>, precision = #tpu.contract_precision<fp32>, transpose_lhs_hint = false} : vector<20x16xf32>, vector<16x16xf32>, vector<20x16xf32> -> vector<20x16xf32>
    %mul3A_105 = arith.mulf %dot_general3A_104, %slice3A_2 : vector<20x16xf32>
    %reduce_sum3A_106 = arith.constant dense<0.000000e+00> : vector<20xf32>
    %reduce_sum3A_107 = vector.multi_reduction <add>, %mul3A_105, %reduce_sum3A_106 [1] : vector<20x16xf32> to vector<20xf32>
    %broadcast_in_dim3A_108 = vector.shape_cast %reduce_sum3A_107 : vector<20xf32> to vector<20x1xf32>
    %get3A_109 = arith.constant 10 : index
    %get3A_110 = arith.constant 0 : index
    %get3A_111 = arith.constant 0 : index
    %get3A_112 = vector.load %arg1[%get3A_109, %get3A_110, %get3A_111] : memref<16x16x16xf32, #tpu.memory_space<vmem>>, vector<1x16x16xf32>
    %get3A_113 = vector.shape_cast %get3A_112 : vector<1x16x16xf32> to vector<16x16xf32>
    %dot_general3A_114 = arith.constant dense<0.000000e+00> : vector<20x16xf32>
    %dot_general3A_115 = tpu.matmul %slice3A, %get3A_113, %dot_general3A_114 {dimension_numbers = #tpu.dot_dimension_numbers<[1], [0], [0], [1], [0, 0, 1, 1], [], []>, precision = #tpu.contract_precision<fp32>, transpose_lhs_hint = false} : vector<20x16xf32>, vector<16x16xf32>, vector<20x16xf32> -> vector<20x16xf32>
    %mul3A_116 = arith.mulf %dot_general3A_115, %slice3A_2 : vector<20x16xf32>
    %reduce_sum3A_117 = arith.constant dense<0.000000e+00> : vector<20xf32>
    %reduce_sum3A_118 = vector.multi_reduction <add>, %mul3A_116, %reduce_sum3A_117 [1] : vector<20x16xf32> to vector<20xf32>
    %broadcast_in_dim3A_119 = vector.shape_cast %reduce_sum3A_118 : vector<20xf32> to vector<20x1xf32>
    %get3A_120 = arith.constant 11 : index
    %get3A_121 = arith.constant 0 : index
    %get3A_122 = arith.constant 0 : index
    %get3A_123 = vector.load %arg1[%get3A_120, %get3A_121, %get3A_122] : memref<16x16x16xf32, #tpu.memory_space<vmem>>, vector<1x16x16xf32>
    %get3A_124 = vector.shape_cast %get3A_123 : vector<1x16x16xf32> to vector<16x16xf32>
    %dot_general3A_125 = arith.constant dense<0.000000e+00> : vector<20x16xf32>
    %dot_general3A_126 = tpu.matmul %slice3A, %get3A_124, %dot_general3A_125 {dimension_numbers = #tpu.dot_dimension_numbers<[1], [0], [0], [1], [0, 0, 1, 1], [], []>, precision = #tpu.contract_precision<fp32>, transpose_lhs_hint = false} : vector<20x16xf32>, vector<16x16xf32>, vector<20x16xf32> -> vector<20x16xf32>
    %mul3A_127 = arith.mulf %dot_general3A_126, %slice3A_2 : vector<20x16xf32>
    %reduce_sum3A_128 = arith.constant dense<0.000000e+00> : vector<20xf32>
    %reduce_sum3A_129 = vector.multi_reduction <add>, %mul3A_127, %reduce_sum3A_128 [1] : vector<20x16xf32> to vector<20xf32>
    %broadcast_in_dim3A_130 = vector.shape_cast %reduce_sum3A_129 : vector<20xf32> to vector<20x1xf32>
    %get3A_131 = arith.constant 12 : index
    %get3A_132 = arith.constant 0 : index
    %get3A_133 = arith.constant 0 : index
    %get3A_134 = vector.load %arg1[%get3A_131, %get3A_132, %get3A_133] : memref<16x16x16xf32, #tpu.memory_space<vmem>>, vector<1x16x16xf32>
    %get3A_135 = vector.shape_cast %get3A_134 : vector<1x16x16xf32> to vector<16x16xf32>
    %dot_general3A_136 = arith.constant dense<0.000000e+00> : vector<20x16xf32>
    %dot_general3A_137 = tpu.matmul %slice3A, %get3A_135, %dot_general3A_136 {dimension_numbers = #tpu.dot_dimension_numbers<[1], [0], [0], [1], [0, 0, 1, 1], [], []>, precision = #tpu.contract_precision<fp32>, transpose_lhs_hint = false} : vector<20x16xf32>, vector<16x16xf32>, vector<20x16xf32> -> vector<20x16xf32>
    %mul3A_138 = arith.mulf %dot_general3A_137, %slice3A_2 : vector<20x16xf32>
    %reduce_sum3A_139 = arith.constant dense<0.000000e+00> : vector<20xf32>
    %reduce_sum3A_140 = vector.multi_reduction <add>, %mul3A_138, %reduce_sum3A_139 [1] : vector<20x16xf32> to vector<20xf32>
    %broadcast_in_dim3A_141 = vector.shape_cast %reduce_sum3A_140 : vector<20xf32> to vector<20x1xf32>
    %get3A_142 = arith.constant 13 : index
    %get3A_143 = arith.constant 0 : index
    %get3A_144 = arith.constant 0 : index
    %get3A_145 = vector.load %arg1[%get3A_142, %get3A_143, %get3A_144] : memref<16x16x16xf32, #tpu.memory_space<vmem>>, vector<1x16x16xf32>
    %get3A_146 = vector.shape_cast %get3A_145 : vector<1x16x16xf32> to vector<16x16xf32>
    %dot_general3A_147 = arith.constant dense<0.000000e+00> : vector<20x16xf32>
    %dot_general3A_148 = tpu.matmul %slice3A, %get3A_146, %dot_general3A_147 {dimension_numbers = #tpu.dot_dimension_numbers<[1], [0], [0], [1], [0, 0, 1, 1], [], []>, precision = #tpu.contract_precision<fp32>, transpose_lhs_hint = false} : vector<20x16xf32>, vector<16x16xf32>, vector<20x16xf32> -> vector<20x16xf32>
    %mul3A_149 = arith.mulf %dot_general3A_148, %slice3A_2 : vector<20x16xf32>
    %reduce_sum3A_150 = arith.constant dense<0.000000e+00> : vector<20xf32>
    %reduce_sum3A_151 = vector.multi_reduction <add>, %mul3A_149, %reduce_sum3A_150 [1] : vector<20x16xf32> to vector<20xf32>
    %broadcast_in_dim3A_152 = vector.shape_cast %reduce_sum3A_151 : vector<20xf32> to vector<20x1xf32>
    %get3A_153 = arith.constant 14 : index
    %get3A_154 = arith.constant 0 : index
    %get3A_155 = arith.constant 0 : index
    %get3A_156 = vector.load %arg1[%get3A_153, %get3A_154, %get3A_155] : memref<16x16x16xf32, #tpu.memory_space<vmem>>, vector<1x16x16xf32>
    %get3A_157 = vector.shape_cast %get3A_156 : vector<1x16x16xf32> to vector<16x16xf32>
    %dot_general3A_158 = arith.constant dense<0.000000e+00> : vector<20x16xf32>
    %dot_general3A_159 = tpu.matmul %slice3A, %get3A_157, %dot_general3A_158 {dimension_numbers = #tpu.dot_dimension_numbers<[1], [0], [0], [1], [0, 0, 1, 1], [], []>, precision = #tpu.contract_precision<fp32>, transpose_lhs_hint = false} : vector<20x16xf32>, vector<16x16xf32>, vector<20x16xf32> -> vector<20x16xf32>
    %mul3A_160 = arith.mulf %dot_general3A_159, %slice3A_2 : vector<20x16xf32>
    %reduce_sum3A_161 = arith.constant dense<0.000000e+00> : vector<20xf32>
    %reduce_sum3A_162 = vector.multi_reduction <add>, %mul3A_160, %reduce_sum3A_161 [1] : vector<20x16xf32> to vector<20xf32>
    %broadcast_in_dim3A_163 = vector.shape_cast %reduce_sum3A_162 : vector<20xf32> to vector<20x1xf32>
    %get3A_164 = arith.constant 15 : index
    %get3A_165 = arith.constant 0 : index
    %get3A_166 = arith.constant 0 : index
    %get3A_167 = vector.load %arg1[%get3A_164, %get3A_165, %get3A_166] : memref<16x16x16xf32, #tpu.memory_space<vmem>>, vector<1x16x16xf32>
    %get3A_168 = vector.shape_cast %get3A_167 : vector<1x16x16xf32> to vector<16x16xf32>
    %dot_general3A_169 = arith.constant dense<0.000000e+00> : vector<20x16xf32>
    %dot_general3A_170 = tpu.matmul %slice3A, %get3A_168, %dot_general3A_169 {dimension_numbers = #tpu.dot_dimension_numbers<[1], [0], [0], [1], [0, 0, 1, 1], [], []>, precision = #tpu.contract_precision<fp32>, transpose_lhs_hint = false} : vector<20x16xf32>, vector<16x16xf32>, vector<20x16xf32> -> vector<20x16xf32>
    %mul3A_171 = arith.mulf %dot_general3A_170, %slice3A_2 : vector<20x16xf32>
    %reduce_sum3A_172 = arith.constant dense<0.000000e+00> : vector<20xf32>
    %reduce_sum3A_173 = vector.multi_reduction <add>, %mul3A_171, %reduce_sum3A_172 [1] : vector<20x16xf32> to vector<20xf32>
    %broadcast_in_dim3A_174 = vector.shape_cast %reduce_sum3A_173 : vector<20xf32> to vector<20x1xf32>
    %concatenate3A = tpu.concatenate %broadcast_in_dim3A, %broadcast_in_dim3A_20, %broadcast_in_dim3A_31, %broadcast_in_dim3A_42, %broadcast_in_dim3A_53, %broadcast_in_dim3A_64, %broadcast_in_dim3A_75, %broadcast_in_dim3A_86, %broadcast_in_dim3A_97, %broadcast_in_dim3A_108, %broadcast_in_dim3A_119, %broadcast_in_dim3A_130, %broadcast_in_dim3A_141, %broadcast_in_dim3A_152, %broadcast_in_dim3A_163, %broadcast_in_dim3A_174 in 1 : vector<20x1xf32>, vector<20x1xf32>, vector<20x1xf32>, vector<20x1xf32>, vector<20x1xf32>, vector<20x1xf32>, vector<20x1xf32>, vector<20x1xf32>, vector<20x1xf32>, vector<20x1xf32>, vector<20x1xf32>, vector<20x1xf32>, vector<20x1xf32>, vector<20x1xf32>, vector<20x1xf32>, vector<20x1xf32> -> vector<20x16xf32>
    %concatenate3A_175 = tpu.concatenate %slice3A, %slice3A_2 in 1 : vector<20x16xf32>, vector<20x16xf32> -> vector<20x32xf32>
    %get3A_176 = arith.constant 0 : index
    %get3A_177 = arith.constant 0 : index
    %get3A_178 = vector.load %arg2[%get3A_176, %get3A_177] : memref<32x16xf32, #tpu.memory_space<vmem>>, vector<32x16xf32>
    %dot_general3A_179 = arith.constant dense<0.000000e+00> : vector<20x16xf32>
    %dot_general3A_180 = tpu.matmul %concatenate3A_175, %get3A_178, %dot_general3A_179 {dimension_numbers = #tpu.dot_dimension_numbers<[1], [0], [0], [1], [0, 0, 1, 1], [], []>, precision = #tpu.contract_precision<fp32>, transpose_lhs_hint = false} : vector<20x32xf32>, vector<32x16xf32>, vector<20x16xf32> -> vector<20x16xf32>
    %add3A = arith.addf %concatenate3A, %dot_general3A_180 : vector<20x16xf32>
    %get3A_181 = arith.constant 0 : index
    %get3A_182 = arith.constant 0 : index
    %get3A_183 = vector.load %arg3[%get3A_181, %get3A_182] : memref<1x16xf32, #tpu.memory_space<vmem>>, vector<1x16xf32>
    %add3A_184 = vector.broadcast %get3A_183 : vector<1x16xf32> to vector<20x16xf32>
    %add3A_185 = arith.addf %add3A, %add3A_184 : vector<20x16xf32>
    %max3A = arith.constant 0.000000e+00 : f32
    %max3A_186 = vector.broadcast %max3A : f32 to vector<20x16xf32>
    %max3A_187 = arith.maximumf %add3A_185, %max3A_186 : vector<20x16xf32>
    %get3A_188 = arith.constant 0 : index
    %get3A_189 = arith.constant 0 : index
    %get3A_190 = vector.load %arg4[%get3A_188, %get3A_189] : memref<16x16xf32, #tpu.memory_space<vmem>>, vector<16x16xf32>
    %dot_general3A_191 = arith.constant dense<0.000000e+00> : vector<20x16xf32>
    %dot_general3A_192 = tpu.matmul %max3A_187, %get3A_190, %dot_general3A_191 {dimension_numbers = #tpu.dot_dimension_numbers<[1], [0], [0], [1], [0, 0, 1, 1], [], []>, precision = #tpu.contract_precision<fp32>, transpose_lhs_hint = false} : vector<20x16xf32>, vector<16x16xf32>, vector<20x16xf32> -> vector<20x16xf32>
    %get3A_193 = arith.constant 0 : index
    %get3A_194 = arith.constant 0 : index
    %get3A_195 = vector.load %arg5[%get3A_193, %get3A_194] : memref<1x16xf32, #tpu.memory_space<vmem>>, vector<1x16xf32>
    %add3A_196 = vector.broadcast %get3A_195 : vector<1x16xf32> to vector<20x16xf32>
    %add3A_197 = arith.addf %dot_general3A_192, %add3A_196 : vector<20x16xf32>
    %max3A_198 = arith.constant 0.000000e+00 : f32
    %max3A_199 = vector.broadcast %max3A_198 : f32 to vector<20x16xf32>
    %max3A_200 = arith.maximumf %add3A_197, %max3A_199 : vector<20x16xf32>
    %get3A_201 = arith.constant 0 : index
    %get3A_202 = arith.constant 0 : index
    %get3A_203 = vector.load %arg6[%get3A_201, %get3A_202] : memref<16x1xf32, #tpu.memory_space<vmem>>, vector<16x1xf32>
    %dot_general3A_204 = arith.constant dense<0.000000e+00> : vector<20x1xf32>
    %dot_general3A_205 = tpu.matmul %max3A_200, %get3A_203, %dot_general3A_204 {dimension_numbers = #tpu.dot_dimension_numbers<[1], [0], [0], [1], [0, 0, 1, 1], [], []>, precision = #tpu.contract_precision<fp32>, transpose_lhs_hint = false} : vector<20x16xf32>, vector<16x1xf32>, vector<20x1xf32> -> vector<20x1xf32>
    %get3A_206 = arith.constant 0 : index
    %get3A_207 = arith.constant 0 : index
    %get3A_208 = vector.load %arg7[%get3A_206, %get3A_207] : memref<1x1xf32, #tpu.memory_space<vmem>>, vector<1x1xf32>
    %add3A_209 = vector.broadcast %get3A_208 : vector<1x1xf32> to vector<20x1xf32>
    %add3A_210 = arith.addf %dot_general3A_205, %add3A_209 : vector<20x1xf32>
    %logistic3A = arith.negf %add3A_210 : vector<20x1xf32>
    %logistic3A_211 = math.exp %logistic3A : vector<20x1xf32>
    %logistic3A_212 = arith.constant 1.000000e+00 : f32
    %logistic3A_213 = vector.broadcast %logistic3A_212 : f32 to vector<20x1xf32>
    %logistic3A_214 = arith.addf %logistic3A_213, %logistic3A_211 : vector<20x1xf32>
    %logistic3A_215 = arith.divf %logistic3A_213, %logistic3A_214 : vector<20x1xf32>
    %swap3A = arith.constant 0 : index
    %swap3A_216 = arith.constant 0 : index
    %swap3A_217 = vector.load %arg8[%swap3A, %swap3A_216] : memref<20x1xf32, #tpu.memory_space<vmem>>, vector<20x1xf32>
    tpu.vector_store %arg8[%swap3A, %swap3A_216], %logistic3A_215 {strides = array<i32>} : memref<20x1xf32, #tpu.memory_space<vmem>>, vector<20x1xf32>,
    return
  }
}

</mosaic_0001>

<sc_bundles>
// kernel: kernel.11.cloned.1.call-start
scs
__scs_entry_jumppad:
0x0: {  	(pc) =	sbr.rel $0x88, $3  }
0x1: {  	(tag) =	ssettag $0x0;
	lr =	simm.s32 $0x1  }
0x2: {  	[smem:$0x3F8F] =	sst lr;
	_ =	strace $0xD0000000  }
0x3: {  	_ = 	snop  }
0x4: {  	_ = 	snop  }
0x5: {  	_ = 	snop  }
0x6: {  	_ = 	snop  }
0x7: {  	_ = 	snop  }
__scs_overlays_trampoline_lowered:
0x8: {  	[smem:$0x3F9E] =	sst s0  }
0x9: {  	[smem:$0x3F9F] =	sst s1  }
0xa: {  	[smem:$0x3FA0] =	sst s2  }
0xb: {  	[smem:$0x3FA1] =	sst s3  }
0xc: {  	[smem:$0x3FA2] =	sst s4  }
0xd: {  	[smem:$0x3FA3] =	sst s5  }
0xe: {  	[smem:$0x3FA4] =	sst s6  }
0xf: {  	[smem:$0x3FA5] =	sst s7  }
0x10: {  	[smem:$0x3FA6] =	sst s8  }
0x11: {  	[smem:$0x3FA7] =	sst s9;
	s0 =	simm.s32 @!p0 $0x0  }
0x12: {  	s1 =	sld [smem:$0x3F8D];
	s0 =	simm.s32 @p0 $0x1  }
0x13: {  	[smem:$0x3FA8] =	sst s0;
	s0 =	simm.s32 @!p1 $0x0  }
0x14: {  	s2 =	sld [smem:$0x3F8C];
	s0 =	simm.s32 @p1 $0x1  }
0x15: {  	[smem:$0x3FA9] =	sst s0;
	s0 =	simm.s32 @!p2 $0x0  }
0x16: {  	s3 =	sld [smem:$0x3FDB];
	s0 =	simm.s32 @p2 $0x1  }
0x17: {  	s4 =	simm.s32 $0x1BF5;
	[smem:$0x3FAB] =	sst s0  }
0x18: {  	s0 =	sld [smem:$0x3F8E];
	_ =	swait.ge [sflag:s4], $0x0  }
0x19: {  	s7 =	sld [smem:$0x3F8F]  }
0x1a: {  	s8 =	sadd.s32 $0xFFFFE003, lr  }
0x1b: {  	s9 =	sadd.s32 $0xFFFFFEF7, lr;
	s5 =	simm.s32 $0xFFFFFFFF;
	p2 =	slt.u32 s8, $0xFFFFF086  }
0x1c: {  	p1 =	slt.u32 s9, $0xF7A;
	s5 =	simm.s32 @!p2 $0x0  }
0x1d: {  	s5 =	simm.s32 @p1 $0x1;
	p0 =	seq.s32 s7, s2  }
0x1e: {  	s7 =	smul.u32 @!p0 $0xF7A, s2;
	p2 =	seq.s32 @!p0 s5, $0x0  }
0x1f: {  	s9 =	smul.u32 $0xF7A, s1;
	s8 =	simm.s32 @!p0 $0x1BF5;
	p2 =	por !p2, p0  }
0x20: {  	[sflag:s8] =	ssyncset.s32 @!p0 $0xFFFFF086;
	s6 =	sadd.s32 @!p0 s3, s7;
	s7 =	simm.s32 @!p0 $0x108  }
0x21: {  	s3 =	sadd.s32 s3, s9;
	s6 =	sadd.s32 @!p0 $0x88, s6;
	s7 =	simm.s32 @p2 $0x1082  }
0x22: {  	[simem:s7], [sflag:s8] =	dma.local @!p0 [hbm:s6], $0xF7A  }
0x23: {  	s9 =	sor.u32 $0xD0000000, s2;
	s6 =	simm.s32 $0x108;
	_ =	swait.ge @!p0 [sflag:s8], $0x0  }
0x24: {  	s3 =	sadd.s32 $0x88, s3;
	s6 =	simm.s32 @!p1 $0x1082;
	[sflag:s4] =	ssyncset.s32 $0xFFFFF086  }
0x25: {  	[simem:s6], [sflag:s4] =	dma.local [hbm:s3], $0xF7A  }
0x26: {  	[smem:$0x3F8F] =	sst s1;
	(tag) =	ssettag s2;
	_ =	strace s9  }
0x27: {  	s1 =	sld [smem:$0x3F9F]  }
0x28: {  	s2 =	sld [smem:$0x3FA0]  }
0x29: {  	s4 =	sld [smem:$0x3FA2]  }
0x2a: {  	p0 =	seq.s32 s5, $0x0;
	s5 =	sld [smem:$0x3FA3]  }
0x2b: {  	s6 =	sld [smem:$0x3FA4]  }
0x2c: {  	s7 =	sld [smem:$0x3FA5]  }
0x2d: {  	s3 =	simm.s32 $0x108;
	s8 =	sld [smem:$0x3FA6]  }
0x2e: {  	s3 =	simm.s32 @!p0 $0x1082;
	s9 =	sld [smem:$0x3FA7]  }
0x2f: {  	lr =	sadd.s32 s0, s3;
	s0 =	sld [smem:$0x3F9E]  }
0x30: {  	s3 =	sld [smem:$0x3FA1]  }
0x31: {  	[smem:$0x3FAA] =	sst s10  }
0x32: {  	s10 =	sld [smem:$0x3FA8];
	_ =	sdelay $0x3  }
0x33: {  	p0 =	seq.s32 s10, $0x1;
	s10 =	sld [smem:$0x3FAA];
	_ =	sdelay $0x3  }
0x34: {  	[smem:$0x3FAA] =	sst s10  }
0x35: {  	s10 =	sld [smem:$0x3FA9];
	_ =	sdelay $0x3  }
0x36: {  	p1 =	seq.s32 s10, $0x1;
	s10 =	sld [smem:$0x3FAA];
	_ =	sdelay $0x3  }
0x37: {  	[smem:$0x3FAA] =	sst s10  }
0x38: {  	s10 =	sld [smem:$0x3FAB]  }
0x39: {  	_ = 	snop;
	(pc) =	sbr.ind lr, $3  }
0x3a: {  	_ = 	snop  }
0x3b: {  	_ = 	snop  }
0x3c: {  	p2 =	seq.s32 s10, $0x1;
	s10 =	sld [smem:$0x3FAA]  }
0x3d: {  	_ =	shalt  }
0x3e: {  	_ =	shalt  }
0x3f: {  	_ =	shalt  }
0x40: {  	_ =	shalt  }
0x41: {  	_ =	shalt  }
0x42: {  	_ =	shalt  }
0x43: {  	_ =	shalt  }
0x44: {  	_ =	shalt  }
0x45: {  	_ =	shalt  }
0x46: {  	_ =	shalt  }
0x47: {  	_ =	shalt  }
0x48: {  	_ =	shalt  }
0x49: {  	_ =	shalt  }
0x4a: {  	_ =	shalt  }
0x4b: {  	_ =	shalt  }
0x4c: {  	_ =	shalt  }
0x4d: {  	_ =	shalt  }
0x4e: {  	_ =	shalt  }
0x4f: {  	_ =	shalt  }
0x50: {  	_ =	shalt  }
0x51: {  	_ =	shalt  }
0x52: {  	_ =	shalt  }
0x53: {  	_ =	shalt  }
0x54: {  	_ =	shalt  }
0x55: {  	_ =	shalt  }
0x56: {  	_ =	shalt  }
0x57: {  	_ =	shalt  }
0x58: {  	_ =	shalt  }
0x59: {  	_ =	shalt  }
0x5a: {  	_ =	shalt  }
0x5b: {  	_ =	shalt  }
0x5c: {  	_ =	shalt  }
0x5d: {  	_ =	shalt  }
0x5e: {  	_ =	shalt  }
0x5f: {  	_ =	shalt  }
0x60: {  	_ =	shalt  }
0x61: {  	_ =	shalt  }
0x62: {  	_ =	shalt  }
0x63: {  	_ =	shalt  }
0x64: {  	_ =	shalt  }
0x65: {  	_ =	shalt  }
0x66: {  	_ =	shalt  }
0x67: {  	_ =	shalt  }
0x68: {  	_ =	shalt  }
0x69: {  	_ =	shalt  }
0x6a: {  	_ =	shalt  }
0x6b: {  	_ =	shalt  }
0x6c: {  	_ =	shalt  }
0x6d: {  	_ =	shalt  }
0x6e: {  	_ =	shalt  }
0x6f: {  	_ =	shalt  }
0x70: {  	_ =	shalt  }
0x71: {  	_ =	shalt  }
0x72: {  	_ =	shalt  }
0x73: {  	_ =	shalt  }
0x74: {  	_ =	shalt  }
0x75: {  	_ =	shalt  }
0x76: {  	_ =	shalt  }
0x77: {  	_ =	shalt  }
0x78: {  	_ =	shalt  }
0x79: {  	_ =	shalt  }
0x7a: {  	_ =	shalt  }
0x7b: {  	_ =	shalt  }
0x7c: {  	_ =	shalt  }
0x7d: {  	_ =	shalt  }
0x7e: {  	_ =	shalt  }
0x7f: {  	_ =	shalt  }
0x80: {  	_ =	shalt  }
0x81: {  	_ =	shalt  }
0x82: {  	_ =	shalt  }
0x83: {  	_ =	shalt  }
0x84: {  	_ =	shalt  }
0x85: {  	_ =	shalt  }
0x86: {  	_ =	shalt  }
0x87: {  	_ =	shalt  }
.Lfunc_end0:
.L_simem_size_0:
called_computation_lowered:
.L_overlay_start_0:
0x88: {  	s2 =	sld [smem:$0x3FD9]  }
0x89: {  	s3 =	sld [smem:$0x3FFE];
	_ =	sdelay $0x1  }
0x8a: {  	s1 =	srdreg.scid  }
0x8b: {  	s0 =	sand.u32 $0x1, s1  }
0x8c: {  	s16 =	sshll.u32 s0, $0xA;
	s2 =	sadd.s32 s3, s2  }
0x8d: {  	s2 =	sadd.s32 s2, s16  }
0x8e: {  	[smem:$0x3FB6] =	sst s2  }
0x8f: {  	_ = 	snop  }
0x90: {  	(tm) =	ssettm $0x1  }
0x91: {  	s17 =	sld [smem:$0x3FFB];
	_ =	sdelay $0x3  }
0x92: {  	_ =	strace s17  }
0x93: {  	s2 =	sld [smem:$0x3FFC];
	_ =	sdelay $0x3  }
0x94: {  	_ =	strace s2  }
0x95: {  	s2 =	sld [smem:$0x3FFD];
	_ =	sdelay $0x3  }
0x96: {  	_ =	strace s2  }
0x97: {  	_ =	strace $0x8FFFFFFF  }
0x98: {  	s18 =	sld [smem:$0x3FDB];
	_ =	sdelay $0x1  }
0x99: {  	s19 =	simm.s32 $_scs_section_size  }
0x9a: {  	s4 =	simm.s32 $_size__tile_overlayer_lowered;
	s5 =	simm.s32 $_tile_overlayer_lowered  }
0x9b: {  	s22 =	simm.s32 $0x1BFF;
	s21 =	sshll.u32 s5, $0x1;
	s2 =	sadd.s32 s19, s18  }
0x9c: {  	s6 =	simm.s32 $0x0;
	s20 =	sshll.u32 s4, $0x1;
	s4 =	sadd.s32 s21, s2  }
0x9d: {  	[timem:s6], [sflag:s22] =	dma.local [hbm:s4], s20  }
0x9e: {  	_ =	swait.ge [sflag:s22], s20  }
0x9f: {  	s3 =	ssub.s32 $0x0, s20;
	[sflag:s22] =	ssyncset.done $0x0  }
0xa0: {  	[sflag:s22] =	ssyncadd.s32 s3;
	_ =	sdelay $0x1  }
0xa1: {  	s23 =	simm.s32 $0x1B8B  }
0xa2: {  	_ =	swait.ge [sflag:s23], $0x1  }
0xa3: {  	[sflag:s23] =	ssyncset.done $0x0  }
0xa4: {  	s25 =	simm.s32 $0x1B8E;
	s24 =	sld [smem:$0x3FFE];
	[sflag:s23] =	ssyncadd.s32 $0xFFFFFFFF  }
0xa5: {  	s26 =	simm.s32 $execute0_lowered;
	[smem:$0x3FD2] =	sst s25  }
0xa6: {  	s4 =	sshll.u32 s26, $0x1;
	_ =	strace $0x80000046;
	[dreg:$0x1] =	wrdreg $0xFFFFFFFF  }
0xa7: {  	s28 =	simm.s32 $_size_execute0_lowered;
	s2 =	sadd.s32 s2, s4;
	[dreg:$0x0] =	wrdreg $0x0  }
0xa8: {  	s4 =	sshll.u32 s28, $0x1;
	[dreg:$0x2] =	wrdreg s2  }
0xa9: {  	[dreg:$0x3] =	wrdreg s4  }
0xaa: {  	[dreg:$0x4] =	wrdreg $0xC0  }
0xab: {  	_ =	task [dreg:s6], $0x5FFFF  }
0xac: {  	[dreg:$0x1] =	wrdreg $0xFFFFFFFF  }
0xad: {  	[dreg:$0x0] =	wrdreg $0x60  }
0xae: {  	[dreg:$0x2] =	wrdreg s24  }
0xaf: {  	[dreg:$0x3] =	wrdreg $0x0  }
0xb0: {  	[dreg:$0x4] =	wrdreg $0x9  }
0xb1: {  	_ =	task.clear_ibuf [dreg:s6], $0x5FFFF;
	_ =	strace $0x90000046  }
0xb2: {  	s29 =	simm.s32 $0x9;
	_ =	strace $0x80000048  }
0xb3: {  	_ =	swait.ge [sflag:s29], $0x1  }
0xb4: {  	[sflag:s29] =	ssyncadd.s32 $0xFFFFFFFF  }
0xb5: {  	_ =	strace $0x90000048  }
0xb6: {  	_ =	sfence  }
0xb7: {  	s30 =	sld [smem:$0x0];
	_ =	sdelay $0x2  }
0xb8: {  	s31 =	sshll.u32 s1, $0xD;
	s1 =	sshrl.u32 s1, $0x2  }
0xb9: {  	s3 =	sand.u32 $0x4000, s31;
	s1 =	sadd.s32 s1, s30  }
0xba: {  	s0 =	sor.u32 s3, s0;
	s1 =	sshll.u32 s1, $0x11  }
0xbb: {  	s0 =	sor.u32 s1, s0  }
0xbc: {  	s0 =	sadd.s32 $0x8F2B, s0  }
0xbd: {  	[sflag:s0] =	ssyncadd.remote.s32 $0x1  }
0xbe: {  	_ =	sfence.sel $0xFFFF  }
0xbf: {  	[dreg:$0x0] =	wrdreg $0xFFFFFFFF;
	(pc) =	sbr.abs _section_cstart, $3  }
0xc0: {  	[dreg:$0x1] =	wrdreg $0xFFFFFFFF  }
0xc1: {  	_ =	task.clear_ibuf [dreg:s6], $0x2FFFF;
	_ =	strace $0x9FFFFFFF  }
0xc2: {  	(tm) =	ssettm $0x7FFFFFFF  }
0xc3: {  	_ =	shalt  }
tec
execute0_lowered:
.L_overlay_start_1:
0x0: {  	(tag) =	ssettag $0x1  }
0x1: {  	s0 =	srdreg.scid;
	s6 =	rddreg [dreg:$0x0]  }
0x2: {  	s2 =	rddreg [dreg:$0x1];
	s4 =	sand.u32 $0x1, s0  }
0x3: {  	s0 =	stileid.u32;
	s5 =	smul.u32 $0x50000, s4  }
0x4: {  	s1 =	rddreg [dreg:$0x2];
	s3 =	simm.s32 $0x0;
	s7 =	smul.u32 $0x5000, s0  }
0x5: {  	s13 =	simm.s32 $0x200;
	s14 =	simm.s32 $0x1;
	s8 =	smul.u32 $0x2800, s0  }
0x6: {  	s15 =	simm.s32 $0x0;
	[smem:$0x7FF] =	sst s3;
	s28 =	smul.u32 $0x28000, s4  }
0x7: {  	_ =	strace $0x80000047;
	s30 =	ssub.s32 $0x2, s4;
	s4 =	sadd.s32 $0x55800, s6  }
0x8: {  	s31 =	sshll.u32 s0, $0x6;
	s11 =	sshrl.u32 s30, $0x1;
	s5 =	sadd.s32 s7, s5  }
0x9: {  	s29 =	sadd.s32 s8, s28;
	s11 =	ssub.s32 s30, s11;
	s12 =	sadd.s32 s8, s2  }
0xa: {  	s5 =	sshrl.u32 s5, $0x3;
	s10 =	sshrl.u32 s29, $0x3;
	s8 =	smax.u32 s11, $0x1  }
0xb: {  	s11 =	sor.u32 $0x1C02, s31;
	s12 =	sshrl.u32 s12, $0x3;
	s9 =	sadd.s32 s5, s6  }
0xc: {  	s5 =	sadd.s32 $0x55200, s6;
	s10 =	sadd.s32 s10, s6;
	s6 =	sadd.s32 $0x41200, s9  }
0xd: {  	s7 =	sadd.s32 $0x55C00, s10;
	s9 =	simm.s32 $0x2;
	s10 =	simm.s32 $0x7800  }
.LBB2_1:
0xe: {  	s16 =	simm.s32 $0x2800  }
0xf: {  	[tilespmem:s16], [sflag:$0x2] =	stream.linear.gather [hbm4b:s6+s3], $0x5000, $0x38;
	[tilespmem:$0x9800] =	vst v63  }
0x10: {  	_ =	swait.ge [sflag:s9], $0x5000  }
0x11: {  	[sflag:s9] =	ssyncset.done $0x0  }
0x12: {  	[sflag:s9] =	ssyncadd.s32 $0xFFFFB000  }
0x13: {  	[tilespmem:s10], [sflag:$0x2] =	stream.linear.gather [hbm4b:s4+s3], $0x2000, $0x38;
	[tilespmem:$0x9800] =	vst v63  }
0x14: {  	_ =	swait.ge [sflag:s9], $0x2000  }
0x15: {  	[sflag:s9] =	ssyncset.done $0x0  }
0x16: {  	[sflag:s9] =	ssyncadd.s32 $0xFFFFE000  }
0x17: {  	[spmem:s12], [sflag:s11] =	dma.local [hbm:s5], $0x500  }
0x18: {  	_ =	swait.ge [sflag:s9], $0x500  }
0x19: {  	[sflag:s9] =	ssyncset.done $0x0  }
0x1a: {  	p0 =	por $0x1, $0x1;
	[sflag:s9] =	ssyncadd.s32 $0xFFFFFB00  }
0x1b: {  	s18 =	simm.s32 @!p0 $0x1;
	[bflag:$0x0] =	sbarrier.arrive $0xFFFF  }
0x1c: {  	[spmem:s2] =	stream.indirect.scatter.add.f32 [tilespmem:s10], [sflag:$0x1], $0x10, s16, s13, $0xb8;
	[tilespmem:$0x9800] =	vst v63  }
0x1d: {  	_ =	swait.ge @!p0 [sflag:s18], $0x2000  }
0x1e: {  	s17 =	simm.s32 $0x1;
	[sflag:s18] =	ssyncset.done @!p0 $0x0  }
.LBB2_2:
0x1f: {  	[sflag:s18] =	ssyncadd.s32 @!p0 $0xFFFFE000  }
0x20: {  	s16 =	sadd.s32 $0x200, s16;
	s18 =	smov.u32 s17;
	s17 =	sadd.s32 $0x1, s17  }
0x21: {  	p1 =	sne.s32 s17, $0x28  }
0x22: {  	[spmem:s2] =	stream.indirect.scatter.add.f32 [tilespmem:s10], [sflag:$0x1], $0x10, s16, s13, $0xb8;
	[tilespmem:$0x9800] =	vst v63  }
.Ltmp0:
0x23: {  	_ = 	snop;
	(pc) =	sbr.rel @p1 .LBB2_2-.Ltmp0, $4  }
0x24: {  	p0 =	slt.u32 s18, $0x8  }
0x25: {  	s18 =	simm.s32 @!p0 $0x1  }
0x26: {  	_ =	swait.ge @!p0 [sflag:s18], $0x2000  }
0x27: {  	[sflag:s18] =	ssyncset.done @!p0 $0x0  }
0x28: {  	[sflag:s18] =	ssyncadd.s32 @!p0 $0xFFFFE000  }
0x29: {  	_ =	swait.ge [sflag:s14], $0x2000  }
0x2a: {  	[sflag:s14] =	ssyncset.done $0x0  }
0x2b: {  	[sflag:s14] =	ssyncadd.s32 $0xFFFFE000  }
0x2c: {  	_ =	swait.ge [sflag:s14], $0x2000  }
0x2d: {  	[sflag:s14] =	ssyncset.done $0x0  }
0x2e: {  	[sflag:s14] =	ssyncadd.s32 $0xFFFFE000  }
0x2f: {  	_ =	swait.ge [sflag:s14], $0x2000  }
0x30: {  	[sflag:s14] =	ssyncset.done $0x0  }
0x31: {  	[sflag:s14] =	ssyncadd.s32 $0xFFFFE000  }
0x32: {  	_ =	swait.ge [sflag:s14], $0x2000  }
0x33: {  	[sflag:s14] =	ssyncset.done $0x0  }
0x34: {  	[sflag:s14] =	ssyncadd.s32 $0xFFFFE000  }
0x35: {  	_ =	swait.ge [sflag:s14], $0x2000  }
0x36: {  	[sflag:s14] =	ssyncset.done $0x0  }
0x37: {  	[sflag:s14] =	ssyncadd.s32 $0xFFFFE000  }
0x38: {  	_ =	swait.ge [sflag:s14], $0x2000  }
0x39: {  	[sflag:s14] =	ssyncset.done $0x0  }
0x3a: {  	[sflag:s14] =	ssyncadd.s32 $0xFFFFE000  }
0x3b: {  	_ =	swait.ge [sflag:s14], $0x2000  }
0x3c: {  	[sflag:s14] =	ssyncset.done $0x0  }
0x3d: {  	[sflag:s14] =	ssyncadd.s32 $0xFFFFE000  }
0x3e: {  	_ =	swait.ge [sflag:s14], $0x2000  }
0x3f: {  	s15 =	sadd.s32 $0x1, s15;
	[sflag:s14] =	ssyncset.done $0x0  }
0x40: {  	p0 =	sne.s32 s15, s8;
	[sflag:s14] =	ssyncadd.s32 $0xFFFFE000  }
.Ltmp1:
0x41: {  	[bflag:$0x0] =	sbarrier.arrive $0xFFFF;
	(pc) =	sbr.rel @p0 .LBB2_1-.Ltmp1, $4  }
0x42: {  	[hbm:s7], [sflag:s11] =	dma.local [spmem:s12], $0x500  }
0x43: {  	_ =	swait.ge [sflag:s9], $0x500  }
0x44: {  	[sflag:s9] =	ssyncset.done $0x0  }
0x45: {  	[sflag:s9] =	ssyncadd.s32 $0xFFFFFB00  }
0x46: {  	_ =	sfence.sel $0x180000  }
0x47: {  	[bflag:$0x0] =	sbarrier.arrive $0xFFFF  }
0x48: {  	p0 =	sne.s32 s0, $0x0;
	_ =	strace $0x90000047  }
0x49: {  	s0 =	sadd.s32 @!p0 $0x100000, s1;
	[bflag:$0x2] =	sbarrier.arrive $0xFFFF  }
0x4a: {  	[sflag:s0] =	ssyncadd.tile.s32 @!p0 $0x1;
	_ =	shalt  }
.Lfunc_end2:
_tile_overlayer_lowered:
.L_overlay_start_2:
0x4b: {  	(tag) =	ssettag $0x2  }
0x4c: {  	s0 =	rddreg [dreg:$0x0];
	s2 =	stileid.u32  }
0x4d: {  	s1 =	rddreg [dreg:$0x1];
	p0 =	sne.s32 s2, $0x0  }
0x4e: {  	s3 =	rddreg [dreg:$0x2];
	[bflag:$0x3] =	sbarrier.arrive $0xFFFF;
	s2 =	simm.s32 @!p0 $0x1C02  }
0x4f: {  	[timem:s3], [sflag:s2] =	dma.local @!p0 [hbm:s0], s1  }
0x50: {  	s0 =	simm.s32 @!p0 $0x2  }
0x51: {  	_ =	swait.ge @!p0 [sflag:s0], s1  }
0x52: {  	s1 =	ssub.s32 @!p0 $0x0, s1;
	[sflag:s0] =	ssyncset.done @!p0 $0x0  }
0x53: {  	[sflag:s0] =	ssyncadd.s32 @!p0 s1  }
0x54: {  	[bflag:$0x3] =	sbarrier.arrive $0xFFFF  }
0x55: {  	_ =	shalt  }

// kernel: kernel.14.cloned.1.call-start
scs
__scs_entry_jumppad:
0x0: {  	(pc) =	sbr.rel $0x88, $3  }
0x1: {  	(tag) =	ssettag $0x0;
	lr =	simm.s32 $0x1  }
0x2: {  	[smem:$0x3F8F] =	sst lr;
	_ =	strace $0xD0000000  }
0x3: {  	_ = 	snop  }
0x4: {  	_ = 	snop  }
0x5: {  	_ = 	snop  }
0x6: {  	_ = 	snop  }
0x7: {  	_ = 	snop  }
__scs_overlays_trampoline_lowered:
0x8: {  	[smem:$0x3F9E] =	sst s0  }
0x9: {  	[smem:$0x3F9F] =	sst s1  }
0xa: {  	[smem:$0x3FA0] =	sst s2  }
0xb: {  	[smem:$0x3FA1] =	sst s3  }
0xc: {  	[smem:$0x3FA2] =	sst s4  }
0xd: {  	[smem:$0x3FA3] =	sst s5  }
0xe: {  	[smem:$0x3FA4] =	sst s6  }
0xf: {  	[smem:$0x3FA5] =	sst s7  }
0x10: {  	[smem:$0x3FA6] =	sst s8  }
0x11: {  	[smem:$0x3FA7] =	sst s9;
	s0 =	simm.s32 @!p0 $0x0  }
0x12: {  	s1 =	sld [smem:$0x3F8D];
	s0 =	simm.s32 @p0 $0x1  }
0x13: {  	[smem:$0x3FA8] =	sst s0;
	s0 =	simm.s32 @!p1 $0x0  }
0x14: {  	s2 =	sld [smem:$0x3F8C];
	s0 =	simm.s32 @p1 $0x1  }
0x15: {  	[smem:$0x3FA9] =	sst s0;
	s0 =	simm.s32 @!p2 $0x0  }
0x16: {  	s3 =	sld [smem:$0x3FDB];
	s0 =	simm.s32 @p2 $0x1  }
0x17: {  	s4 =	simm.s32 $0x1BF5;
	[smem:$0x3FAB] =	sst s0  }
0x18: {  	s0 =	sld [smem:$0x3F8E];
	_ =	swait.ge [sflag:s4], $0x0  }
0x19: {  	s7 =	sld [smem:$0x3F8F]  }
0x1a: {  	s8 =	sadd.s32 $0xFFFFE003, lr  }
0x1b: {  	s9 =	sadd.s32 $0xFFFFFEF7, lr;
	s5 =	simm.s32 $0xFFFFFFFF;
	p2 =	slt.u32 s8, $0xFFFFF086  }
0x1c: {  	p1 =	slt.u32 s9, $0xF7A;
	s5 =	simm.s32 @!p2 $0x0  }
0x1d: {  	s5 =	simm.s32 @p1 $0x1;
	p0 =	seq.s32 s7, s2  }
0x1e: {  	s7 =	smul.u32 @!p0 $0xF7A, s2;
	p2 =	seq.s32 @!p0 s5, $0x0  }
0x1f: {  	s9 =	smul.u32 $0xF7A, s1;
	s8 =	simm.s32 @!p0 $0x1BF5;
	p2 =	por !p2, p0  }
0x20: {  	[sflag:s8] =	ssyncset.s32 @!p0 $0xFFFFF086;
	s6 =	sadd.s32 @!p0 s3, s7;
	s7 =	simm.s32 @!p0 $0x108  }
0x21: {  	s3 =	sadd.s32 s3, s9;
	s6 =	sadd.s32 @!p0 $0x88, s6;
	s7 =	simm.s32 @p2 $0x1082  }
0x22: {  	[simem:s7], [sflag:s8] =	dma.local @!p0 [hbm:s6], $0xF7A  }
0x23: {  	s9 =	sor.u32 $0xD0000000, s2;
	s6 =	simm.s32 $0x108;
	_ =	swait.ge @!p0 [sflag:s8], $0x0  }
0x24: {  	s3 =	sadd.s32 $0x88, s3;
	s6 =	simm.s32 @!p1 $0x1082;
	[sflag:s4] =	ssyncset.s32 $0xFFFFF086  }
0x25: {  	[simem:s6], [sflag:s4] =	dma.local [hbm:s3], $0xF7A  }
0x26: {  	[smem:$0x3F8F] =	sst s1;
	(tag) =	ssettag s2;
	_ =	strace s9  }
0x27: {  	s1 =	sld [smem:$0x3F9F]  }
0x28: {  	s2 =	sld [smem:$0x3FA0]  }
0x29: {  	s4 =	sld [smem:$0x3FA2]  }
0x2a: {  	p0 =	seq.s32 s5, $0x0;
	s5 =	sld [smem:$0x3FA3]  }
0x2b: {  	s6 =	sld [smem:$0x3FA4]  }
0x2c: {  	s7 =	sld [smem:$0x3FA5]  }
0x2d: {  	s3 =	simm.s32 $0x108;
	s8 =	sld [smem:$0x3FA6]  }
0x2e: {  	s3 =	simm.s32 @!p0 $0x1082;
	s9 =	sld [smem:$0x3FA7]  }
0x2f: {  	lr =	sadd.s32 s0, s3;
	s0 =	sld [smem:$0x3F9E]  }
0x30: {  	s3 =	sld [smem:$0x3FA1]  }
0x31: {  	[smem:$0x3FAA] =	sst s10  }
0x32: {  	s10 =	sld [smem:$0x3FA8];
	_ =	sdelay $0x3  }
0x33: {  	p0 =	seq.s32 s10, $0x1;
	s10 =	sld [smem:$0x3FAA];
	_ =	sdelay $0x3  }
0x34: {  	[smem:$0x3FAA] =	sst s10  }
0x35: {  	s10 =	sld [smem:$0x3FA9];
	_ =	sdelay $0x3  }
0x36: {  	p1 =	seq.s32 s10, $0x1;
	s10 =	sld [smem:$0x3FAA];
	_ =	sdelay $0x3  }
0x37: {  	[smem:$0x3FAA] =	sst s10  }
0x38: {  	s10 =	sld [smem:$0x3FAB]  }
0x39: {  	_ = 	snop;
	(pc) =	sbr.ind lr, $3  }
0x3a: {  	_ = 	snop  }
0x3b: {  	_ = 	snop  }
0x3c: {  	p2 =	seq.s32 s10, $0x1;
	s10 =	sld [smem:$0x3FAA]  }
0x3d: {  	_ =	shalt  }
0x3e: {  	_ =	shalt  }
0x3f: {  	_ =	shalt  }
0x40: {  	_ =	shalt  }
0x41: {  	_ =	shalt  }
0x42: {  	_ =	shalt  }
0x43: {  	_ =	shalt  }
0x44: {  	_ =	shalt  }
0x45: {  	_ =	shalt  }
0x46: {  	_ =	shalt  }
0x47: {  	_ =	shalt  }
0x48: {  	_ =	shalt  }
0x49: {  	_ =	shalt  }
0x4a: {  	_ =	shalt  }
0x4b: {  	_ =	shalt  }
0x4c: {  	_ =	shalt  }
0x4d: {  	_ =	shalt  }
0x4e: {  	_ =	shalt  }
0x4f: {  	_ =	shalt  }
0x50: {  	_ =	shalt  }
0x51: {  	_ =	shalt  }
0x52: {  	_ =	shalt  }
0x53: {  	_ =	shalt  }
0x54: {  	_ =	shalt  }
0x55: {  	_ =	shalt  }
0x56: {  	_ =	shalt  }
0x57: {  	_ =	shalt  }
0x58: {  	_ =	shalt  }
0x59: {  	_ =	shalt  }
0x5a: {  	_ =	shalt  }
0x5b: {  	_ =	shalt  }
0x5c: {  	_ =	shalt  }
0x5d: {  	_ =	shalt  }
0x5e: {  	_ =	shalt  }
0x5f: {  	_ =	shalt  }
0x60: {  	_ =	shalt  }
0x61: {  	_ =	shalt  }
0x62: {  	_ =	shalt  }
0x63: {  	_ =	shalt  }
0x64: {  	_ =	shalt  }
0x65: {  	_ =	shalt  }
0x66: {  	_ =	shalt  }
0x67: {  	_ =	shalt  }
0x68: {  	_ =	shalt  }
0x69: {  	_ =	shalt  }
0x6a: {  	_ =	shalt  }
0x6b: {  	_ =	shalt  }
0x6c: {  	_ =	shalt  }
0x6d: {  	_ =	shalt  }
0x6e: {  	_ =	shalt  }
0x6f: {  	_ =	shalt  }
0x70: {  	_ =	shalt  }
0x71: {  	_ =	shalt  }
0x72: {  	_ =	shalt  }
0x73: {  	_ =	shalt  }
0x74: {  	_ =	shalt  }
0x75: {  	_ =	shalt  }
0x76: {  	_ =	shalt  }
0x77: {  	_ =	shalt  }
0x78: {  	_ =	shalt  }
0x79: {  	_ =	shalt  }
0x7a: {  	_ =	shalt  }
0x7b: {  	_ =	shalt  }
0x7c: {  	_ =	shalt  }
0x7d: {  	_ =	shalt  }
0x7e: {  	_ =	shalt  }
0x7f: {  	_ =	shalt  }
0x80: {  	_ =	shalt  }
0x81: {  	_ =	shalt  }
0x82: {  	_ =	shalt  }
0x83: {  	_ =	shalt  }
0x84: {  	_ =	shalt  }
0x85: {  	_ =	shalt  }
0x86: {  	_ =	shalt  }
0x87: {  	_ =	shalt  }
.Lfunc_end0:
.L_simem_size_0:
called_computation.1_lowered:
.L_overlay_start_0:
0x88: {  	s2 =	sld [smem:$0x3FD9]  }
0x89: {  	s3 =	sld [smem:$0x3FFE];
	_ =	sdelay $0x1  }
0x8a: {  	s1 =	srdreg.scid  }
0x8b: {  	s0 =	sand.u32 $0x1, s1  }
0x8c: {  	s16 =	sshll.u32 s0, $0xA;
	s2 =	sadd.s32 s3, s2  }
0x8d: {  	s2 =	sadd.s32 s2, s16  }
0x8e: {  	[smem:$0x3FB6] =	sst s2  }
0x8f: {  	_ = 	snop  }
0x90: {  	(tm) =	ssettm $0x1  }
0x91: {  	s17 =	sld [smem:$0x3FFB];
	_ =	sdelay $0x3  }
0x92: {  	_ =	strace s17  }
0x93: {  	s2 =	sld [smem:$0x3FFC];
	_ =	sdelay $0x3  }
0x94: {  	_ =	strace s2  }
0x95: {  	s2 =	sld [smem:$0x3FFD];
	_ =	sdelay $0x3  }
0x96: {  	_ =	strace s2  }
0x97: {  	_ =	strace $0x8FFFFFFF  }
0x98: {  	s18 =	sld [smem:$0x3FDB];
	_ =	sdelay $0x1  }
0x99: {  	s19 =	simm.s32 $_scs_section_size  }
0x9a: {  	s4 =	simm.s32 $_size__tile_overlayer_lowered;
	s5 =	simm.s32 $_tile_overlayer_lowered  }
0x9b: {  	s22 =	simm.s32 $0x1BFF;
	s21 =	sshll.u32 s5, $0x1;
	s2 =	sadd.s32 s19, s18  }
0x9c: {  	s6 =	simm.s32 $0x0;
	s20 =	sshll.u32 s4, $0x1;
	s4 =	sadd.s32 s21, s2  }
0x9d: {  	[timem:s6], [sflag:s22] =	dma.local [hbm:s4], s20  }
0x9e: {  	_ =	swait.ge [sflag:s22], s20  }
0x9f: {  	s3 =	ssub.s32 $0x0, s20;
	[sflag:s22] =	ssyncset.done $0x0  }
0xa0: {  	[sflag:s22] =	ssyncadd.s32 s3;
	_ =	sdelay $0x1  }
0xa1: {  	s23 =	simm.s32 $0x1B8B  }
0xa2: {  	_ =	swait.ge [sflag:s23], $0x1  }
0xa3: {  	[sflag:s23] =	ssyncset.done $0x0  }
0xa4: {  	s25 =	simm.s32 $0x1B8E;
	s24 =	sld [smem:$0x3FFE];
	[sflag:s23] =	ssyncadd.s32 $0xFFFFFFFF  }
0xa5: {  	s26 =	simm.s32 $execute0_lowered;
	[smem:$0x3FD2] =	sst s25  }
0xa6: {  	s4 =	sshll.u32 s26, $0x1;
	_ =	strace $0x80000049;
	[dreg:$0x1] =	wrdreg $0xFFFFFFFF  }
0xa7: {  	s28 =	simm.s32 $_size_execute0_lowered;
	s2 =	sadd.s32 s2, s4;
	[dreg:$0x0] =	wrdreg $0x0  }
0xa8: {  	s4 =	sshll.u32 s28, $0x1;
	[dreg:$0x2] =	wrdreg s2  }
0xa9: {  	[dreg:$0x3] =	wrdreg s4  }
0xaa: {  	[dreg:$0x4] =	wrdreg $0xC0  }
0xab: {  	_ =	task [dreg:s6], $0x5FFFF  }
0xac: {  	[dreg:$0x1] =	wrdreg $0xFFFFFFFF  }
0xad: {  	[dreg:$0x0] =	wrdreg $0x60  }
0xae: {  	[dreg:$0x2] =	wrdreg s24  }
0xaf: {  	[dreg:$0x3] =	wrdreg $0x0  }
0xb0: {  	[dreg:$0x4] =	wrdreg $0x9  }
0xb1: {  	_ =	task.clear_ibuf [dreg:s6], $0x5FFFF;
	_ =	strace $0x90000049  }
0xb2: {  	s29 =	simm.s32 $0x9;
	_ =	strace $0x8000004B  }
0xb3: {  	_ =	swait.ge [sflag:s29], $0x1  }
0xb4: {  	[sflag:s29] =	ssyncadd.s32 $0xFFFFFFFF  }
0xb5: {  	_ =	strace $0x9000004B  }
0xb6: {  	_ =	sfence  }
0xb7: {  	s30 =	sld [smem:$0x0];
	_ =	sdelay $0x2  }
0xb8: {  	s31 =	sshll.u32 s1, $0xD;
	s1 =	sshrl.u32 s1, $0x2  }
0xb9: {  	s3 =	sand.u32 $0x4000, s31;
	s1 =	sadd.s32 s1, s30  }
0xba: {  	s0 =	sor.u32 s3, s0;
	s1 =	sshll.u32 s1, $0x11  }
0xbb: {  	s0 =	sor.u32 s1, s0  }
0xbc: {  	s0 =	sadd.s32 $0x8F2B, s0  }
0xbd: {  	[sflag:s0] =	ssyncadd.remote.s32 $0x1  }
0xbe: {  	_ =	sfence.sel $0xFFFF  }
0xbf: {  	[dreg:$0x0] =	wrdreg $0xFFFFFFFF;
	(pc) =	sbr.abs _section_cstart, $3  }
0xc0: {  	[dreg:$0x1] =	wrdreg $0xFFFFFFFF  }
0xc1: {  	_ =	task.clear_ibuf [dreg:s6], $0x2FFFF;
	_ =	strace $0x9FFFFFFF  }
0xc2: {  	(tm) =	ssettm $0x7FFFFFFF  }
0xc3: {  	_ =	shalt  }
tec
execute0_lowered:
.L_overlay_start_1:
0x0: {  	(tag) =	ssettag $0x1  }
0x1: {  	s0 =	srdreg.scid;
	s6 =	rddreg [dreg:$0x0]  }
0x2: {  	s30 =	stileid.u32;
	s2 =	rddreg [dreg:$0x1]  }
0x3: {  	s3 =	simm.s32 $0x0;
	s11 =	simm.s32 $0x3;
	s14 =	simm.s32 $0x80  }
0x4: {  	s15 =	simm.s32 $0x13D00;
	s16 =	simm.s32 $0xA080;
	s17 =	simm.s32 $0x15D00  }
0x5: {  	s18 =	simm.s32 $0x17D00;
	s19 =	simm.s32 $0xA180;
	s20 =	simm.s32 $0x19D00  }
0x6: {  	s21 =	simm.s32 $0x1;
	s22 =	simm.s32 $0x2;
	s7 =	smul.u32 $0x4E80, s30  }
0x7: {  	s23 =	simm.s32 $0x0;
	s5 =	sand.u32 $0x1, s0;
	s8 =	smul.u32 $0xA000, s30  }
0x8: {  	[smem:$0x7FF] =	sst s3;
	s12 =	sshll.u32 s30, $0x6;
	s4 =	smul.u32 $0x4E800, s5  }
0x9: {  	s9 =	smul.u32 $0xA0000, s5;
	_ =	strace $0x8000004A;
	s10 =	ssub.s32 $0x2, s5  }
0xa: {  	s5 =	sadd.s32 $0x55800, s6;
	s12 =	sor.u32 $0x1C03, s12;
	s31 =	sshrl.u32 s10, $0x1  }
0xb: {  	s13 =	sadd.s32 s8, s2;
	s7 =	sadd.s32 s7, s4;
	s4 =	sadd.s32 $0x127000, s6  }
0xc: {  	s9 =	sadd.s32 s8, s9;
	s10 =	ssub.s32 s10, s31;
	s7 =	sshrl.u32 s7, $0x3  }
0xd: {  	s13 =	sshrl.u32 s13, $0x3;
	s9 =	sshrl.u32 s9, $0x3;
	s7 =	sadd.s32 s7, s6  }
0xe: {  	s9 =	sadd.s32 s9, s6;
	s6 =	sadd.s32 $0x5FC00, s7;
	s7 =	sadd.s32 $0x73600, s7  }
0xf: {  	s8 =	sadd.s32 $0x14F000, s9;
	s9 =	smax.u32 s10, $0x1;
	s10 =	simm.s32 $0xA000  }
.LBB2_1:
0x10: {  	[tilespmem:s10], [sflag:$0x3] =	stream.linear.gather [hbm4b:s6+s3], $0x4E80, $0x38;
	[tilespmem:$0x1BD00] =	vst v63  }
0x11: {  	_ =	swait.ge [sflag:s11], $0x4E80  }
0x12: {  	[sflag:s11] =	ssyncset.done $0x0  }
0x13: {  	s24 =	simm.s32 $0xEE80;
	[sflag:s11] =	ssyncadd.s32 $0xFFFFB180  }
0x14: {  	[tilespmem:s24], [sflag:$0x3] =	stream.linear.gather [hbm4b:s7+s3], $0x4E80, $0x38;
	[tilespmem:$0x1BD00] =	vst v63  }
0x15: {  	_ =	swait.ge [sflag:s11], $0x4E80  }
0x16: {  	[sflag:s11] =	ssyncset.done $0x0  }
0x17: {  	[sflag:s11] =	ssyncadd.s32 $0xFFFFB180  }
0x18: {  	[spmem:s13], [sflag:s12] =	dma.local [hbm:s5], $0x1400  }
0x19: {  	_ =	swait.ge [sflag:s11], $0x1400  }
0x1a: {  	[sflag:s11] =	ssyncset.done $0x0  }
0x1b: {  	[sflag:s11] =	ssyncadd.s32 $0xFFFFEC00  }
0x1c: {  	[tilespmem:s15], [sflag:$0x1] =	stream.indirect.gather [hbm4b:s4+s14], $0x40, s10, s14, $0xb8;
	[tilespmem:$0x1BD00] =	vst v63  }
0x1d: {  	_ = 	snop  }
0x1e: {  	[tilespmem:s17], [sflag:$0x1] =	stream.indirect.gather [hbm4b:s4+s14], $0x40, s16, s14, $0xb8;
	[tilespmem:$0x1BD00] =	vst v63  }
0x1f: {  	s28 =	simm.s32 $0xA100  }
0x20: {  	[tilespmem:s18], [sflag:$0x1] =	stream.indirect.gather [hbm4b:s4+s14], $0x40, s28, s14, $0xb8;
	[tilespmem:$0x1BD00] =	vst v63  }
0x21: {  	p0 =	por $0x1, $0x1  }
0x22: {  	[tilespmem:s20], [sflag:$0x1] =	stream.indirect.gather [hbm4b:s4+s14], $0x40, s19, s14, $0xb8;
	[tilespmem:$0x1BD00] =	vst v63  }
0x23: {  	s29 =	simm.s32 @!p0 $0x2;
	s25 =	sand.u32 @!p0 $0x6000, s3;
	[bflag:$0x0] =	sbarrier.arrive $0xFFFF  }
0x24: {  	s26 =	sxor.u32 @!p0 $0x4000, s25;
	_ =	swait.ge @!p0 [sflag:s29], $0x2000  }
0x25: {  	s25 =	simm.s32 $0xFFFFFFFF;
	s30 =	sadd.s32 @!p0 $0x13D00, s26;
	[sflag:s29] =	ssyncset.done @!p0 $0x0  }
0x26: {  	s26 =	simm.s32 $0x8000;
	[sflag:s29] =	ssyncadd.s32 @!p0 $0xFFFFE000;
	s29 =	simm.s32 @!p0 $0x80  }
0x27: {  	[tilespmem:s30], [sflag:$0x1] =	stream.indirect.gather @!p0 [hbm4b:s4+s29], $0x40, s28, s29, $0xb8;
	[tilespmem:$0x1BD00] =	vst v63  }
0x28: {  	s29 =	sand.u32 $0x18000, s3;
	s28 =	simm.s32 $0xA180;
	_ =	swait.ge [sflag:s21], $0x2000  }
0x29: {  	s30 =	sshrl.u32 s29, $0x2;
	s29 =	simm.s32 $0x2000;
	[sflag:s21] =	ssyncset.done $0x0  }
0x2a: {  	s31 =	sadd.s32 $0x13D00, s30;
	s30 =	simm.s32 $0xEF00;
	[sflag:s21] =	ssyncadd.s32 $0xFFFFE000  }
.LBB2_2:
0x2b: {  	[spmem:s2] =	stream.indirect.scatter.add.f32 [tilespmem:s31], [sflag:$0x2], $0x40, s24, s14, $0xb8;
	[tilespmem:$0x1BD00] =	vst v63  }
0x2c: {  	p1 =	sgt.u32 s25, $0x98;
	s25 =	sadd.s32 $0x1, s25;
	s31 =	smov.u32 s26  }
0x2d: {  	s1 =	simm.s32 @!p1 $0x2;
	s24 =	sand.u32 @!p1 $0x6000, s29;
	p0 =	sne.s32 s25, $0x9B  }
0x2e: {  	s0 =	sxor.u32 @!p1 $0x4000, s24;
	s24 =	smov.u32 s30;
	_ =	swait.ge @!p1 [sflag:s1], $0x2000  }
0x2f: {  	s26 =	sadd.s32 $0x8000, s26;
	s0 =	sadd.s32 @!p1 $0x13D00, s0;
	[sflag:s1] =	ssyncset.done @!p1 $0x0  }
.Ltmp0:
0x30: {  	[sflag:s1] =	ssyncadd.s32 @!p1 $0xFFFFE000;
	s1 =	simm.s32 @!p1 $0x80;
	(pc) =	sbr.rel @p0 .LBB2_2-.Ltmp0, $4  }
0x31: {  	[tilespmem:s0], [sflag:$0x1] =	stream.indirect.gather @!p1 [hbm4b:s4+s1], $0x40, s28, s1, $0xb8;
	[tilespmem:$0x1BD00] =	vst v63  }
0x32: {  	s0 =	sand.u32 $0x18000, s31;
	s28 =	sadd.s32 $0x80, s28;
	_ =	swait.ge [sflag:s21], $0x2000  }
0x33: {  	s29 =	sadd.s32 $0x2000, s29;
	s0 =	sshrl.u32 s0, $0x2;
	[sflag:s21] =	ssyncset.done $0x0  }
0x34: {  	s30 =	sadd.s32 $0x80, s30;
	s31 =	sadd.s32 $0x13D00, s0;
	[sflag:s21] =	ssyncadd.s32 $0xFFFFE000  }
0x35: {  	[spmem:s2] =	stream.indirect.scatter.add.f32 [tilespmem:s31], [sflag:$0x2], $0x40, s24, s14, $0xb8;
	[tilespmem:$0x1BD00] =	vst v63  }
0x36: {  	_ =	swait.ge [sflag:s22], $0x2000  }
0x37: {  	[sflag:s22] =	ssyncset.done $0x0  }
0x38: {  	[sflag:s22] =	ssyncadd.s32 $0xFFFFE000  }
0x39: {  	_ =	swait.ge [sflag:s22], $0x2000  }
0x3a: {  	[sflag:s22] =	ssyncset.done $0x0  }
0x3b: {  	[sflag:s22] =	ssyncadd.s32 $0xFFFFE000  }
0x3c: {  	_ =	swait.ge [sflag:s22], $0x2000  }
0x3d: {  	[sflag:s22] =	ssyncset.done $0x0  }
0x3e: {  	[sflag:s22] =	ssyncadd.s32 $0xFFFFE000  }
0x3f: {  	_ =	swait.ge [sflag:s22], $0x2000  }
0x40: {  	s23 =	sadd.s32 $0x1, s23;
	[sflag:s22] =	ssyncset.done $0x0  }
0x41: {  	p0 =	sne.s32 s23, s9;
	[sflag:s22] =	ssyncadd.s32 $0xFFFFE000  }
.Ltmp1:
0x42: {  	[bflag:$0x0] =	sbarrier.arrive $0xFFFF;
	(pc) =	sbr.rel @p0 .LBB2_1-.Ltmp1, $4  }
0x43: {  	[hbm:s8], [sflag:s12] =	dma.local [spmem:s13], $0x1400  }
0x44: {  	_ =	swait.ge [sflag:s11], $0x1400  }
0x45: {  	[sflag:s11] =	ssyncset.done $0x0  }
0x46: {  	[sflag:s11] =	ssyncadd.s32 $0xFFFFEC00  }
0x47: {  	_ =	sfence.sel $0x180000  }
0x48: {  	[bflag:$0x0] =	sbarrier.arrive $0xFFFF  }
0x49: {  	_ =	strace $0x9000004A  }
0x4a: {  	s0 =	stileid.u32;
	[bflag:$0x2] =	sbarrier.arrive $0xFFFF  }
0x4b: {  	p0 =	sne.s32 s0, $0x0;
	s0 =	rddreg [dreg:$0x2]  }
0x4c: {  	s0 =	sadd.s32 @!p0 $0x100000, s0  }
0x4d: {  	[sflag:s0] =	ssyncadd.tile.s32 @!p0 $0x1;
	_ =	shalt  }
.Lfunc_end2:
_tile_overlayer_lowered:
.L_overlay_start_2:
0x4e: {  	(tag) =	ssettag $0x2  }
0x4f: {  	s0 =	rddreg [dreg:$0x0];
	s2 =	stileid.u32  }
0x50: {  	s1 =	rddreg [dreg:$0x1];
	p0 =	sne.s32 s2, $0x0  }
0x51: {  	s3 =	rddreg [dreg:$0x2];
	[bflag:$0x3] =	sbarrier.arrive $0xFFFF;
	s2 =	simm.s32 @!p0 $0x1C03  }
0x52: {  	[timem:s3], [sflag:s2] =	dma.local @!p0 [hbm:s0], s1  }
0x53: {  	s0 =	simm.s32 @!p0 $0x3  }
0x54: {  	_ =	swait.ge @!p0 [sflag:s0], s1  }
0x55: {  	s1 =	ssub.s32 @!p0 $0x0, s1;
	[sflag:s0] =	ssyncset.done @!p0 $0x0  }
0x56: {  	[sflag:s0] =	ssyncadd.s32 @!p0 s1  }
0x57: {  	[bflag:$0x3] =	sbarrier.arrive $0xFFFF  }
0x58: {  	_ =	shalt  }

// kernel: kernel.17.cloned.1.call-start
scs
__scs_entry_jumppad:
0x0: {  	(pc) =	sbr.rel $0x88, $3  }
0x1: {  	(tag) =	ssettag $0x0;
	lr =	simm.s32 $0x1  }
0x2: {  	[smem:$0x3F8F] =	sst lr;
	_ =	strace $0xD0000000  }
0x3: {  	_ = 	snop  }
0x4: {  	_ = 	snop  }
0x5: {  	_ = 	snop  }
0x6: {  	_ = 	snop  }
0x7: {  	_ = 	snop  }
__scs_overlays_trampoline_lowered:
0x8: {  	[smem:$0x3F9E] =	sst s0  }
0x9: {  	[smem:$0x3F9F] =	sst s1  }
0xa: {  	[smem:$0x3FA0] =	sst s2  }
0xb: {  	[smem:$0x3FA1] =	sst s3  }
0xc: {  	[smem:$0x3FA2] =	sst s4  }
0xd: {  	[smem:$0x3FA3] =	sst s5  }
0xe: {  	[smem:$0x3FA4] =	sst s6  }
0xf: {  	[smem:$0x3FA5] =	sst s7  }
0x10: {  	[smem:$0x3FA6] =	sst s8  }
0x11: {  	[smem:$0x3FA7] =	sst s9;
	s0 =	simm.s32 @!p0 $0x0  }
0x12: {  	s1 =	sld [smem:$0x3F8D];
	s0 =	simm.s32 @p0 $0x1  }
0x13: {  	[smem:$0x3FA8] =	sst s0;
	s0 =	simm.s32 @!p1 $0x0  }
0x14: {  	s2 =	sld [smem:$0x3F8C];
	s0 =	simm.s32 @p1 $0x1  }
0x15: {  	[smem:$0x3FA9] =	sst s0;
	s0 =	simm.s32 @!p2 $0x0  }
0x16: {  	s3 =	sld [smem:$0x3FDB];
	s0 =	simm.s32 @p2 $0x1  }
0x17: {  	s4 =	simm.s32 $0x1BF5;
	[smem:$0x3FAB] =	sst s0  }
0x18: {  	s0 =	sld [smem:$0x3F8E];
	_ =	swait.ge [sflag:s4], $0x0  }
0x19: {  	s7 =	sld [smem:$0x3F8F]  }
0x1a: {  	s8 =	sadd.s32 $0xFFFFE003, lr  }
0x1b: {  	s9 =	sadd.s32 $0xFFFFFEF7, lr;
	s5 =	simm.s32 $0xFFFFFFFF;
	p2 =	slt.u32 s8, $0xFFFFF086  }
0x1c: {  	p1 =	slt.u32 s9, $0xF7A;
	s5 =	simm.s32 @!p2 $0x0  }
0x1d: {  	s5 =	simm.s32 @p1 $0x1;
	p0 =	seq.s32 s7, s2  }
0x1e: {  	s7 =	smul.u32 @!p0 $0xF7A, s2;
	p2 =	seq.s32 @!p0 s5, $0x0  }
0x1f: {  	s9 =	smul.u32 $0xF7A, s1;
	s8 =	simm.s32 @!p0 $0x1BF5;
	p2 =	por !p2, p0  }
0x20: {  	[sflag:s8] =	ssyncset.s32 @!p0 $0xFFFFF086;
	s6 =	sadd.s32 @!p0 s3, s7;
	s7 =	simm.s32 @!p0 $0x108  }
0x21: {  	s3 =	sadd.s32 s3, s9;
	s6 =	sadd.s32 @!p0 $0x88, s6;
	s7 =	simm.s32 @p2 $0x1082  }
0x22: {  	[simem:s7], [sflag:s8] =	dma.local @!p0 [hbm:s6], $0xF7A  }
0x23: {  	s9 =	sor.u32 $0xD0000000, s2;
	s6 =	simm.s32 $0x108;
	_ =	swait.ge @!p0 [sflag:s8], $0x0  }
0x24: {  	s3 =	sadd.s32 $0x88, s3;
	s6 =	simm.s32 @!p1 $0x1082;
	[sflag:s4] =	ssyncset.s32 $0xFFFFF086  }
0x25: {  	[simem:s6], [sflag:s4] =	dma.local [hbm:s3], $0xF7A  }
0x26: {  	[smem:$0x3F8F] =	sst s1;
	(tag) =	ssettag s2;
	_ =	strace s9  }
0x27: {  	s1 =	sld [smem:$0x3F9F]  }
0x28: {  	s2 =	sld [smem:$0x3FA0]  }
0x29: {  	s4 =	sld [smem:$0x3FA2]  }
0x2a: {  	p0 =	seq.s32 s5, $0x0;
	s5 =	sld [smem:$0x3FA3]  }
0x2b: {  	s6 =	sld [smem:$0x3FA4]  }
0x2c: {  	s7 =	sld [smem:$0x3FA5]  }
0x2d: {  	s3 =	simm.s32 $0x108;
	s8 =	sld [smem:$0x3FA6]  }
0x2e: {  	s3 =	simm.s32 @!p0 $0x1082;
	s9 =	sld [smem:$0x3FA7]  }
0x2f: {  	lr =	sadd.s32 s0, s3;
	s0 =	sld [smem:$0x3F9E]  }
0x30: {  	s3 =	sld [smem:$0x3FA1]  }
0x31: {  	[smem:$0x3FAA] =	sst s10  }
0x32: {  	s10 =	sld [smem:$0x3FA8];
	_ =	sdelay $0x3  }
0x33: {  	p0 =	seq.s32 s10, $0x1;
	s10 =	sld [smem:$0x3FAA];
	_ =	sdelay $0x3  }
0x34: {  	[smem:$0x3FAA] =	sst s10  }
0x35: {  	s10 =	sld [smem:$0x3FA9];
	_ =	sdelay $0x3  }
0x36: {  	p1 =	seq.s32 s10, $0x1;
	s10 =	sld [smem:$0x3FAA];
	_ =	sdelay $0x3  }
0x37: {  	[smem:$0x3FAA] =	sst s10  }
0x38: {  	s10 =	sld [smem:$0x3FAB]  }
0x39: {  	_ = 	snop;
	(pc) =	sbr.ind lr, $3  }
0x3a: {  	_ = 	snop  }
0x3b: {  	_ = 	snop  }
0x3c: {  	p2 =	seq.s32 s10, $0x1;
	s10 =	sld [smem:$0x3FAA]  }
0x3d: {  	_ =	shalt  }
0x3e: {  	_ =	shalt  }
0x3f: {  	_ =	shalt  }
0x40: {  	_ =	shalt  }
0x41: {  	_ =	shalt  }
0x42: {  	_ =	shalt  }
0x43: {  	_ =	shalt  }
0x44: {  	_ =	shalt  }
0x45: {  	_ =	shalt  }
0x46: {  	_ =	shalt  }
0x47: {  	_ =	shalt  }
0x48: {  	_ =	shalt  }
0x49: {  	_ =	shalt  }
0x4a: {  	_ =	shalt  }
0x4b: {  	_ =	shalt  }
0x4c: {  	_ =	shalt  }
0x4d: {  	_ =	shalt  }
0x4e: {  	_ =	shalt  }
0x4f: {  	_ =	shalt  }
0x50: {  	_ =	shalt  }
0x51: {  	_ =	shalt  }
0x52: {  	_ =	shalt  }
0x53: {  	_ =	shalt  }
0x54: {  	_ =	shalt  }
0x55: {  	_ =	shalt  }
0x56: {  	_ =	shalt  }
0x57: {  	_ =	shalt  }
0x58: {  	_ =	shalt  }
0x59: {  	_ =	shalt  }
0x5a: {  	_ =	shalt  }
0x5b: {  	_ =	shalt  }
0x5c: {  	_ =	shalt  }
0x5d: {  	_ =	shalt  }
0x5e: {  	_ =	shalt  }
0x5f: {  	_ =	shalt  }
0x60: {  	_ =	shalt  }
0x61: {  	_ =	shalt  }
0x62: {  	_ =	shalt  }
0x63: {  	_ =	shalt  }
0x64: {  	_ =	shalt  }
0x65: {  	_ =	shalt  }
0x66: {  	_ =	shalt  }
0x67: {  	_ =	shalt  }
0x68: {  	_ =	shalt  }
0x69: {  	_ =	shalt  }
0x6a: {  	_ =	shalt  }
0x6b: {  	_ =	shalt  }
0x6c: {  	_ =	shalt  }
0x6d: {  	_ =	shalt  }
0x6e: {  	_ =	shalt  }
0x6f: {  	_ =	shalt  }
0x70: {  	_ =	shalt  }
0x71: {  	_ =	shalt  }
0x72: {  	_ =	shalt  }
0x73: {  	_ =	shalt  }
0x74: {  	_ =	shalt  }
0x75: {  	_ =	shalt  }
0x76: {  	_ =	shalt  }
0x77: {  	_ =	shalt  }
0x78: {  	_ =	shalt  }
0x79: {  	_ =	shalt  }
0x7a: {  	_ =	shalt  }
0x7b: {  	_ =	shalt  }
0x7c: {  	_ =	shalt  }
0x7d: {  	_ =	shalt  }
0x7e: {  	_ =	shalt  }
0x7f: {  	_ =	shalt  }
0x80: {  	_ =	shalt  }
0x81: {  	_ =	shalt  }
0x82: {  	_ =	shalt  }
0x83: {  	_ =	shalt  }
0x84: {  	_ =	shalt  }
0x85: {  	_ =	shalt  }
0x86: {  	_ =	shalt  }
0x87: {  	_ =	shalt  }
.Lfunc_end0:
.L_simem_size_0:
called_computation.2_lowered:
.L_overlay_start_0:
0x88: {  	s2 =	sld [smem:$0x3FD9]  }
0x89: {  	s3 =	sld [smem:$0x3FFE];
	_ =	sdelay $0x1  }
0x8a: {  	s1 =	srdreg.scid  }
0x8b: {  	s0 =	sand.u32 $0x1, s1  }
0x8c: {  	s16 =	sshll.u32 s0, $0xA;
	s2 =	sadd.s32 s3, s2  }
0x8d: {  	s2 =	sadd.s32 s2, s16  }
0x8e: {  	[smem:$0x3FB6] =	sst s2  }
0x8f: {  	_ = 	snop  }
0x90: {  	(tm) =	ssettm $0x1  }
0x91: {  	s17 =	sld [smem:$0x3FFB];
	_ =	sdelay $0x3  }
0x92: {  	_ =	strace s17  }
0x93: {  	s2 =	sld [smem:$0x3FFC];
	_ =	sdelay $0x3  }
0x94: {  	_ =	strace s2  }
0x95: {  	s2 =	sld [smem:$0x3FFD];
	_ =	sdelay $0x3  }
0x96: {  	_ =	strace s2  }
0x97: {  	_ =	strace $0x8FFFFFFF  }
0x98: {  	s18 =	sld [smem:$0x3FDB];
	_ =	sdelay $0x1  }
0x99: {  	s19 =	simm.s32 $_scs_section_size  }
0x9a: {  	s4 =	simm.s32 $_size__tile_overlayer_lowered;
	s5 =	simm.s32 $_tile_overlayer_lowered  }
0x9b: {  	s22 =	simm.s32 $0x1BFF;
	s21 =	sshll.u32 s5, $0x1;
	s2 =	sadd.s32 s19, s18  }
0x9c: {  	s6 =	simm.s32 $0x0;
	s20 =	sshll.u32 s4, $0x1;
	s4 =	sadd.s32 s21, s2  }
0x9d: {  	[timem:s6], [sflag:s22] =	dma.local [hbm:s4], s20  }
0x9e: {  	_ =	swait.ge [sflag:s22], s20  }
0x9f: {  	s3 =	ssub.s32 $0x0, s20;
	[sflag:s22] =	ssyncset.done $0x0  }
0xa0: {  	[sflag:s22] =	ssyncadd.s32 s3;
	_ =	sdelay $0x1  }
0xa1: {  	s23 =	simm.s32 $0x1B8B  }
0xa2: {  	_ =	swait.ge [sflag:s23], $0x1  }
0xa3: {  	[sflag:s23] =	ssyncset.done $0x0  }
0xa4: {  	s25 =	simm.s32 $0x1B8E;
	s24 =	sld [smem:$0x3FFE];
	[sflag:s23] =	ssyncadd.s32 $0xFFFFFFFF  }
0xa5: {  	s26 =	simm.s32 $execute0_lowered;
	[smem:$0x3FD2] =	sst s25  }
0xa6: {  	s4 =	sshll.u32 s26, $0x1;
	_ =	strace $0x8000004C;
	[dreg:$0x1] =	wrdreg $0xFFFFFFFF  }
0xa7: {  	s28 =	simm.s32 $_size_execute0_lowered;
	s2 =	sadd.s32 s2, s4;
	[dreg:$0x0] =	wrdreg $0x0  }
0xa8: {  	s4 =	sshll.u32 s28, $0x1;
	[dreg:$0x2] =	wrdreg s2  }
0xa9: {  	[dreg:$0x3] =	wrdreg s4  }
0xaa: {  	[dreg:$0x4] =	wrdreg $0xC0  }
0xab: {  	_ =	task [dreg:s6], $0x5FFFF  }
0xac: {  	[dreg:$0x1] =	wrdreg $0xFFFFFFFF  }
0xad: {  	[dreg:$0x0] =	wrdreg $0x60  }
0xae: {  	[dreg:$0x2] =	wrdreg s24  }
0xaf: {  	[dreg:$0x3] =	wrdreg $0x0  }
0xb0: {  	[dreg:$0x4] =	wrdreg $0x9  }
0xb1: {  	_ =	task.clear_ibuf [dreg:s6], $0x5FFFF;
	_ =	strace $0x9000004C  }
0xb2: {  	s29 =	simm.s32 $0x9;
	_ =	strace $0x8000004E  }
0xb3: {  	_ =	swait.ge [sflag:s29], $0x1  }
0xb4: {  	[sflag:s29] =	ssyncadd.s32 $0xFFFFFFFF  }
0xb5: {  	_ =	strace $0x9000004E  }
0xb6: {  	_ =	sfence  }
0xb7: {  	s30 =	sld [smem:$0x0];
	_ =	sdelay $0x2  }
0xb8: {  	s31 =	sshll.u32 s1, $0xD;
	s1 =	sshrl.u32 s1, $0x2  }
0xb9: {  	s3 =	sand.u32 $0x4000, s31;
	s1 =	sadd.s32 s1, s30  }
0xba: {  	s0 =	sor.u32 s3, s0;
	s1 =	sshll.u32 s1, $0x11  }
0xbb: {  	s0 =	sor.u32 s1, s0  }
0xbc: {  	s0 =	sadd.s32 $0x8F2B, s0  }
0xbd: {  	[sflag:s0] =	ssyncadd.remote.s32 $0x1  }
0xbe: {  	_ =	sfence.sel $0xFFFF  }
0xbf: {  	[dreg:$0x0] =	wrdreg $0xFFFFFFFF;
	(pc) =	sbr.abs _section_cstart, $3  }
0xc0: {  	[dreg:$0x1] =	wrdreg $0xFFFFFFFF  }
0xc1: {  	_ =	task.clear_ibuf [dreg:s6], $0x2FFFF;
	_ =	strace $0x9FFFFFFF  }
0xc2: {  	(tm) =	ssettm $0x7FFFFFFF  }
0xc3: {  	_ =	shalt  }
tec
execute0_lowered:
.L_overlay_start_1:
0x0: {  	(tag) =	ssettag $0x1  }
0x1: {  	s0 =	srdreg.scid;
	s6 =	rddreg [dreg:$0x0]  }
0x2: {  	s30 =	stileid.u32;
	s2 =	rddreg [dreg:$0x1]  }
0x3: {  	s3 =	simm.s32 $0x0;
	s11 =	simm.s32 $0x3;
	s14 =	simm.s32 $0x100  }
0x4: {  	s15 =	simm.s32 $0xEE00;
	s16 =	simm.s32 $0x5100;
	s17 =	simm.s32 $0x10E00  }
0x5: {  	s18 =	simm.s32 $0x12E00;
	s19 =	simm.s32 $0x5300;
	s20 =	simm.s32 $0x14E00  }
0x6: {  	s21 =	simm.s32 $0x1;
	s22 =	simm.s32 $0x2;
	s7 =	smul.u32 $0x4F00, s30  }
0x7: {  	s23 =	simm.s32 $0x0;
	s5 =	sand.u32 $0x1, s0;
	s8 =	smul.u32 $0x5000, s30  }
0x8: {  	[smem:$0x7FF] =	sst s3;
	s12 =	sshll.u32 s30, $0x6;
	s4 =	smul.u32 $0x4F000, s5  }
0x9: {  	s9 =	smul.u32 $0x50000, s5;
	_ =	strace $0x8000004D;
	s10 =	ssub.s32 $0x2, s5  }
0xa: {  	s5 =	sadd.s32 $0x19A00, s6;
	s12 =	sor.u32 $0x1C03, s12;
	s31 =	sshrl.u32 s10, $0x1  }
0xb: {  	s13 =	sadd.s32 s8, s2;
	s7 =	sadd.s32 s7, s4;
	s4 =	sadd.s32 $0x55800, s6  }
0xc: {  	s9 =	sadd.s32 s8, s9;
	s10 =	ssub.s32 s10, s31;
	s7 =	sshrl.u32 s7, $0x3  }
0xd: {  	s13 =	sshrl.u32 s13, $0x3;
	s9 =	sshrl.u32 s9, $0x3;
	s7 =	sadd.s32 s7, s6  }
0xe: {  	s9 =	sadd.s32 s9, s6;
	s6 =	sadd.s32 $0x5E00, s7;
	s7 =	sadd.s32 $0x177000, s7  }
0xf: {  	s8 =	sadd.s32 $0x69800, s9;
	s9 =	smax.u32 s10, $0x1;
	s10 =	simm.s32 $0x5000  }
.LBB2_1:
0x10: {  	[tilespmem:s10], [sflag:$0x3] =	stream.linear.gather [hbm4b:s6+s3], $0x4F00, $0x38;
	[tilespmem:$0x16E00] =	vst v63  }
0x11: {  	_ =	swait.ge [sflag:s11], $0x4F00  }
0x12: {  	[sflag:s11] =	ssyncset.done $0x0  }
0x13: {  	s24 =	simm.s32 $0x9F00;
	[sflag:s11] =	ssyncadd.s32 $0xFFFFB100  }
0x14: {  	[tilespmem:s24], [sflag:$0x3] =	stream.linear.gather [hbm4b:s7+s3], $0x4F00, $0x38;
	[tilespmem:$0x16E00] =	vst v63  }
0x15: {  	_ =	swait.ge [sflag:s11], $0x4F00  }
0x16: {  	[sflag:s11] =	ssyncset.done $0x0  }
0x17: {  	[sflag:s11] =	ssyncadd.s32 $0xFFFFB100  }
0x18: {  	[spmem:s13], [sflag:s12] =	dma.local [hbm:s5], $0xA00  }
0x19: {  	_ =	swait.ge [sflag:s11], $0xA00  }
0x1a: {  	[sflag:s11] =	ssyncset.done $0x0  }
0x1b: {  	[sflag:s11] =	ssyncadd.s32 $0xFFFFF600  }
0x1c: {  	[tilespmem:s15], [sflag:$0x1] =	stream.indirect.gather [hbm4b:s4+s14], $0x20, s10, s14, $0xb8;
	[tilespmem:$0x16E00] =	vst v63  }
0x1d: {  	_ = 	snop  }
0x1e: {  	[tilespmem:s17], [sflag:$0x1] =	stream.indirect.gather [hbm4b:s4+s14], $0x20, s16, s14, $0xb8;
	[tilespmem:$0x16E00] =	vst v63  }
0x1f: {  	s28 =	simm.s32 $0x5200  }
0x20: {  	[tilespmem:s18], [sflag:$0x1] =	stream.indirect.gather [hbm4b:s4+s14], $0x20, s28, s14, $0xb8;
	[tilespmem:$0x16E00] =	vst v63  }
0x21: {  	p0 =	por $0x1, $0x1  }
0x22: {  	[tilespmem:s20], [sflag:$0x1] =	stream.indirect.gather [hbm4b:s4+s14], $0x20, s19, s14, $0xb8;
	[tilespmem:$0x16E00] =	vst v63  }
0x23: {  	s29 =	simm.s32 @!p0 $0x2;
	s25 =	sand.u32 @!p0 $0x6000, s3;
	[bflag:$0x0] =	sbarrier.arrive $0xFFFF  }
0x24: {  	s26 =	sxor.u32 @!p0 $0x4000, s25;
	_ =	swait.ge @!p0 [sflag:s29], $0x2000  }
0x25: {  	s25 =	simm.s32 $0xFFFFFFFF;
	s30 =	sadd.s32 @!p0 $0xEE00, s26;
	[sflag:s29] =	ssyncset.done @!p0 $0x0  }
0x26: {  	s26 =	simm.s32 $0x8000;
	[sflag:s29] =	ssyncadd.s32 @!p0 $0xFFFFE000;
	s29 =	simm.s32 @!p0 $0x100  }
0x27: {  	[tilespmem:s30], [sflag:$0x1] =	stream.indirect.gather @!p0 [hbm4b:s4+s29], $0x20, s28, s29, $0xb8;
	[tilespmem:$0x16E00] =	vst v63  }
0x28: {  	s29 =	sand.u32 $0x18000, s3;
	s28 =	simm.s32 $0x5300;
	_ =	swait.ge [sflag:s21], $0x2000  }
0x29: {  	s30 =	sshrl.u32 s29, $0x2;
	s29 =	simm.s32 $0x2000;
	[sflag:s21] =	ssyncset.done $0x0  }
0x2a: {  	s31 =	sadd.s32 $0xEE00, s30;
	s30 =	simm.s32 $0xA000;
	[sflag:s21] =	ssyncadd.s32 $0xFFFFE000  }
.LBB2_2:
0x2b: {  	[spmem:s2] =	stream.indirect.scatter.add.f32 [tilespmem:s31], [sflag:$0x2], $0x20, s24, s14, $0xb8;
	[tilespmem:$0x16E00] =	vst v63  }
0x2c: {  	p1 =	sgt.u32 s25, $0x4A;
	s25 =	sadd.s32 $0x1, s25;
	s31 =	smov.u32 s26  }
0x2d: {  	s1 =	simm.s32 @!p1 $0x2;
	s24 =	sand.u32 @!p1 $0x6000, s29;
	p0 =	sne.s32 s25, $0x4D  }
0x2e: {  	s0 =	sxor.u32 @!p1 $0x4000, s24;
	s24 =	smov.u32 s30;
	_ =	swait.ge @!p1 [sflag:s1], $0x2000  }
0x2f: {  	s26 =	sadd.s32 $0x8000, s26;
	s0 =	sadd.s32 @!p1 $0xEE00, s0;
	[sflag:s1] =	ssyncset.done @!p1 $0x0  }
.Ltmp0:
0x30: {  	[sflag:s1] =	ssyncadd.s32 @!p1 $0xFFFFE000;
	s1 =	simm.s32 @!p1 $0x100;
	(pc) =	sbr.rel @p0 .LBB2_2-.Ltmp0, $4  }
0x31: {  	[tilespmem:s0], [sflag:$0x1] =	stream.indirect.gather @!p1 [hbm4b:s4+s1], $0x20, s28, s1, $0xb8;
	[tilespmem:$0x16E00] =	vst v63  }
0x32: {  	s0 =	sand.u32 $0x18000, s31;
	s28 =	sadd.s32 $0x100, s28;
	_ =	swait.ge [sflag:s21], $0x2000  }
0x33: {  	s29 =	sadd.s32 $0x2000, s29;
	s0 =	sshrl.u32 s0, $0x2;
	[sflag:s21] =	ssyncset.done $0x0  }
0x34: {  	s30 =	sadd.s32 $0x100, s30;
	s31 =	sadd.s32 $0xEE00, s0;
	[sflag:s21] =	ssyncadd.s32 $0xFFFFE000  }
0x35: {  	[spmem:s2] =	stream.indirect.scatter.add.f32 [tilespmem:s31], [sflag:$0x2], $0x20, s24, s14, $0xb8;
	[tilespmem:$0x16E00] =	vst v63  }
0x36: {  	_ =	swait.ge [sflag:s22], $0x2000  }
0x37: {  	[sflag:s22] =	ssyncset.done $0x0  }
0x38: {  	[sflag:s22] =	ssyncadd.s32 $0xFFFFE000  }
0x39: {  	_ =	swait.ge [sflag:s22], $0x2000  }
0x3a: {  	[sflag:s22] =	ssyncset.done $0x0  }
0x3b: {  	[sflag:s22] =	ssyncadd.s32 $0xFFFFE000  }
0x3c: {  	_ =	swait.ge [sflag:s22], $0x2000  }
0x3d: {  	[sflag:s22] =	ssyncset.done $0x0  }
0x3e: {  	[sflag:s22] =	ssyncadd.s32 $0xFFFFE000  }
0x3f: {  	_ =	swait.ge [sflag:s22], $0x2000  }
0x40: {  	s23 =	sadd.s32 $0x1, s23;
	[sflag:s22] =	ssyncset.done $0x0  }
0x41: {  	p0 =	sne.s32 s23, s9;
	[sflag:s22] =	ssyncadd.s32 $0xFFFFE000  }
.Ltmp1:
0x42: {  	[bflag:$0x0] =	sbarrier.arrive $0xFFFF;
	(pc) =	sbr.rel @p0 .LBB2_1-.Ltmp1, $4  }
0x43: {  	[hbm:s8], [sflag:s12] =	dma.local [spmem:s13], $0xA00  }
0x44: {  	_ =	swait.ge [sflag:s11], $0xA00  }
0x45: {  	[sflag:s11] =	ssyncset.done $0x0  }
0x46: {  	[sflag:s11] =	ssyncadd.s32 $0xFFFFF600  }
0x47: {  	_ =	sfence.sel $0x180000  }
0x48: {  	[bflag:$0x0] =	sbarrier.arrive $0xFFFF  }
0x49: {  	_ =	strace $0x9000004D  }
0x4a: {  	s0 =	stileid.u32;
	[bflag:$0x2] =	sbarrier.arrive $0xFFFF  }
0x4b: {  	p0 =	sne.s32 s0, $0x0;
	s0 =	rddreg [dreg:$0x2]  }
0x4c: {  	s0 =	sadd.s32 @!p0 $0x100000, s0  }
0x4d: {  	[sflag:s0] =	ssyncadd.tile.s32 @!p0 $0x1;
	_ =	shalt  }
.Lfunc_end2:
_tile_overlayer_lowered:
.L_overlay_start_2:
0x4e: {  	(tag) =	ssettag $0x2  }
0x4f: {  	s0 =	rddreg [dreg:$0x0];
	s2 =	stileid.u32  }
0x50: {  	s1 =	rddreg [dreg:$0x1];
	p0 =	sne.s32 s2, $0x0  }
0x51: {  	s3 =	rddreg [dreg:$0x2];
	[bflag:$0x3] =	sbarrier.arrive $0xFFFF;
	s2 =	simm.s32 @!p0 $0x1C03  }
0x52: {  	[timem:s3], [sflag:s2] =	dma.local @!p0 [hbm:s0], s1  }
0x53: {  	s0 =	simm.s32 @!p0 $0x3  }
0x54: {  	_ =	swait.ge @!p0 [sflag:s0], s1  }
0x55: {  	s1 =	ssub.s32 @!p0 $0x0, s1;
	[sflag:s0] =	ssyncset.done @!p0 $0x0  }
0x56: {  	[sflag:s0] =	ssyncadd.s32 @!p0 s1  }
0x57: {  	[bflag:$0x3] =	sbarrier.arrive $0xFFFF  }
0x58: {  	_ =	shalt  }

// kernel: kernel.20.cloned.1.call-start
scs
__scs_entry_jumppad:
0x0: {  	(pc) =	sbr.rel $0x88, $3  }
0x1: {  	(tag) =	ssettag $0x0;
	lr =	simm.s32 $0x1  }
0x2: {  	[smem:$0x3F8F] =	sst lr;
	_ =	strace $0xD0000000  }
0x3: {  	_ = 	snop  }
0x4: {  	_ = 	snop  }
0x5: {  	_ = 	snop  }
0x6: {  	_ = 	snop  }
0x7: {  	_ = 	snop  }
__scs_overlays_trampoline_lowered:
0x8: {  	[smem:$0x3F9E] =	sst s0  }
0x9: {  	[smem:$0x3F9F] =	sst s1  }
0xa: {  	[smem:$0x3FA0] =	sst s2  }
0xb: {  	[smem:$0x3FA1] =	sst s3  }
0xc: {  	[smem:$0x3FA2] =	sst s4  }
0xd: {  	[smem:$0x3FA3] =	sst s5  }
0xe: {  	[smem:$0x3FA4] =	sst s6  }
0xf: {  	[smem:$0x3FA5] =	sst s7  }
0x10: {  	[smem:$0x3FA6] =	sst s8  }
0x11: {  	[smem:$0x3FA7] =	sst s9;
	s0 =	simm.s32 @!p0 $0x0  }
0x12: {  	s1 =	sld [smem:$0x3F8D];
	s0 =	simm.s32 @p0 $0x1  }
0x13: {  	[smem:$0x3FA8] =	sst s0;
	s0 =	simm.s32 @!p1 $0x0  }
0x14: {  	s2 =	sld [smem:$0x3F8C];
	s0 =	simm.s32 @p1 $0x1  }
0x15: {  	[smem:$0x3FA9] =	sst s0;
	s0 =	simm.s32 @!p2 $0x0  }
0x16: {  	s3 =	sld [smem:$0x3FDB];
	s0 =	simm.s32 @p2 $0x1  }
0x17: {  	s4 =	simm.s32 $0x1BF5;
	[smem:$0x3FAB] =	sst s0  }
0x18: {  	s0 =	sld [smem:$0x3F8E];
	_ =	swait.ge [sflag:s4], $0x0  }
0x19: {  	s7 =	sld [smem:$0x3F8F]  }
0x1a: {  	s8 =	sadd.s32 $0xFFFFE003, lr  }
0x1b: {  	s9 =	sadd.s32 $0xFFFFFEF7, lr;
	s5 =	simm.s32 $0xFFFFFFFF;
	p2 =	slt.u32 s8, $0xFFFFF086  }
0x1c: {  	p1 =	slt.u32 s9, $0xF7A;
	s5 =	simm.s32 @!p2 $0x0  }
0x1d: {  	s5 =	simm.s32 @p1 $0x1;
	p0 =	seq.s32 s7, s2  }
0x1e: {  	s7 =	smul.u32 @!p0 $0xF7A, s2;
	p2 =	seq.s32 @!p0 s5, $0x0  }
0x1f: {  	s9 =	smul.u32 $0xF7A, s1;
	s8 =	simm.s32 @!p0 $0x1BF5;
	p2 =	por !p2, p0  }
0x20: {  	[sflag:s8] =	ssyncset.s32 @!p0 $0xFFFFF086;
	s6 =	sadd.s32 @!p0 s3, s7;
	s7 =	simm.s32 @!p0 $0x108  }
0x21: {  	s3 =	sadd.s32 s3, s9;
	s6 =	sadd.s32 @!p0 $0x88, s6;
	s7 =	simm.s32 @p2 $0x1082  }
0x22: {  	[simem:s7], [sflag:s8] =	dma.local @!p0 [hbm:s6], $0xF7A  }
0x23: {  	s9 =	sor.u32 $0xD0000000, s2;
	s6 =	simm.s32 $0x108;
	_ =	swait.ge @!p0 [sflag:s8], $0x0  }
0x24: {  	s3 =	sadd.s32 $0x88, s3;
	s6 =	simm.s32 @!p1 $0x1082;
	[sflag:s4] =	ssyncset.s32 $0xFFFFF086  }
0x25: {  	[simem:s6], [sflag:s4] =	dma.local [hbm:s3], $0xF7A  }
0x26: {  	[smem:$0x3F8F] =	sst s1;
	(tag) =	ssettag s2;
	_ =	strace s9  }
0x27: {  	s1 =	sld [smem:$0x3F9F]  }
0x28: {  	s2 =	sld [smem:$0x3FA0]  }
0x29: {  	s4 =	sld [smem:$0x3FA2]  }
0x2a: {  	p0 =	seq.s32 s5, $0x0;
	s5 =	sld [smem:$0x3FA3]  }
0x2b: {  	s6 =	sld [smem:$0x3FA4]  }
0x2c: {  	s7 =	sld [smem:$0x3FA5]  }
0x2d: {  	s3 =	simm.s32 $0x108;
	s8 =	sld [smem:$0x3FA6]  }
0x2e: {  	s3 =	simm.s32 @!p0 $0x1082;
	s9 =	sld [smem:$0x3FA7]  }
0x2f: {  	lr =	sadd.s32 s0, s3;
	s0 =	sld [smem:$0x3F9E]  }
0x30: {  	s3 =	sld [smem:$0x3FA1]  }
0x31: {  	[smem:$0x3FAA] =	sst s10  }
0x32: {  	s10 =	sld [smem:$0x3FA8];
	_ =	sdelay $0x3  }
0x33: {  	p0 =	seq.s32 s10, $0x1;
	s10 =	sld [smem:$0x3FAA];
	_ =	sdelay $0x3  }
0x34: {  	[smem:$0x3FAA] =	sst s10  }
0x35: {  	s10 =	sld [smem:$0x3FA9];
	_ =	sdelay $0x3  }
0x36: {  	p1 =	seq.s32 s10, $0x1;
	s10 =	sld [smem:$0x3FAA];
	_ =	sdelay $0x3  }
0x37: {  	[smem:$0x3FAA] =	sst s10  }
0x38: {  	s10 =	sld [smem:$0x3FAB]  }
0x39: {  	_ = 	snop;
	(pc) =	sbr.ind lr, $3  }
0x3a: {  	_ = 	snop  }
0x3b: {  	_ = 	snop  }
0x3c: {  	p2 =	seq.s32 s10, $0x1;
	s10 =	sld [smem:$0x3FAA]  }
0x3d: {  	_ =	shalt  }
0x3e: {  	_ =	shalt  }
0x3f: {  	_ =	shalt  }
0x40: {  	_ =	shalt  }
0x41: {  	_ =	shalt  }
0x42: {  	_ =	shalt  }
0x43: {  	_ =	shalt  }
0x44: {  	_ =	shalt  }
0x45: {  	_ =	shalt  }
0x46: {  	_ =	shalt  }
0x47: {  	_ =	shalt  }
0x48: {  	_ =	shalt  }
0x49: {  	_ =	shalt  }
0x4a: {  	_ =	shalt  }
0x4b: {  	_ =	shalt  }
0x4c: {  	_ =	shalt  }
0x4d: {  	_ =	shalt  }
0x4e: {  	_ =	shalt  }
0x4f: {  	_ =	shalt  }
0x50: {  	_ =	shalt  }
0x51: {  	_ =	shalt  }
0x52: {  	_ =	shalt  }
0x53: {  	_ =	shalt  }
0x54: {  	_ =	shalt  }
0x55: {  	_ =	shalt  }
0x56: {  	_ =	shalt  }
0x57: {  	_ =	shalt  }
0x58: {  	_ =	shalt  }
0x59: {  	_ =	shalt  }
0x5a: {  	_ =	shalt  }
0x5b: {  	_ =	shalt  }
0x5c: {  	_ =	shalt  }
0x5d: {  	_ =	shalt  }
0x5e: {  	_ =	shalt  }
0x5f: {  	_ =	shalt  }
0x60: {  	_ =	shalt  }
0x61: {  	_ =	shalt  }
0x62: {  	_ =	shalt  }
0x63: {  	_ =	shalt  }
0x64: {  	_ =	shalt  }
0x65: {  	_ =	shalt  }
0x66: {  	_ =	shalt  }
0x67: {  	_ =	shalt  }
0x68: {  	_ =	shalt  }
0x69: {  	_ =	shalt  }
0x6a: {  	_ =	shalt  }
0x6b: {  	_ =	shalt  }
0x6c: {  	_ =	shalt  }
0x6d: {  	_ =	shalt  }
0x6e: {  	_ =	shalt  }
0x6f: {  	_ =	shalt  }
0x70: {  	_ =	shalt  }
0x71: {  	_ =	shalt  }
0x72: {  	_ =	shalt  }
0x73: {  	_ =	shalt  }
0x74: {  	_ =	shalt  }
0x75: {  	_ =	shalt  }
0x76: {  	_ =	shalt  }
0x77: {  	_ =	shalt  }
0x78: {  	_ =	shalt  }
0x79: {  	_ =	shalt  }
0x7a: {  	_ =	shalt  }
0x7b: {  	_ =	shalt  }
0x7c: {  	_ =	shalt  }
0x7d: {  	_ =	shalt  }
0x7e: {  	_ =	shalt  }
0x7f: {  	_ =	shalt  }
0x80: {  	_ =	shalt  }
0x81: {  	_ =	shalt  }
0x82: {  	_ =	shalt  }
0x83: {  	_ =	shalt  }
0x84: {  	_ =	shalt  }
0x85: {  	_ =	shalt  }
0x86: {  	_ =	shalt  }
0x87: {  	_ =	shalt  }
.Lfunc_end0:
.L_simem_size_0:
called_computation.3_lowered:
.L_overlay_start_0:
0x88: {  	s2 =	sld [smem:$0x3FD9]  }
0x89: {  	s3 =	sld [smem:$0x3FFE];
	_ =	sdelay $0x1  }
0x8a: {  	s1 =	srdreg.scid  }
0x8b: {  	s0 =	sand.u32 $0x1, s1  }
0x8c: {  	s16 =	sshll.u32 s0, $0xA;
	s2 =	sadd.s32 s3, s2  }
0x8d: {  	s2 =	sadd.s32 s2, s16  }
0x8e: {  	[smem:$0x3FB6] =	sst s2  }
0x8f: {  	_ = 	snop  }
0x90: {  	(tm) =	ssettm $0x1  }
0x91: {  	s17 =	sld [smem:$0x3FFB];
	_ =	sdelay $0x3  }
0x92: {  	_ =	strace s17  }
0x93: {  	s2 =	sld [smem:$0x3FFC];
	_ =	sdelay $0x3  }
0x94: {  	_ =	strace s2  }
0x95: {  	s2 =	sld [smem:$0x3FFD];
	_ =	sdelay $0x3  }
0x96: {  	_ =	strace s2  }
0x97: {  	_ =	strace $0x8FFFFFFF  }
0x98: {  	s18 =	sld [smem:$0x3FDB];
	_ =	sdelay $0x1  }
0x99: {  	s19 =	simm.s32 $_scs_section_size  }
0x9a: {  	s4 =	simm.s32 $_size__tile_overlayer_lowered;
	s5 =	simm.s32 $_tile_overlayer_lowered  }
0x9b: {  	s22 =	simm.s32 $0x1BFF;
	s21 =	sshll.u32 s5, $0x1;
	s2 =	sadd.s32 s19, s18  }
0x9c: {  	s6 =	simm.s32 $0x0;
	s20 =	sshll.u32 s4, $0x1;
	s4 =	sadd.s32 s21, s2  }
0x9d: {  	[timem:s6], [sflag:s22] =	dma.local [hbm:s4], s20  }
0x9e: {  	_ =	swait.ge [sflag:s22], s20  }
0x9f: {  	s3 =	ssub.s32 $0x0, s20;
	[sflag:s22] =	ssyncset.done $0x0  }
0xa0: {  	[sflag:s22] =	ssyncadd.s32 s3;
	_ =	sdelay $0x1  }
0xa1: {  	s23 =	simm.s32 $0x1B8B  }
0xa2: {  	_ =	swait.ge [sflag:s23], $0x1  }
0xa3: {  	[sflag:s23] =	ssyncset.done $0x0  }
0xa4: {  	s25 =	simm.s32 $0x1B8E;
	s24 =	sld [smem:$0x3FFE];
	[sflag:s23] =	ssyncadd.s32 $0xFFFFFFFF  }
0xa5: {  	s26 =	simm.s32 $execute0_lowered;
	[smem:$0x3FD2] =	sst s25  }
0xa6: {  	s4 =	sshll.u32 s26, $0x1;
	_ =	strace $0x8000004F;
	[dreg:$0x1] =	wrdreg $0xFFFFFFFF  }
0xa7: {  	s28 =	simm.s32 $_size_execute0_lowered;
	s2 =	sadd.s32 s2, s4;
	[dreg:$0x0] =	wrdreg $0x0  }
0xa8: {  	s4 =	sshll.u32 s28, $0x1;
	[dreg:$0x2] =	wrdreg s2  }
0xa9: {  	[dreg:$0x3] =	wrdreg s4  }
0xaa: {  	[dreg:$0x4] =	wrdreg $0xC0  }
0xab: {  	_ =	task [dreg:s6], $0x5FFFF  }
0xac: {  	[dreg:$0x1] =	wrdreg $0xFFFFFFFF  }
0xad: {  	[dreg:$0x0] =	wrdreg $0x60  }
0xae: {  	[dreg:$0x2] =	wrdreg s24  }
0xaf: {  	[dreg:$0x3] =	wrdreg $0x0  }
0xb0: {  	[dreg:$0x4] =	wrdreg $0x9  }
0xb1: {  	_ =	task.clear_ibuf [dreg:s6], $0x5FFFF;
	_ =	strace $0x9000004F  }
0xb2: {  	s29 =	simm.s32 $0x9;
	_ =	strace $0x80000051  }
0xb3: {  	_ =	swait.ge [sflag:s29], $0x1  }
0xb4: {  	[sflag:s29] =	ssyncadd.s32 $0xFFFFFFFF  }
0xb5: {  	_ =	strace $0x90000051  }
0xb6: {  	_ =	sfence  }
0xb7: {  	s30 =	sld [smem:$0x0];
	_ =	sdelay $0x2  }
0xb8: {  	s31 =	sshll.u32 s1, $0xD;
	s1 =	sshrl.u32 s1, $0x2  }
0xb9: {  	s3 =	sand.u32 $0x4000, s31;
	s1 =	sadd.s32 s1, s30  }
0xba: {  	s0 =	sor.u32 s3, s0;
	s1 =	sshll.u32 s1, $0x11  }
0xbb: {  	s0 =	sor.u32 s1, s0  }
0xbc: {  	s0 =	sadd.s32 $0x8F2B, s0  }
0xbd: {  	[sflag:s0] =	ssyncadd.remote.s32 $0x1  }
0xbe: {  	_ =	sfence.sel $0xFFFF  }
0xbf: {  	[dreg:$0x0] =	wrdreg $0xFFFFFFFF;
	(pc) =	sbr.abs _section_cstart, $3  }
0xc0: {  	[dreg:$0x1] =	wrdreg $0xFFFFFFFF  }
0xc1: {  	_ =	task.clear_ibuf [dreg:s6], $0x2FFFF;
	_ =	strace $0x9FFFFFFF  }
0xc2: {  	(tm) =	ssettm $0x7FFFFFFF  }
0xc3: {  	_ =	shalt  }
tec
execute0_lowered:
.L_overlay_start_1:
0x0: {  	(tag) =	ssettag $0x1  }
0x1: {  	s0 =	srdreg.scid;
	s6 =	rddreg [dreg:$0x0]  }
0x2: {  	s30 =	stileid.u32;
	s2 =	rddreg [dreg:$0x1]  }
0x3: {  	s3 =	simm.s32 $0x0;
	s11 =	simm.s32 $0x3;
	s14 =	simm.s32 $0x200  }
0x4: {  	s15 =	simm.s32 $0xC800;
	s16 =	simm.s32 $0x2A00;
	s17 =	simm.s32 $0xE800  }
0x5: {  	s18 =	simm.s32 $0x10800;
	s19 =	simm.s32 $0x2E00;
	s20 =	simm.s32 $0x12800  }
0x6: {  	s21 =	simm.s32 $0x1;
	s22 =	simm.s32 $0x2;
	s7 =	smul.u32 $0x5000, s30  }
0x7: {  	s23 =	simm.s32 $0x0;
	s5 =	sand.u32 $0x1, s0;
	s8 =	smul.u32 $0x2800, s30  }
0x8: {  	[smem:$0x7FF] =	sst s3;
	s12 =	sshll.u32 s30, $0x6;
	s4 =	smul.u32 $0x50000, s5  }
0x9: {  	s9 =	smul.u32 $0x28000, s5;
	_ =	strace $0x80000050;
	s10 =	ssub.s32 $0x2, s5  }
0xa: {  	s5 =	sadd.s32 $0x55200, s6;
	s12 =	sor.u32 $0x1C03, s12;
	s31 =	sshrl.u32 s10, $0x1  }
0xb: {  	s13 =	sadd.s32 s8, s2;
	s7 =	sadd.s32 s7, s4;
	s4 =	sadd.s32 $0x2E400, s6  }
0xc: {  	s9 =	sadd.s32 s8, s9;
	s10 =	ssub.s32 s10, s31;
	s7 =	sshrl.u32 s7, $0x3  }
0xd: {  	s13 =	sshrl.u32 s13, $0x3;
	s9 =	sshrl.u32 s9, $0x3;
	s7 =	sadd.s32 s7, s6  }
0xe: {  	s9 =	sadd.s32 s9, s6;
	s6 =	sadd.s32 $0x1A400, s7;
	s7 =	sadd.s32 $0x41200, s7  }
0xf: {  	s8 =	sadd.s32 $0x5E00, s9;
	s9 =	smax.u32 s10, $0x1;
	s10 =	simm.s32 $0x2800  }
.LBB2_1:
0x10: {  	[tilespmem:s10], [sflag:$0x3] =	stream.linear.gather [hbm4b:s6+s3], $0x5000, $0x38;
	[tilespmem:$0x14800] =	vst v63  }
0x11: {  	_ =	swait.ge [sflag:s11], $0x5000  }
0x12: {  	[sflag:s11] =	ssyncset.done $0x0  }
0x13: {  	s24 =	simm.s32 $0x7800;
	[sflag:s11] =	ssyncadd.s32 $0xFFFFB000  }
0x14: {  	[tilespmem:s24], [sflag:$0x3] =	stream.linear.gather [hbm4b:s7+s3], $0x5000, $0x38;
	[tilespmem:$0x14800] =	vst v63  }
0x15: {  	_ =	swait.ge [sflag:s11], $0x5000  }
0x16: {  	[sflag:s11] =	ssyncset.done $0x0  }
0x17: {  	[sflag:s11] =	ssyncadd.s32 $0xFFFFB000  }
0x18: {  	[spmem:s13], [sflag:s12] =	dma.local [hbm:s5], $0x500  }
0x19: {  	_ =	swait.ge [sflag:s11], $0x500  }
0x1a: {  	[sflag:s11] =	ssyncset.done $0x0  }
0x1b: {  	[sflag:s11] =	ssyncadd.s32 $0xFFFFFB00  }
0x1c: {  	[tilespmem:s15], [sflag:$0x1] =	stream.indirect.gather [hbm4b:s4+s14], $0x10, s10, s14, $0xb8;
	[tilespmem:$0x14800] =	vst v63  }
0x1d: {  	_ = 	snop  }
0x1e: {  	[tilespmem:s17], [sflag:$0x1] =	stream.indirect.gather [hbm4b:s4+s14], $0x10, s16, s14, $0xb8;
	[tilespmem:$0x14800] =	vst v63  }
0x1f: {  	s28 =	simm.s32 $0x2C00  }
0x20: {  	[tilespmem:s18], [sflag:$0x1] =	stream.indirect.gather [hbm4b:s4+s14], $0x10, s28, s14, $0xb8;
	[tilespmem:$0x14800] =	vst v63  }
0x21: {  	p0 =	por $0x1, $0x1  }
0x22: {  	[tilespmem:s20], [sflag:$0x1] =	stream.indirect.gather [hbm4b:s4+s14], $0x10, s19, s14, $0xb8;
	[tilespmem:$0x14800] =	vst v63  }
0x23: {  	s29 =	simm.s32 @!p0 $0x2;
	s25 =	sand.u32 @!p0 $0x6000, s3;
	[bflag:$0x0] =	sbarrier.arrive $0xFFFF  }
0x24: {  	s26 =	sxor.u32 @!p0 $0x4000, s25;
	_ =	swait.ge @!p0 [sflag:s29], $0x2000  }
0x25: {  	s25 =	simm.s32 $0xFFFFFFFF;
	s30 =	sadd.s32 @!p0 $0xC800, s26;
	[sflag:s29] =	ssyncset.done @!p0 $0x0  }
0x26: {  	s26 =	simm.s32 $0x8000;
	[sflag:s29] =	ssyncadd.s32 @!p0 $0xFFFFE000;
	s29 =	simm.s32 @!p0 $0x200  }
0x27: {  	[tilespmem:s30], [sflag:$0x1] =	stream.indirect.gather @!p0 [hbm4b:s4+s29], $0x10, s28, s29, $0xb8;
	[tilespmem:$0x14800] =	vst v63  }
0x28: {  	s29 =	sand.u32 $0x18000, s3;
	s28 =	simm.s32 $0x2E00;
	_ =	swait.ge [sflag:s21], $0x2000  }
0x29: {  	s30 =	sshrl.u32 s29, $0x2;
	s29 =	simm.s32 $0x2000;
	[sflag:s21] =	ssyncset.done $0x0  }
0x2a: {  	s31 =	sadd.s32 $0xC800, s30;
	s30 =	simm.s32 $0x7A00;
	[sflag:s21] =	ssyncadd.s32 $0xFFFFE000  }
.LBB2_2:
0x2b: {  	[spmem:s2] =	stream.indirect.scatter.add.f32 [tilespmem:s31], [sflag:$0x2], $0x10, s24, s14, $0xb8;
	[tilespmem:$0x14800] =	vst v63  }
0x2c: {  	p1 =	sgt.u32 s25, $0x23;
	s25 =	sadd.s32 $0x1, s25;
	s31 =	smov.u32 s26  }
0x2d: {  	s1 =	simm.s32 @!p1 $0x2;
	s24 =	sand.u32 @!p1 $0x6000, s29;
	p0 =	sne.s32 s25, $0x26  }
0x2e: {  	s0 =	sxor.u32 @!p1 $0x4000, s24;
	s24 =	smov.u32 s30;
	_ =	swait.ge @!p1 [sflag:s1], $0x2000  }
0x2f: {  	s26 =	sadd.s32 $0x8000, s26;
	s0 =	sadd.s32 @!p1 $0xC800, s0;
	[sflag:s1] =	ssyncset.done @!p1 $0x0  }
.Ltmp0:
0x30: {  	[sflag:s1] =	ssyncadd.s32 @!p1 $0xFFFFE000;
	s1 =	simm.s32 @!p1 $0x200;
	(pc) =	sbr.rel @p0 .LBB2_2-.Ltmp0, $4  }
0x31: {  	[tilespmem:s0], [sflag:$0x1] =	stream.indirect.gather @!p1 [hbm4b:s4+s1], $0x10, s28, s1, $0xb8;
	[tilespmem:$0x14800] =	vst v63  }
0x32: {  	s0 =	sand.u32 $0x18000, s31;
	s28 =	sadd.s32 $0x200, s28;
	_ =	swait.ge [sflag:s21], $0x2000  }
0x33: {  	s29 =	sadd.s32 $0x2000, s29;
	s0 =	sshrl.u32 s0, $0x2;
	[sflag:s21] =	ssyncset.done $0x0  }
0x34: {  	s30 =	sadd.s32 $0x200, s30;
	s31 =	sadd.s32 $0xC800, s0;
	[sflag:s21] =	ssyncadd.s32 $0xFFFFE000  }
0x35: {  	[spmem:s2] =	stream.indirect.scatter.add.f32 [tilespmem:s31], [sflag:$0x2], $0x10, s24, s14, $0xb8;
	[tilespmem:$0x14800] =	vst v63  }
0x36: {  	_ =	swait.ge [sflag:s22], $0x2000  }
0x37: {  	[sflag:s22] =	ssyncset.done $0x0  }
0x38: {  	[sflag:s22] =	ssyncadd.s32 $0xFFFFE000  }
0x39: {  	_ =	swait.ge [sflag:s22], $0x2000  }
0x3a: {  	[sflag:s22] =	ssyncset.done $0x0  }
0x3b: {  	[sflag:s22] =	ssyncadd.s32 $0xFFFFE000  }
0x3c: {  	_ =	swait.ge [sflag:s22], $0x2000  }
0x3d: {  	[sflag:s22] =	ssyncset.done $0x0  }
0x3e: {  	[sflag:s22] =	ssyncadd.s32 $0xFFFFE000  }
0x3f: {  	_ =	swait.ge [sflag:s22], $0x2000  }
0x40: {  	s23 =	sadd.s32 $0x1, s23;
	[sflag:s22] =	ssyncset.done $0x0  }
0x41: {  	p0 =	sne.s32 s23, s9;
	[sflag:s22] =	ssyncadd.s32 $0xFFFFE000  }
.Ltmp1:
0x42: {  	[bflag:$0x0] =	sbarrier.arrive $0xFFFF;
	(pc) =	sbr.rel @p0 .LBB2_1-.Ltmp1, $4  }
0x43: {  	[hbm:s8], [sflag:s12] =	dma.local [spmem:s13], $0x500  }
0x44: {  	_ =	swait.ge [sflag:s11], $0x500  }
0x45: {  	[sflag:s11] =	ssyncset.done $0x0  }
0x46: {  	[sflag:s11] =	ssyncadd.s32 $0xFFFFFB00  }
0x47: {  	_ =	sfence.sel $0x180000  }
0x48: {  	[bflag:$0x0] =	sbarrier.arrive $0xFFFF  }
0x49: {  	_ =	strace $0x90000050  }
0x4a: {  	s0 =	stileid.u32;
	[bflag:$0x2] =	sbarrier.arrive $0xFFFF  }
0x4b: {  	p0 =	sne.s32 s0, $0x0;
	s0 =	rddreg [dreg:$0x2]  }
0x4c: {  	s0 =	sadd.s32 @!p0 $0x100000, s0  }
0x4d: {  	[sflag:s0] =	ssyncadd.tile.s32 @!p0 $0x1;
	_ =	shalt  }
.Lfunc_end2:
_tile_overlayer_lowered:
.L_overlay_start_2:
0x4e: {  	(tag) =	ssettag $0x2  }
0x4f: {  	s0 =	rddreg [dreg:$0x0];
	s2 =	stileid.u32  }
0x50: {  	s1 =	rddreg [dreg:$0x1];
	p0 =	sne.s32 s2, $0x0  }
0x51: {  	s3 =	rddreg [dreg:$0x2];
	[bflag:$0x3] =	sbarrier.arrive $0xFFFF;
	s2 =	simm.s32 @!p0 $0x1C03  }
0x52: {  	[timem:s3], [sflag:s2] =	dma.local @!p0 [hbm:s0], s1  }
0x53: {  	s0 =	simm.s32 @!p0 $0x3  }
0x54: {  	_ =	swait.ge @!p0 [sflag:s0], s1  }
0x55: {  	s1 =	ssub.s32 @!p0 $0x0, s1;
	[sflag:s0] =	ssyncset.done @!p0 $0x0  }
0x56: {  	[sflag:s0] =	ssyncadd.s32 @!p0 s1  }
0x57: {  	[bflag:$0x3] =	sbarrier.arrive $0xFFFF  }
0x58: {  	_ =	shalt  }

</sc_bundles>
